<compile_context>
chip_gen: v7x
topology: tpu7x:2x2x1
jax: 0.10.2.dev20260603
libtpu: 0.0.44.dev20260713+nightly
codegen_flags: <defaults>
</compile_context>

<pallas_src>
import jax
import jax.numpy as jnp
from jax import lax
from jax.experimental import pallas as pl
from jax.experimental.pallas import tpu as pltpu
from jax.experimental.pallas import tpu_sc as plsc

BATCH = 4096
MAXLEN = 200
EMBED = 64

NC = 2
NS = 16
NW = NC * NS

BW = BATCH // NW
L = 16
HALF = 32
TPAD = 132
NBUF = 2


def _body(xt_hbm, table_hbm, pos_hbm, out_hbm,
          pos_v, idxr_v, idx2_v, g_v, t_v, gsem, osem):
  wid = lax.axis_index("s") * NC + lax.axis_index("c")
  b0 = wid * BW

  pltpu.sync_copy(pos_hbm, pos_v)

  iota = lax.iota(jnp.int32, L)
  rows_c = [v * L + iota for v in range(EMBED // L)]

  def build_idx(l, b):
    pltpu.sync_copy(xt_hbm.at[l, pl.ds(b0, BW)], idxr_v)
    idx2 = idx2_v[b]
    for v in range(BW // L):
      iv = idxr_v[pl.ds(v * L, L)] * 2
      pos2 = (v * L + iota) * 2
      plsc.store_scatter(idx2, [pos2], iv)
      plsc.store_scatter(idx2, [pos2 + 1], iv + 1)

  def start_gather(b):
    pltpu.async_copy(table_hbm.at[idx2_v[b].at[pl.ds(0, BW)]],
                     g_v[b].at[pl.ds(0, BW)], gsem[b])
    pltpu.async_copy(table_hbm.at[idx2_v[b].at[pl.ds(BW, BW)]],
                     g_v[b].at[pl.ds(BW, BW)], gsem[b])

  def wait_gather(b):
    pltpu.make_async_copy(table_hbm.at[idx2_v[b].at[pl.ds(0, BW)]],
                          g_v[b].at[pl.ds(0, BW)], gsem[b]).wait()
    pltpu.make_async_copy(table_hbm.at[idx2_v[b].at[pl.ds(BW, BW)]],
                          g_v[b].at[pl.ds(BW, BW)], gsem[b]).wait()

  def corner_turn(l, b):
    g, t = g_v[b], t_v[b]
    pos_l = [pos_v[l, pl.ds(v * L, L)] for v in range(EMBED // L)]
    te_c = [r // 8 for r in rows_c]
    ee_c = [r % 8 for r in rows_c]

    JB = 4
    NV = EMBED // L

    @pl.loop(0, BW, step=JB)
    def _(j0):
      js = [j0 + u for u in range(JB)]
      cols = [jnp.full((L,), j, jnp.int32) for j in js]
      vals = [[g[2 * j + v // 2, pl.ds((v % 2) * L, L)] for v in range(NV)]
              for j in js]
      sums = [[vals[u][v] + pos_l[v] for v in range(NV)] for u in range(JB)]
      for u in range(JB):
        for v in range(NV):
          plsc.store_scatter(t, [te_c[v], ee_c[v], cols[u]], sums[u][v])

  def start_out(l, b):
    pltpu.async_copy(t_v[b].at[:, :, pl.ds(0, BW)],
                     out_hbm.at[l, :, wid, :, :], osem[b])

  def wait_out(l, b):
    pltpu.make_async_copy(t_v[b].at[:, :, pl.ds(0, BW)],
                          out_hbm.at[l, :, wid, :, :], osem[b]).wait()

  def stage(l, b):
    wait_out(l - NBUF, b)
    build_idx(l, b)
    start_gather(b)
    p = (b + 1) % NBUF
    wait_gather(p)
    corner_turn(l - (NBUF - 1), p)
    start_out(l - (NBUF - 1), p)

  for l in range(NBUF):
    build_idx(l, l)
    start_gather(l)
  wait_gather(0)
  corner_turn(0, 0)
  start_out(0, 0)

  @pl.loop(NBUF, MAXLEN, step=NBUF)
  def _(l):
    for j in range(NBUF):
      stage(l + j, j)

  for m in range(MAXLEN - NBUF + 1, MAXLEN):
    b = m % NBUF
    wait_gather(b)
    corner_turn(m, b)
    start_out(m, b)
  for m in range(MAXLEN - NBUF, MAXLEN):
    wait_out(m, m % NBUF)


@jax.jit
def _embed(xt, table2, pos_table):
  mesh = plsc.VectorSubcoreMesh(
      core_axis_name="c", subcore_axis_name="s", num_cores=NC, num_subcores=NS)
  k = pl.kernel(
      _body,
      out_type=jax.ShapeDtypeStruct((MAXLEN, 8, BATCH // 128, 8, 128),
                                    jnp.float32),
      mesh=mesh,
      compiler_params=pltpu.CompilerParams(
          use_tc_tiling_on_sc=False, needs_layout_passes=False),
      scratch_types=[
          pltpu.VMEM((MAXLEN, EMBED), jnp.float32),
          pltpu.VMEM((BW,), jnp.int32),
          [pltpu.VMEM((2 * BW,), jnp.int32) for _ in range(NBUF)],
          [pltpu.VMEM((2 * BW, HALF), jnp.float32) for _ in range(NBUF)],
          [pltpu.VMEM((8, 8, TPAD), jnp.float32) for _ in range(NBUF)],
          [pltpu.SemaphoreType.DMA for _ in range(NBUF)],
          [pltpu.SemaphoreType.DMA for _ in range(NBUF)],
      ],
  )
  return k(xt, table2, pos_table)


def kernel(x, token_table, pos_table):
  xt = x.astype(jnp.int32).T
  table2 = token_table.reshape(2 * token_table.shape[0], HALF)
  out5 = _embed(xt, table2, pos_table)
  return jnp.transpose(out5, (2, 4, 0, 1, 3)).reshape(BATCH, MAXLEN, EMBED)

# --- scband reference (transcript-rebuilt; emitter-appended) ---
"""Pipeline reference for scband-token-and-position-embedding-16999480558158 (READ-ONLY COPY).

The authoritative reference and input builder live on the scoring server;
editing this copy changes nothing except your own understanding.
"""

import jax, jax.numpy as jnp
import numpy as np

MAXLEN = 200
VOCAB = 1000000
EMBED = 64
BATCH = 4096

def setup_inputs(seed: int = 0) -> dict:
    key = jax.random.key(seed)
    k1, k2, k3 = jax.random.split(key, 3)
    x = jax.random.randint(k1, (BATCH, MAXLEN), 0, VOCAB, dtype=jnp.int64 if jax.config.jax_enable_x64 else jnp.int32)
    token_table = jax.random.normal(k2, (VOCAB, EMBED), dtype=jnp.float32) * 0.02
    pos_table = jax.random.normal(k3, (MAXLEN, EMBED), dtype=jnp.float32) * 0.02
    return {"x": x, "token_table": token_table, "pos_table": pos_table}

def reference(x, token_table, pos_table):
    seqlen = x.shape[-1]
    positions = jnp.arange(0, seqlen)
    pos_emb = jnp.take(pos_table, positions, axis=0)  # [L, E]
    tok_emb = jnp.take(token_table, x, axis=0)        # [B, L, E]
    return tok_emb + pos_emb[None, :, :]

if __name__ == "__main__":
    import jax
    _d = setup_inputs()
    print(jax.jit(kernel)(*tuple(_d.values())))

</pallas_src>

<mosaic_0001>
#map = affine_map<(d0, d1) -> (0, 0)>
#map1 = affine_map<(d0, d1) -> (0, 0, 0, 0, 0)>
module attributes {stable_mosaic.version = 14 : i64} {
  func.func @_body(%arg0: i32, %arg1: i32, %arg2: memref<200x4096xi32, #tpu.memory_space<hbm>>, %arg3: memref<2000000x32xf32, #tpu.memory_space<hbm>>, %arg4: memref<200x64xf32, #tpu.memory_space<hbm>>, %arg5: memref<200x8x32x8x128xf32, #tpu.memory_space<hbm>>, %arg6: memref<200x64xf32, #tpu.memory_space<vmem>>, %arg7: memref<128xi32, #tpu.memory_space<vmem>>, %arg8: memref<256xi32, #tpu.memory_space<vmem>>, %arg9: memref<256xi32, #tpu.memory_space<vmem>>, %arg10: memref<256x32xf32, #tpu.memory_space<vmem>>, %arg11: memref<256x32xf32, #tpu.memory_space<vmem>>, %arg12: memref<8x8x132xf32, #tpu.memory_space<vmem>>, %arg13: memref<8x8x132xf32, #tpu.memory_space<vmem>>, %arg14: memref<!tpu.dma_semaphore, #tpu.memory_space<semaphore_mem>>, %arg15: memref<!tpu.dma_semaphore, #tpu.memory_space<semaphore_mem>>, %arg16: memref<!tpu.dma_semaphore, #tpu.memory_space<semaphore_mem>>, %arg17: memref<!tpu.dma_semaphore, #tpu.memory_space<semaphore_mem>>) attributes {dimension_semantics = [#tpu.dimension_semantics<core_parallel>, #tpu.dimension_semantics<subcore_parallel>], iteration_bounds = array<i64: 2, 16>, scalar_prefetch = 0 : i64, scratch_operands = 12 : i64, tpu.core_type = #tpu.core_type<sc_vector_subcore>, window_params = [{transform_indices = #map}, {transform_indices = #map}, {transform_indices = #map}, {transform_indices = #map1}]} {
    %mul3A = arith.constant 2 : i32
    %mul3A_0 = arith.muli %arg1, %mul3A : i32
    %add3A = arith.addi %mul3A_0, %arg0 : i32
    %mul3A_1 = arith.constant 128 : i32
    %mul3A_2 = arith.muli %add3A, %mul3A_1 : i32
    "tpu.region"() ({
      %run_scoped3A_885 = tpu.sem_alloc : memref<!tpu.dma_semaphore, #tpu.memory_space<semaphore_mem>>
      tpu.enqueue_dma source(%arg4 : memref<200x64xf32, #tpu.memory_space<hbm>>) target(%arg6 : memref<200x64xf32, #tpu.memory_space<vmem>>) target_semaphore(%run_scoped3A_885 : memref<!tpu.dma_semaphore, #tpu.memory_space<semaphore_mem>>)
      tpu.wait_dma2 semaphore(%run_scoped3A_885 : memref<!tpu.dma_semaphore, #tpu.memory_space<semaphore_mem>>) src(%arg4 : memref<200x64xf32, #tpu.memory_space<hbm>>) dst(%arg6 : memref<200x64xf32, #tpu.memory_space<vmem>>)
      tpu.yield
    }) : () -> ()
    %iota3A = tpu.iota {dimensions = array<i32: 0>} : vector<16xi32>
    %add3A_3 = arith.constant 0 : i32
    %add3A_4 = vector.broadcast %add3A_3 : i32 to vector<16xi32>
    %add3A_5 = arith.addi %add3A_4, %iota3A : vector<16xi32>
    %add3A_6 = arith.constant 16 : i32
    %add3A_7 = vector.broadcast %add3A_6 : i32 to vector<16xi32>
    %add3A_8 = arith.addi %add3A_7, %iota3A : vector<16xi32>
    %add3A_9 = arith.constant 32 : i32
    %add3A_10 = vector.broadcast %add3A_9 : i32 to vector<16xi32>
    %add3A_11 = arith.addi %add3A_10, %iota3A : vector<16xi32>
    %add3A_12 = arith.constant 48 : i32
    %add3A_13 = vector.broadcast %add3A_12 : i32 to vector<16xi32>
    %add3A_14 = arith.addi %add3A_13, %iota3A : vector<16xi32>
    %run_scoped3A = arith.constant 0 : i32
    "tpu.region"() ({
      %run_scoped3A_885 = tpu.sem_alloc : memref<!tpu.dma_semaphore, #tpu.memory_space<semaphore_mem>>
      %dma_start3A_886 = tpu.memref_slice %arg2[%run_scoped3A, %mul3A_2] : memref<200x4096xi32, #tpu.memory_space<hbm>> -> memref<1x128xi32, #tpu.memory_space<hbm>>
      %dma_start3A_887 = tpu.memref_squeeze %dma_start3A_886 : memref<1x128xi32, #tpu.memory_space<hbm>> -> memref<128xi32, #tpu.memory_space<hbm>>
      %dma_start3A_888 = tpu.memref_slice %arg2[%run_scoped3A, %mul3A_2] : memref<200x4096xi32, #tpu.memory_space<hbm>> -> memref<1x128xi32, #tpu.memory_space<hbm>>
      %dma_start3A_889 = tpu.memref_squeeze %dma_start3A_888 : memref<1x128xi32, #tpu.memory_space<hbm>> -> memref<128xi32, #tpu.memory_space<hbm>>
      tpu.enqueue_dma source(%dma_start3A_889 : memref<128xi32, #tpu.memory_space<hbm>>) target(%arg7 : memref<128xi32, #tpu.memory_space<vmem>>) target_semaphore(%run_scoped3A_885 : memref<!tpu.dma_semaphore, #tpu.memory_space<semaphore_mem>>)
      %dma_wait3A_890 = tpu.memref_slice %arg2[%run_scoped3A, %mul3A_2] : memref<200x4096xi32, #tpu.memory_space<hbm>> -> memref<1x128xi32, #tpu.memory_space<hbm>>
      %dma_wait3A_891 = tpu.memref_squeeze %dma_wait3A_890 : memref<1x128xi32, #tpu.memory_space<hbm>> -> memref<128xi32, #tpu.memory_space<hbm>>
      %dma_wait3A_892 = tpu.memref_slice %arg2[%run_scoped3A, %mul3A_2] : memref<200x4096xi32, #tpu.memory_space<hbm>> -> memref<1x128xi32, #tpu.memory_space<hbm>>
      %dma_wait3A_893 = tpu.memref_squeeze %dma_wait3A_892 : memref<1x128xi32, #tpu.memory_space<hbm>> -> memref<128xi32, #tpu.memory_space<hbm>>
      tpu.wait_dma2 semaphore(%run_scoped3A_885 : memref<!tpu.dma_semaphore, #tpu.memory_space<semaphore_mem>>) src(%dma_wait3A_893 : memref<128xi32, #tpu.memory_space<hbm>>) dst(%arg7 : memref<128xi32, #tpu.memory_space<vmem>>)
      tpu.yield
    }) : () -> ()
    %get3A = arith.constant 0 : index
    %get3A_15 = tpu.vector_load %arg7[%get3A] {strides = array<i32>} : memref<128xi32, #tpu.memory_space<vmem>>, vector<16xi32>,
    %mul3A_16 = arith.constant 2 : i32
    %mul3A_17 = vector.broadcast %mul3A_16 : i32 to vector<16xi32>
    %mul3A_18 = arith.muli %get3A_15, %mul3A_17 : vector<16xi32>
    %add3A_19 = arith.constant 0 : i32
    %add3A_20 = vector.broadcast %add3A_19 : i32 to vector<16xi32>
    %add3A_21 = arith.addi %add3A_20, %iota3A : vector<16xi32>
    %mul3A_22 = arith.constant 2 : i32
    %mul3A_23 = vector.broadcast %mul3A_22 : i32 to vector<16xi32>
    %mul3A_24 = arith.muli %add3A_21, %mul3A_23 : vector<16xi32>
    tpu.vector_store_idx %arg8[%mul3A_24], %mul3A_18 : memref<256xi32, #tpu.memory_space<vmem>>[vector<16xi32>], vector<16xi32>,
    %add3A_25 = arith.constant 1 : i32
    %add3A_26 = vector.broadcast %add3A_25 : i32 to vector<16xi32>
    %add3A_27 = arith.addi %mul3A_24, %add3A_26 : vector<16xi32>
    %add3A_28 = arith.constant 1 : i32
    %add3A_29 = vector.broadcast %add3A_28 : i32 to vector<16xi32>
    %add3A_30 = arith.addi %mul3A_18, %add3A_29 : vector<16xi32>
    tpu.vector_store_idx %arg8[%add3A_27], %add3A_30 : memref<256xi32, #tpu.memory_space<vmem>>[vector<16xi32>], vector<16xi32>,
    %get3A_31 = arith.constant 16 : index
    %get3A_32 = tpu.vector_load %arg7[%get3A_31] {strides = array<i32>} : memref<128xi32, #tpu.memory_space<vmem>>, vector<16xi32>,
    %mul3A_33 = arith.constant 2 : i32
    %mul3A_34 = vector.broadcast %mul3A_33 : i32 to vector<16xi32>
    %mul3A_35 = arith.muli %get3A_32, %mul3A_34 : vector<16xi32>
    %add3A_36 = arith.constant 16 : i32
    %add3A_37 = vector.broadcast %add3A_36 : i32 to vector<16xi32>
    %add3A_38 = arith.addi %add3A_37, %iota3A : vector<16xi32>
    %mul3A_39 = arith.constant 2 : i32
    %mul3A_40 = vector.broadcast %mul3A_39 : i32 to vector<16xi32>
    %mul3A_41 = arith.muli %add3A_38, %mul3A_40 : vector<16xi32>
    tpu.vector_store_idx %arg8[%mul3A_41], %mul3A_35 : memref<256xi32, #tpu.memory_space<vmem>>[vector<16xi32>], vector<16xi32>,
    %add3A_42 = arith.constant 1 : i32
    %add3A_43 = vector.broadcast %add3A_42 : i32 to vector<16xi32>
    %add3A_44 = arith.addi %mul3A_41, %add3A_43 : vector<16xi32>
    %add3A_45 = arith.constant 1 : i32
    %add3A_46 = vector.broadcast %add3A_45 : i32 to vector<16xi32>
    %add3A_47 = arith.addi %mul3A_35, %add3A_46 : vector<16xi32>
    tpu.vector_store_idx %arg8[%add3A_44], %add3A_47 : memref<256xi32, #tpu.memory_space<vmem>>[vector<16xi32>], vector<16xi32>,
    %get3A_48 = arith.constant 32 : index
    %get3A_49 = tpu.vector_load %arg7[%get3A_48] {strides = array<i32>} : memref<128xi32, #tpu.memory_space<vmem>>, vector<16xi32>,
    %mul3A_50 = arith.constant 2 : i32
    %mul3A_51 = vector.broadcast %mul3A_50 : i32 to vector<16xi32>
    %mul3A_52 = arith.muli %get3A_49, %mul3A_51 : vector<16xi32>
    %add3A_53 = arith.constant 32 : i32
    %add3A_54 = vector.broadcast %add3A_53 : i32 to vector<16xi32>
    %add3A_55 = arith.addi %add3A_54, %iota3A : vector<16xi32>
    %mul3A_56 = arith.constant 2 : i32
    %mul3A_57 = vector.broadcast %mul3A_56 : i32 to vector<16xi32>
    %mul3A_58 = arith.muli %add3A_55, %mul3A_57 : vector<16xi32>
    tpu.vector_store_idx %arg8[%mul3A_58], %mul3A_52 : memref<256xi32, #tpu.memory_space<vmem>>[vector<16xi32>], vector<16xi32>,
    %add3A_59 = arith.constant 1 : i32
    %add3A_60 = vector.broadcast %add3A_59 : i32 to vector<16xi32>
    %add3A_61 = arith.addi %mul3A_58, %add3A_60 : vector<16xi32>
    %add3A_62 = arith.constant 1 : i32
    %add3A_63 = vector.broadcast %add3A_62 : i32 to vector<16xi32>
    %add3A_64 = arith.addi %mul3A_52, %add3A_63 : vector<16xi32>
    tpu.vector_store_idx %arg8[%add3A_61], %add3A_64 : memref<256xi32, #tpu.memory_space<vmem>>[vector<16xi32>], vector<16xi32>,
    %get3A_65 = arith.constant 48 : index
    %get3A_66 = tpu.vector_load %arg7[%get3A_65] {strides = array<i32>} : memref<128xi32, #tpu.memory_space<vmem>>, vector<16xi32>,
    %mul3A_67 = arith.constant 2 : i32
    %mul3A_68 = vector.broadcast %mul3A_67 : i32 to vector<16xi32>
    %mul3A_69 = arith.muli %get3A_66, %mul3A_68 : vector<16xi32>
    %add3A_70 = arith.constant 48 : i32
    %add3A_71 = vector.broadcast %add3A_70 : i32 to vector<16xi32>
    %add3A_72 = arith.addi %add3A_71, %iota3A : vector<16xi32>
    %mul3A_73 = arith.constant 2 : i32
    %mul3A_74 = vector.broadcast %mul3A_73 : i32 to vector<16xi32>
    %mul3A_75 = arith.muli %add3A_72, %mul3A_74 : vector<16xi32>
    tpu.vector_store_idx %arg8[%mul3A_75], %mul3A_69 : memref<256xi32, #tpu.memory_space<vmem>>[vector<16xi32>], vector<16xi32>,
    %add3A_76 = arith.constant 1 : i32
    %add3A_77 = vector.broadcast %add3A_76 : i32 to vector<16xi32>
    %add3A_78 = arith.addi %mul3A_75, %add3A_77 : vector<16xi32>
    %add3A_79 = arith.constant 1 : i32
    %add3A_80 = vector.broadcast %add3A_79 : i32 to vector<16xi32>
    %add3A_81 = arith.addi %mul3A_69, %add3A_80 : vector<16xi32>
    tpu.vector_store_idx %arg8[%add3A_78], %add3A_81 : memref<256xi32, #tpu.memory_space<vmem>>[vector<16xi32>], vector<16xi32>,
    %get3A_82 = arith.constant 64 : index
    %get3A_83 = tpu.vector_load %arg7[%get3A_82] {strides = array<i32>} : memref<128xi32, #tpu.memory_space<vmem>>, vector<16xi32>,
    %mul3A_84 = arith.constant 2 : i32
    %mul3A_85 = vector.broadcast %mul3A_84 : i32 to vector<16xi32>
    %mul3A_86 = arith.muli %get3A_83, %mul3A_85 : vector<16xi32>
    %add3A_87 = arith.constant 64 : i32
    %add3A_88 = vector.broadcast %add3A_87 : i32 to vector<16xi32>
    %add3A_89 = arith.addi %add3A_88, %iota3A : vector<16xi32>
    %mul3A_90 = arith.constant 2 : i32
    %mul3A_91 = vector.broadcast %mul3A_90 : i32 to vector<16xi32>
    %mul3A_92 = arith.muli %add3A_89, %mul3A_91 : vector<16xi32>
    tpu.vector_store_idx %arg8[%mul3A_92], %mul3A_86 : memref<256xi32, #tpu.memory_space<vmem>>[vector<16xi32>], vector<16xi32>,
    %add3A_93 = arith.constant 1 : i32
    %add3A_94 = vector.broadcast %add3A_93 : i32 to vector<16xi32>
    %add3A_95 = arith.addi %mul3A_92, %add3A_94 : vector<16xi32>
    %add3A_96 = arith.constant 1 : i32
    %add3A_97 = vector.broadcast %add3A_96 : i32 to vector<16xi32>
    %add3A_98 = arith.addi %mul3A_86, %add3A_97 : vector<16xi32>
    tpu.vector_store_idx %arg8[%add3A_95], %add3A_98 : memref<256xi32, #tpu.memory_space<vmem>>[vector<16xi32>], vector<16xi32>,
    %get3A_99 = arith.constant 80 : index
    %get3A_100 = tpu.vector_load %arg7[%get3A_99] {strides = array<i32>} : memref<128xi32, #tpu.memory_space<vmem>>, vector<16xi32>,
    %mul3A_101 = arith.constant 2 : i32
    %mul3A_102 = vector.broadcast %mul3A_101 : i32 to vector<16xi32>
    %mul3A_103 = arith.muli %get3A_100, %mul3A_102 : vector<16xi32>
    %add3A_104 = arith.constant 80 : i32
    %add3A_105 = vector.broadcast %add3A_104 : i32 to vector<16xi32>
    %add3A_106 = arith.addi %add3A_105, %iota3A : vector<16xi32>
    %mul3A_107 = arith.constant 2 : i32
    %mul3A_108 = vector.broadcast %mul3A_107 : i32 to vector<16xi32>
    %mul3A_109 = arith.muli %add3A_106, %mul3A_108 : vector<16xi32>
    tpu.vector_store_idx %arg8[%mul3A_109], %mul3A_103 : memref<256xi32, #tpu.memory_space<vmem>>[vector<16xi32>], vector<16xi32>,
    %add3A_110 = arith.constant 1 : i32
    %add3A_111 = vector.broadcast %add3A_110 : i32 to vector<16xi32>
    %add3A_112 = arith.addi %mul3A_109, %add3A_111 : vector<16xi32>
    %add3A_113 = arith.constant 1 : i32
    %add3A_114 = vector.broadcast %add3A_113 : i32 to vector<16xi32>
    %add3A_115 = arith.addi %mul3A_103, %add3A_114 : vector<16xi32>
    tpu.vector_store_idx %arg8[%add3A_112], %add3A_115 : memref<256xi32, #tpu.memory_space<vmem>>[vector<16xi32>], vector<16xi32>,
    %get3A_116 = arith.constant 96 : index
    %get3A_117 = tpu.vector_load %arg7[%get3A_116] {strides = array<i32>} : memref<128xi32, #tpu.memory_space<vmem>>, vector<16xi32>,
    %mul3A_118 = arith.constant 2 : i32
    %mul3A_119 = vector.broadcast %mul3A_118 : i32 to vector<16xi32>
    %mul3A_120 = arith.muli %get3A_117, %mul3A_119 : vector<16xi32>
    %add3A_121 = arith.constant 96 : i32
    %add3A_122 = vector.broadcast %add3A_121 : i32 to vector<16xi32>
    %add3A_123 = arith.addi %add3A_122, %iota3A : vector<16xi32>
    %mul3A_124 = arith.constant 2 : i32
    %mul3A_125 = vector.broadcast %mul3A_124 : i32 to vector<16xi32>
    %mul3A_126 = arith.muli %add3A_123, %mul3A_125 : vector<16xi32>
    tpu.vector_store_idx %arg8[%mul3A_126], %mul3A_120 : memref<256xi32, #tpu.memory_space<vmem>>[vector<16xi32>], vector<16xi32>,
    %add3A_127 = arith.constant 1 : i32
    %add3A_128 = vector.broadcast %add3A_127 : i32 to vector<16xi32>
    %add3A_129 = arith.addi %mul3A_126, %add3A_128 : vector<16xi32>
    %add3A_130 = arith.constant 1 : i32
    %add3A_131 = vector.broadcast %add3A_130 : i32 to vector<16xi32>
    %add3A_132 = arith.addi %mul3A_120, %add3A_131 : vector<16xi32>
    tpu.vector_store_idx %arg8[%add3A_129], %add3A_132 : memref<256xi32, #tpu.memory_space<vmem>>[vector<16xi32>], vector<16xi32>,
    %get3A_133 = arith.constant 112 : index
    %get3A_134 = tpu.vector_load %arg7[%get3A_133] {strides = array<i32>} : memref<128xi32, #tpu.memory_space<vmem>>, vector<16xi32>,
    %mul3A_135 = arith.constant 2 : i32
    %mul3A_136 = vector.broadcast %mul3A_135 : i32 to vector<16xi32>
    %mul3A_137 = arith.muli %get3A_134, %mul3A_136 : vector<16xi32>
    %add3A_138 = arith.constant 112 : i32
    %add3A_139 = vector.broadcast %add3A_138 : i32 to vector<16xi32>
    %add3A_140 = arith.addi %add3A_139, %iota3A : vector<16xi32>
    %mul3A_141 = arith.constant 2 : i32
    %mul3A_142 = vector.broadcast %mul3A_141 : i32 to vector<16xi32>
    %mul3A_143 = arith.muli %add3A_140, %mul3A_142 : vector<16xi32>
    tpu.vector_store_idx %arg8[%mul3A_143], %mul3A_137 : memref<256xi32, #tpu.memory_space<vmem>>[vector<16xi32>], vector<16xi32>,
    %add3A_144 = arith.constant 1 : i32
    %add3A_145 = vector.broadcast %add3A_144 : i32 to vector<16xi32>
    %add3A_146 = arith.addi %mul3A_143, %add3A_145 : vector<16xi32>
    %add3A_147 = arith.constant 1 : i32
    %add3A_148 = vector.broadcast %add3A_147 : i32 to vector<16xi32>
    %add3A_149 = arith.addi %mul3A_137, %add3A_148 : vector<16xi32>
    tpu.vector_store_idx %arg8[%add3A_146], %add3A_149 : memref<256xi32, #tpu.memory_space<vmem>>[vector<16xi32>], vector<16xi32>,
    %dma_start3A = arith.constant 0 : i32
    %dma_start3A_150 = arith.constant 0 : i32
    %dma_start3A_151 = tpu.memref_slice %arg10[%dma_start3A, %dma_start3A_150] : memref<256x32xf32, #tpu.memory_space<vmem>> -> memref<128x32xf32, #tpu.memory_space<vmem>>
    %dma_start3A_152 = arith.constant 0 : i32
    %dma_start3A_153 = tpu.memref_slice %arg8[%dma_start3A_152] : memref<256xi32, #tpu.memory_space<vmem>> -> memref<128xi32, #tpu.memory_space<vmem>>
    %dma_start3A_154 = arith.constant 0 : i32
    %dma_start3A_155 = arith.constant 0 : i32
    %dma_start3A_156 = tpu.memref_slice %arg3[%dma_start3A_154, %dma_start3A_155] : memref<2000000x32xf32, #tpu.memory_space<hbm>> -> memref<2000000x32xf32, #tpu.memory_space<hbm>>
    tpu.enqueue_indirect_dma source(%dma_start3A_156 : memref<2000000x32xf32, #tpu.memory_space<hbm>>) target(%dma_start3A_151 : memref<128x32xf32, #tpu.memory_space<vmem>>) offsets(%dma_start3A_153 : memref<128xi32, #tpu.memory_space<vmem>>) semaphore(%arg14 : memref<!tpu.dma_semaphore, #tpu.memory_space<semaphore_mem>>)
    %dma_start3A_157 = arith.constant 128 : i32
    %dma_start3A_158 = arith.constant 0 : i32
    %dma_start3A_159 = tpu.memref_slice %arg10[%dma_start3A_157, %dma_start3A_158] : memref<256x32xf32, #tpu.memory_space<vmem>> -> memref<128x32xf32, #tpu.memory_space<vmem>>
    %dma_start3A_160 = arith.constant 128 : i32
    %dma_start3A_161 = tpu.memref_slice %arg8[%dma_start3A_160] : memref<256xi32, #tpu.memory_space<vmem>> -> memref<128xi32, #tpu.memory_space<vmem>>
    %dma_start3A_162 = arith.constant 0 : i32
    %dma_start3A_163 = arith.constant 0 : i32
    %dma_start3A_164 = tpu.memref_slice %arg3[%dma_start3A_162, %dma_start3A_163] : memref<2000000x32xf32, #tpu.memory_space<hbm>> -> memref<2000000x32xf32, #tpu.memory_space<hbm>>
    tpu.enqueue_indirect_dma source(%dma_start3A_164 : memref<2000000x32xf32, #tpu.memory_space<hbm>>) target(%dma_start3A_159 : memref<128x32xf32, #tpu.memory_space<vmem>>) offsets(%dma_start3A_161 : memref<128xi32, #tpu.memory_space<vmem>>) semaphore(%arg14 : memref<!tpu.dma_semaphore, #tpu.memory_space<semaphore_mem>>)
    %run_scoped3A_165 = arith.constant 1 : i32
    "tpu.region"() ({
      %run_scoped3A_885 = tpu.sem_alloc : memref<!tpu.dma_semaphore, #tpu.memory_space<semaphore_mem>>
      %dma_start3A_886 = tpu.memref_slice %arg2[%run_scoped3A_165, %mul3A_2] : memref<200x4096xi32, #tpu.memory_space<hbm>> -> memref<1x128xi32, #tpu.memory_space<hbm>>
      %dma_start3A_887 = tpu.memref_squeeze %dma_start3A_886 : memref<1x128xi32, #tpu.memory_space<hbm>> -> memref<128xi32, #tpu.memory_space<hbm>>
      %dma_start3A_888 = tpu.memref_slice %arg2[%run_scoped3A_165, %mul3A_2] : memref<200x4096xi32, #tpu.memory_space<hbm>> -> memref<1x128xi32, #tpu.memory_space<hbm>>
      %dma_start3A_889 = tpu.memref_squeeze %dma_start3A_888 : memref<1x128xi32, #tpu.memory_space<hbm>> -> memref<128xi32, #tpu.memory_space<hbm>>
      tpu.enqueue_dma source(%dma_start3A_889 : memref<128xi32, #tpu.memory_space<hbm>>) target(%arg7 : memref<128xi32, #tpu.memory_space<vmem>>) target_semaphore(%run_scoped3A_885 : memref<!tpu.dma_semaphore, #tpu.memory_space<semaphore_mem>>)
      %dma_wait3A_890 = tpu.memref_slice %arg2[%run_scoped3A_165, %mul3A_2] : memref<200x4096xi32, #tpu.memory_space<hbm>> -> memref<1x128xi32, #tpu.memory_space<hbm>>
      %dma_wait3A_891 = tpu.memref_squeeze %dma_wait3A_890 : memref<1x128xi32, #tpu.memory_space<hbm>> -> memref<128xi32, #tpu.memory_space<hbm>>
      %dma_wait3A_892 = tpu.memref_slice %arg2[%run_scoped3A_165, %mul3A_2] : memref<200x4096xi32, #tpu.memory_space<hbm>> -> memref<1x128xi32, #tpu.memory_space<hbm>>
      %dma_wait3A_893 = tpu.memref_squeeze %dma_wait3A_892 : memref<1x128xi32, #tpu.memory_space<hbm>> -> memref<128xi32, #tpu.memory_space<hbm>>
      tpu.wait_dma2 semaphore(%run_scoped3A_885 : memref<!tpu.dma_semaphore, #tpu.memory_space<semaphore_mem>>) src(%dma_wait3A_893 : memref<128xi32, #tpu.memory_space<hbm>>) dst(%arg7 : memref<128xi32, #tpu.memory_space<vmem>>)
      tpu.yield
    }) : () -> ()
    %get3A_166 = arith.constant 0 : index
    %get3A_167 = tpu.vector_load %arg7[%get3A_166] {strides = array<i32>} : memref<128xi32, #tpu.memory_space<vmem>>, vector<16xi32>,
    %mul3A_168 = arith.constant 2 : i32
    %mul3A_169 = vector.broadcast %mul3A_168 : i32 to vector<16xi32>
    %mul3A_170 = arith.muli %get3A_167, %mul3A_169 : vector<16xi32>
    %add3A_171 = arith.constant 0 : i32
    %add3A_172 = vector.broadcast %add3A_171 : i32 to vector<16xi32>
    %add3A_173 = arith.addi %add3A_172, %iota3A : vector<16xi32>
    %mul3A_174 = arith.constant 2 : i32
    %mul3A_175 = vector.broadcast %mul3A_174 : i32 to vector<16xi32>
    %mul3A_176 = arith.muli %add3A_173, %mul3A_175 : vector<16xi32>
    tpu.vector_store_idx %arg9[%mul3A_176], %mul3A_170 : memref<256xi32, #tpu.memory_space<vmem>>[vector<16xi32>], vector<16xi32>,
    %add3A_177 = arith.constant 1 : i32
    %add3A_178 = vector.broadcast %add3A_177 : i32 to vector<16xi32>
    %add3A_179 = arith.addi %mul3A_176, %add3A_178 : vector<16xi32>
    %add3A_180 = arith.constant 1 : i32
    %add3A_181 = vector.broadcast %add3A_180 : i32 to vector<16xi32>
    %add3A_182 = arith.addi %mul3A_170, %add3A_181 : vector<16xi32>
    tpu.vector_store_idx %arg9[%add3A_179], %add3A_182 : memref<256xi32, #tpu.memory_space<vmem>>[vector<16xi32>], vector<16xi32>,
    %get3A_183 = arith.constant 16 : index
    %get3A_184 = tpu.vector_load %arg7[%get3A_183] {strides = array<i32>} : memref<128xi32, #tpu.memory_space<vmem>>, vector<16xi32>,
    %mul3A_185 = arith.constant 2 : i32
    %mul3A_186 = vector.broadcast %mul3A_185 : i32 to vector<16xi32>
    %mul3A_187 = arith.muli %get3A_184, %mul3A_186 : vector<16xi32>
    %add3A_188 = arith.constant 16 : i32
    %add3A_189 = vector.broadcast %add3A_188 : i32 to vector<16xi32>
    %add3A_190 = arith.addi %add3A_189, %iota3A : vector<16xi32>
    %mul3A_191 = arith.constant 2 : i32
    %mul3A_192 = vector.broadcast %mul3A_191 : i32 to vector<16xi32>
    %mul3A_193 = arith.muli %add3A_190, %mul3A_192 : vector<16xi32>
    tpu.vector_store_idx %arg9[%mul3A_193], %mul3A_187 : memref<256xi32, #tpu.memory_space<vmem>>[vector<16xi32>], vector<16xi32>,
    %add3A_194 = arith.constant 1 : i32
    %add3A_195 = vector.broadcast %add3A_194 : i32 to vector<16xi32>
    %add3A_196 = arith.addi %mul3A_193, %add3A_195 : vector<16xi32>
    %add3A_197 = arith.constant 1 : i32
    %add3A_198 = vector.broadcast %add3A_197 : i32 to vector<16xi32>
    %add3A_199 = arith.addi %mul3A_187, %add3A_198 : vector<16xi32>
    tpu.vector_store_idx %arg9[%add3A_196], %add3A_199 : memref<256xi32, #tpu.memory_space<vmem>>[vector<16xi32>], vector<16xi32>,
    %get3A_200 = arith.constant 32 : index
    %get3A_201 = tpu.vector_load %arg7[%get3A_200] {strides = array<i32>} : memref<128xi32, #tpu.memory_space<vmem>>, vector<16xi32>,
    %mul3A_202 = arith.constant 2 : i32
    %mul3A_203 = vector.broadcast %mul3A_202 : i32 to vector<16xi32>
    %mul3A_204 = arith.muli %get3A_201, %mul3A_203 : vector<16xi32>
    %add3A_205 = arith.constant 32 : i32
    %add3A_206 = vector.broadcast %add3A_205 : i32 to vector<16xi32>
    %add3A_207 = arith.addi %add3A_206, %iota3A : vector<16xi32>
    %mul3A_208 = arith.constant 2 : i32
    %mul3A_209 = vector.broadcast %mul3A_208 : i32 to vector<16xi32>
    %mul3A_210 = arith.muli %add3A_207, %mul3A_209 : vector<16xi32>
    tpu.vector_store_idx %arg9[%mul3A_210], %mul3A_204 : memref<256xi32, #tpu.memory_space<vmem>>[vector<16xi32>], vector<16xi32>,
    %add3A_211 = arith.constant 1 : i32
    %add3A_212 = vector.broadcast %add3A_211 : i32 to vector<16xi32>
    %add3A_213 = arith.addi %mul3A_210, %add3A_212 : vector<16xi32>
    %add3A_214 = arith.constant 1 : i32
    %add3A_215 = vector.broadcast %add3A_214 : i32 to vector<16xi32>
    %add3A_216 = arith.addi %mul3A_204, %add3A_215 : vector<16xi32>
    tpu.vector_store_idx %arg9[%add3A_213], %add3A_216 : memref<256xi32, #tpu.memory_space<vmem>>[vector<16xi32>], vector<16xi32>,
    %get3A_217 = arith.constant 48 : index
    %get3A_218 = tpu.vector_load %arg7[%get3A_217] {strides = array<i32>} : memref<128xi32, #tpu.memory_space<vmem>>, vector<16xi32>,
    %mul3A_219 = arith.constant 2 : i32
    %mul3A_220 = vector.broadcast %mul3A_219 : i32 to vector<16xi32>
    %mul3A_221 = arith.muli %get3A_218, %mul3A_220 : vector<16xi32>
    %add3A_222 = arith.constant 48 : i32
    %add3A_223 = vector.broadcast %add3A_222 : i32 to vector<16xi32>
    %add3A_224 = arith.addi %add3A_223, %iota3A : vector<16xi32>
    %mul3A_225 = arith.constant 2 : i32
    %mul3A_226 = vector.broadcast %mul3A_225 : i32 to vector<16xi32>
    %mul3A_227 = arith.muli %add3A_224, %mul3A_226 : vector<16xi32>
    tpu.vector_store_idx %arg9[%mul3A_227], %mul3A_221 : memref<256xi32, #tpu.memory_space<vmem>>[vector<16xi32>], vector<16xi32>,
    %add3A_228 = arith.constant 1 : i32
    %add3A_229 = vector.broadcast %add3A_228 : i32 to vector<16xi32>
    %add3A_230 = arith.addi %mul3A_227, %add3A_229 : vector<16xi32>
    %add3A_231 = arith.constant 1 : i32
    %add3A_232 = vector.broadcast %add3A_231 : i32 to vector<16xi32>
    %add3A_233 = arith.addi %mul3A_221, %add3A_232 : vector<16xi32>
    tpu.vector_store_idx %arg9[%add3A_230], %add3A_233 : memref<256xi32, #tpu.memory_space<vmem>>[vector<16xi32>], vector<16xi32>,
    %get3A_234 = arith.constant 64 : index
    %get3A_235 = tpu.vector_load %arg7[%get3A_234] {strides = array<i32>} : memref<128xi32, #tpu.memory_space<vmem>>, vector<16xi32>,
    %mul3A_236 = arith.constant 2 : i32
    %mul3A_237 = vector.broadcast %mul3A_236 : i32 to vector<16xi32>
    %mul3A_238 = arith.muli %get3A_235, %mul3A_237 : vector<16xi32>
    %add3A_239 = arith.constant 64 : i32
    %add3A_240 = vector.broadcast %add3A_239 : i32 to vector<16xi32>
    %add3A_241 = arith.addi %add3A_240, %iota3A : vector<16xi32>
    %mul3A_242 = arith.constant 2 : i32
    %mul3A_243 = vector.broadcast %mul3A_242 : i32 to vector<16xi32>
    %mul3A_244 = arith.muli %add3A_241, %mul3A_243 : vector<16xi32>
    tpu.vector_store_idx %arg9[%mul3A_244], %mul3A_238 : memref<256xi32, #tpu.memory_space<vmem>>[vector<16xi32>], vector<16xi32>,
    %add3A_245 = arith.constant 1 : i32
    %add3A_246 = vector.broadcast %add3A_245 : i32 to vector<16xi32>
    %add3A_247 = arith.addi %mul3A_244, %add3A_246 : vector<16xi32>
    %add3A_248 = arith.constant 1 : i32
    %add3A_249 = vector.broadcast %add3A_248 : i32 to vector<16xi32>
    %add3A_250 = arith.addi %mul3A_238, %add3A_249 : vector<16xi32>
    tpu.vector_store_idx %arg9[%add3A_247], %add3A_250 : memref<256xi32, #tpu.memory_space<vmem>>[vector<16xi32>], vector<16xi32>,
    %get3A_251 = arith.constant 80 : index
    %get3A_252 = tpu.vector_load %arg7[%get3A_251] {strides = array<i32>} : memref<128xi32, #tpu.memory_space<vmem>>, vector<16xi32>,
    %mul3A_253 = arith.constant 2 : i32
    %mul3A_254 = vector.broadcast %mul3A_253 : i32 to vector<16xi32>
    %mul3A_255 = arith.muli %get3A_252, %mul3A_254 : vector<16xi32>
    %add3A_256 = arith.constant 80 : i32
    %add3A_257 = vector.broadcast %add3A_256 : i32 to vector<16xi32>
    %add3A_258 = arith.addi %add3A_257, %iota3A : vector<16xi32>
    %mul3A_259 = arith.constant 2 : i32
    %mul3A_260 = vector.broadcast %mul3A_259 : i32 to vector<16xi32>
    %mul3A_261 = arith.muli %add3A_258, %mul3A_260 : vector<16xi32>
    tpu.vector_store_idx %arg9[%mul3A_261], %mul3A_255 : memref<256xi32, #tpu.memory_space<vmem>>[vector<16xi32>], vector<16xi32>,
    %add3A_262 = arith.constant 1 : i32
    %add3A_263 = vector.broadcast %add3A_262 : i32 to vector<16xi32>
    %add3A_264 = arith.addi %mul3A_261, %add3A_263 : vector<16xi32>
    %add3A_265 = arith.constant 1 : i32
    %add3A_266 = vector.broadcast %add3A_265 : i32 to vector<16xi32>
    %add3A_267 = arith.addi %mul3A_255, %add3A_266 : vector<16xi32>
    tpu.vector_store_idx %arg9[%add3A_264], %add3A_267 : memref<256xi32, #tpu.memory_space<vmem>>[vector<16xi32>], vector<16xi32>,
    %get3A_268 = arith.constant 96 : index
    %get3A_269 = tpu.vector_load %arg7[%get3A_268] {strides = array<i32>} : memref<128xi32, #tpu.memory_space<vmem>>, vector<16xi32>,
    %mul3A_270 = arith.constant 2 : i32
    %mul3A_271 = vector.broadcast %mul3A_270 : i32 to vector<16xi32>
    %mul3A_272 = arith.muli %get3A_269, %mul3A_271 : vector<16xi32>
    %add3A_273 = arith.constant 96 : i32
    %add3A_274 = vector.broadcast %add3A_273 : i32 to vector<16xi32>
    %add3A_275 = arith.addi %add3A_274, %iota3A : vector<16xi32>
    %mul3A_276 = arith.constant 2 : i32
    %mul3A_277 = vector.broadcast %mul3A_276 : i32 to vector<16xi32>
    %mul3A_278 = arith.muli %add3A_275, %mul3A_277 : vector<16xi32>
    tpu.vector_store_idx %arg9[%mul3A_278], %mul3A_272 : memref<256xi32, #tpu.memory_space<vmem>>[vector<16xi32>], vector<16xi32>,
    %add3A_279 = arith.constant 1 : i32
    %add3A_280 = vector.broadcast %add3A_279 : i32 to vector<16xi32>
    %add3A_281 = arith.addi %mul3A_278, %add3A_280 : vector<16xi32>
    %add3A_282 = arith.constant 1 : i32
    %add3A_283 = vector.broadcast %add3A_282 : i32 to vector<16xi32>
    %add3A_284 = arith.addi %mul3A_272, %add3A_283 : vector<16xi32>
    tpu.vector_store_idx %arg9[%add3A_281], %add3A_284 : memref<256xi32, #tpu.memory_space<vmem>>[vector<16xi32>], vector<16xi32>,
    %get3A_285 = arith.constant 112 : index
    %get3A_286 = tpu.vector_load %arg7[%get3A_285] {strides = array<i32>} : memref<128xi32, #tpu.memory_space<vmem>>, vector<16xi32>,
    %mul3A_287 = arith.constant 2 : i32
    %mul3A_288 = vector.broadcast %mul3A_287 : i32 to vector<16xi32>
    %mul3A_289 = arith.muli %get3A_286, %mul3A_288 : vector<16xi32>
    %add3A_290 = arith.constant 112 : i32
    %add3A_291 = vector.broadcast %add3A_290 : i32 to vector<16xi32>
    %add3A_292 = arith.addi %add3A_291, %iota3A : vector<16xi32>
    %mul3A_293 = arith.constant 2 : i32
    %mul3A_294 = vector.broadcast %mul3A_293 : i32 to vector<16xi32>
    %mul3A_295 = arith.muli %add3A_292, %mul3A_294 : vector<16xi32>
    tpu.vector_store_idx %arg9[%mul3A_295], %mul3A_289 : memref<256xi32, #tpu.memory_space<vmem>>[vector<16xi32>], vector<16xi32>,
    %add3A_296 = arith.constant 1 : i32
    %add3A_297 = vector.broadcast %add3A_296 : i32 to vector<16xi32>
    %add3A_298 = arith.addi %mul3A_295, %add3A_297 : vector<16xi32>
    %add3A_299 = arith.constant 1 : i32
    %add3A_300 = vector.broadcast %add3A_299 : i32 to vector<16xi32>
    %add3A_301 = arith.addi %mul3A_289, %add3A_300 : vector<16xi32>
    tpu.vector_store_idx %arg9[%add3A_298], %add3A_301 : memref<256xi32, #tpu.memory_space<vmem>>[vector<16xi32>], vector<16xi32>,
    %dma_start3A_302 = arith.constant 0 : i32
    %dma_start3A_303 = arith.constant 0 : i32
    %dma_start3A_304 = tpu.memref_slice %arg11[%dma_start3A_302, %dma_start3A_303] : memref<256x32xf32, #tpu.memory_space<vmem>> -> memref<128x32xf32, #tpu.memory_space<vmem>>
    %dma_start3A_305 = arith.constant 0 : i32
    %dma_start3A_306 = tpu.memref_slice %arg9[%dma_start3A_305] : memref<256xi32, #tpu.memory_space<vmem>> -> memref<128xi32, #tpu.memory_space<vmem>>
    %dma_start3A_307 = arith.constant 0 : i32
    %dma_start3A_308 = arith.constant 0 : i32
    %dma_start3A_309 = tpu.memref_slice %arg3[%dma_start3A_307, %dma_start3A_308] : memref<2000000x32xf32, #tpu.memory_space<hbm>> -> memref<2000000x32xf32, #tpu.memory_space<hbm>>
    tpu.enqueue_indirect_dma source(%dma_start3A_309 : memref<2000000x32xf32, #tpu.memory_space<hbm>>) target(%dma_start3A_304 : memref<128x32xf32, #tpu.memory_space<vmem>>) offsets(%dma_start3A_306 : memref<128xi32, #tpu.memory_space<vmem>>) semaphore(%arg15 : memref<!tpu.dma_semaphore, #tpu.memory_space<semaphore_mem>>)
    %dma_start3A_310 = arith.constant 128 : i32
    %dma_start3A_311 = arith.constant 0 : i32
    %dma_start3A_312 = tpu.memref_slice %arg11[%dma_start3A_310, %dma_start3A_311] : memref<256x32xf32, #tpu.memory_space<vmem>> -> memref<128x32xf32, #tpu.memory_space<vmem>>
    %dma_start3A_313 = arith.constant 128 : i32
    %dma_start3A_314 = tpu.memref_slice %arg9[%dma_start3A_313] : memref<256xi32, #tpu.memory_space<vmem>> -> memref<128xi32, #tpu.memory_space<vmem>>
    %dma_start3A_315 = arith.constant 0 : i32
    %dma_start3A_316 = arith.constant 0 : i32
    %dma_start3A_317 = tpu.memref_slice %arg3[%dma_start3A_315, %dma_start3A_316] : memref<2000000x32xf32, #tpu.memory_space<hbm>> -> memref<2000000x32xf32, #tpu.memory_space<hbm>>
    tpu.enqueue_indirect_dma source(%dma_start3A_317 : memref<2000000x32xf32, #tpu.memory_space<hbm>>) target(%dma_start3A_312 : memref<128x32xf32, #tpu.memory_space<vmem>>) offsets(%dma_start3A_314 : memref<128xi32, #tpu.memory_space<vmem>>) semaphore(%arg15 : memref<!tpu.dma_semaphore, #tpu.memory_space<semaphore_mem>>)
    %dma_wait3A = arith.constant 0 : i32
    %dma_wait3A_318 = arith.constant 0 : i32
    %dma_wait3A_319 = tpu.memref_slice %arg10[%dma_wait3A, %dma_wait3A_318] : memref<256x32xf32, #tpu.memory_space<vmem>> -> memref<128x32xf32, #tpu.memory_space<vmem>>
    %dma_wait3A_320 = arith.constant 0 : i32
    %dma_wait3A_321 = tpu.memref_slice %arg8[%dma_wait3A_320] : memref<256xi32, #tpu.memory_space<vmem>> -> memref<128xi32, #tpu.memory_space<vmem>>
    %dma_wait3A_322 = arith.constant 0 : i32
    %dma_wait3A_323 = arith.constant 0 : i32
    %dma_wait3A_324 = tpu.memref_slice %arg3[%dma_wait3A_322, %dma_wait3A_323] : memref<2000000x32xf32, #tpu.memory_space<hbm>> -> memref<2000000x32xf32, #tpu.memory_space<hbm>>
    tpu.wait_indirect_dma semaphore(%arg14 : memref<!tpu.dma_semaphore, #tpu.memory_space<semaphore_mem>>) src(%dma_wait3A_324 : memref<2000000x32xf32, #tpu.memory_space<hbm>>) dst(%dma_wait3A_319 : memref<128x32xf32, #tpu.memory_space<vmem>>)
    %dma_wait3A_325 = arith.constant 128 : i32
    %dma_wait3A_326 = arith.constant 0 : i32
    %dma_wait3A_327 = tpu.memref_slice %arg10[%dma_wait3A_325, %dma_wait3A_326] : memref<256x32xf32, #tpu.memory_space<vmem>> -> memref<128x32xf32, #tpu.memory_space<vmem>>
    %dma_wait3A_328 = arith.constant 128 : i32
    %dma_wait3A_329 = tpu.memref_slice %arg8[%dma_wait3A_328] : memref<256xi32, #tpu.memory_space<vmem>> -> memref<128xi32, #tpu.memory_space<vmem>>
    %dma_wait3A_330 = arith.constant 0 : i32
    %dma_wait3A_331 = arith.constant 0 : i32
    %dma_wait3A_332 = tpu.memref_slice %arg3[%dma_wait3A_330, %dma_wait3A_331] : memref<2000000x32xf32, #tpu.memory_space<hbm>> -> memref<2000000x32xf32, #tpu.memory_space<hbm>>
    tpu.wait_indirect_dma semaphore(%arg14 : memref<!tpu.dma_semaphore, #tpu.memory_space<semaphore_mem>>) src(%dma_wait3A_332 : memref<2000000x32xf32, #tpu.memory_space<hbm>>) dst(%dma_wait3A_327 : memref<128x32xf32, #tpu.memory_space<vmem>>)
    %get3A_333 = arith.constant 0 : i32
    %get3A_334 = arith.index_cast %get3A_333 : i32 to index
    %get3A_335 = arith.constant 0 : index
    %get3A_336 = tpu.vector_load %arg6[%get3A_334, %get3A_335] {strides = array<i32>} : memref<200x64xf32, #tpu.memory_space<vmem>>, vector<16xf32>,
    %get3A_337 = arith.constant 0 : i32
    %get3A_338 = arith.index_cast %get3A_337 : i32 to index
    %get3A_339 = arith.constant 16 : index
    %get3A_340 = tpu.vector_load %arg6[%get3A_338, %get3A_339] {strides = array<i32>} : memref<200x64xf32, #tpu.memory_space<vmem>>, vector<16xf32>,
    %get3A_341 = arith.constant 0 : i32
    %get3A_342 = arith.index_cast %get3A_341 : i32 to index
    %get3A_343 = arith.constant 32 : index
    %get3A_344 = tpu.vector_load %arg6[%get3A_342, %get3A_343] {strides = array<i32>} : memref<200x64xf32, #tpu.memory_space<vmem>>, vector<16xf32>,
    %get3A_345 = arith.constant 0 : i32
    %get3A_346 = arith.index_cast %get3A_345 : i32 to index
    %get3A_347 = arith.constant 48 : index
    %get3A_348 = tpu.vector_load %arg6[%get3A_346, %get3A_347] {strides = array<i32>} : memref<200x64xf32, #tpu.memory_space<vmem>>, vector<16xf32>,
    %jit3A = arith.constant 8 : i32
    %div3A = vector.broadcast %jit3A : i32 to vector<16xi32>
    %div3A_349 = arith.divsi %add3A_5, %div3A : vector<16xi32>
    %sign3A = arith.constant 0 : i32
    %sign3A_350 = vector.broadcast %sign3A : i32 to vector<16xi32>
    %sign3A_351 = arith.cmpi sgt, %add3A_5, %sign3A_350 : vector<16xi32>
    %sign3A_352 = arith.extui %sign3A_351 : vector<16xi1> to vector<16xi32>
    %sign3A_353 = arith.constant 0 : i32
    %sign3A_354 = vector.broadcast %sign3A_353 : i32 to vector<16xi32>
    %sign3A_355 = arith.cmpi slt, %add3A_5, %sign3A_354 : vector<16xi32>
    %sign3A_356 = arith.extui %sign3A_355 : vector<16xi1> to vector<16xi32>
    %sign3A_357 = arith.subi %sign3A_352, %sign3A_356 : vector<16xi32>
    %sign3A_358 = arith.constant 0 : i32
    %sign3A_359 = arith.cmpi sgt, %jit3A, %sign3A_358 : i32
    %sign3A_360 = arith.extui %sign3A_359 : i1 to i32
    %sign3A_361 = arith.constant 0 : i32
    %sign3A_362 = arith.cmpi slt, %jit3A, %sign3A_361 : i32
    %sign3A_363 = arith.extui %sign3A_362 : i1 to i32
    %sign3A_364 = arith.subi %sign3A_360, %sign3A_363 : i32
    %ne3A = vector.broadcast %sign3A_364 : i32 to vector<16xi32>
    %ne3A_365 = arith.cmpi ne, %sign3A_357, %ne3A : vector<16xi32>
    %rem3A = vector.broadcast %jit3A : i32 to vector<16xi32>
    %rem3A_366 = arith.remsi %add3A_5, %rem3A : vector<16xi32>
    %ne3A_367 = arith.constant 0 : i32
    %ne3A_368 = vector.broadcast %ne3A_367 : i32 to vector<16xi32>
    %ne3A_369 = arith.cmpi ne, %rem3A_366, %ne3A_368 : vector<16xi32>
    %and3A = arith.andi %ne3A_365, %ne3A_369 : vector<16xi1>
    %sub3A = arith.constant 1 : i32
    %sub3A_370 = vector.broadcast %sub3A : i32 to vector<16xi32>
    %sub3A_371 = arith.subi %div3A_349, %sub3A_370 : vector<16xi32>
    %select_n3A = arith.select %and3A, %sub3A_371, %div3A_349 : vector<16xi1>, vector<16xi32>
    %jit3A_372 = arith.constant 8 : i32
    %div3A_373 = vector.broadcast %jit3A_372 : i32 to vector<16xi32>
    %div3A_374 = arith.divsi %add3A_8, %div3A_373 : vector<16xi32>
    %sign3A_375 = arith.constant 0 : i32
    %sign3A_376 = vector.broadcast %sign3A_375 : i32 to vector<16xi32>
    %sign3A_377 = arith.cmpi sgt, %add3A_8, %sign3A_376 : vector<16xi32>
    %sign3A_378 = arith.extui %sign3A_377 : vector<16xi1> to vector<16xi32>
    %sign3A_379 = arith.constant 0 : i32
    %sign3A_380 = vector.broadcast %sign3A_379 : i32 to vector<16xi32>
    %sign3A_381 = arith.cmpi slt, %add3A_8, %sign3A_380 : vector<16xi32>
    %sign3A_382 = arith.extui %sign3A_381 : vector<16xi1> to vector<16xi32>
    %sign3A_383 = arith.subi %sign3A_378, %sign3A_382 : vector<16xi32>
    %sign3A_384 = arith.constant 0 : i32
    %sign3A_385 = arith.cmpi sgt, %jit3A_372, %sign3A_384 : i32
    %sign3A_386 = arith.extui %sign3A_385 : i1 to i32
    %sign3A_387 = arith.constant 0 : i32
    %sign3A_388 = arith.cmpi slt, %jit3A_372, %sign3A_387 : i32
    %sign3A_389 = arith.extui %sign3A_388 : i1 to i32
    %sign3A_390 = arith.subi %sign3A_386, %sign3A_389 : i32
    %ne3A_391 = vector.broadcast %sign3A_390 : i32 to vector<16xi32>
    %ne3A_392 = arith.cmpi ne, %sign3A_383, %ne3A_391 : vector<16xi32>
    %rem3A_393 = vector.broadcast %jit3A_372 : i32 to vector<16xi32>
    %rem3A_394 = arith.remsi %add3A_8, %rem3A_393 : vector<16xi32>
    %ne3A_395 = arith.constant 0 : i32
    %ne3A_396 = vector.broadcast %ne3A_395 : i32 to vector<16xi32>
    %ne3A_397 = arith.cmpi ne, %rem3A_394, %ne3A_396 : vector<16xi32>
    %and3A_398 = arith.andi %ne3A_392, %ne3A_397 : vector<16xi1>
    %sub3A_399 = arith.constant 1 : i32
    %sub3A_400 = vector.broadcast %sub3A_399 : i32 to vector<16xi32>
    %sub3A_401 = arith.subi %div3A_374, %sub3A_400 : vector<16xi32>
    %select_n3A_402 = arith.select %and3A_398, %sub3A_401, %div3A_374 : vector<16xi1>, vector<16xi32>
    %jit3A_403 = arith.constant 8 : i32
    %div3A_404 = vector.broadcast %jit3A_403 : i32 to vector<16xi32>
    %div3A_405 = arith.divsi %add3A_11, %div3A_404 : vector<16xi32>
    %sign3A_406 = arith.constant 0 : i32
    %sign3A_407 = vector.broadcast %sign3A_406 : i32 to vector<16xi32>
    %sign3A_408 = arith.cmpi sgt, %add3A_11, %sign3A_407 : vector<16xi32>
    %sign3A_409 = arith.extui %sign3A_408 : vector<16xi1> to vector<16xi32>
    %sign3A_410 = arith.constant 0 : i32
    %sign3A_411 = vector.broadcast %sign3A_410 : i32 to vector<16xi32>
    %sign3A_412 = arith.cmpi slt, %add3A_11, %sign3A_411 : vector<16xi32>
    %sign3A_413 = arith.extui %sign3A_412 : vector<16xi1> to vector<16xi32>
    %sign3A_414 = arith.subi %sign3A_409, %sign3A_413 : vector<16xi32>
    %sign3A_415 = arith.constant 0 : i32
    %sign3A_416 = arith.cmpi sgt, %jit3A_403, %sign3A_415 : i32
    %sign3A_417 = arith.extui %sign3A_416 : i1 to i32
    %sign3A_418 = arith.constant 0 : i32
    %sign3A_419 = arith.cmpi slt, %jit3A_403, %sign3A_418 : i32
    %sign3A_420 = arith.extui %sign3A_419 : i1 to i32
    %sign3A_421 = arith.subi %sign3A_417, %sign3A_420 : i32
    %ne3A_422 = vector.broadcast %sign3A_421 : i32 to vector<16xi32>
    %ne3A_423 = arith.cmpi ne, %sign3A_414, %ne3A_422 : vector<16xi32>
    %rem3A_424 = vector.broadcast %jit3A_403 : i32 to vector<16xi32>
    %rem3A_425 = arith.remsi %add3A_11, %rem3A_424 : vector<16xi32>
    %ne3A_426 = arith.constant 0 : i32
    %ne3A_427 = vector.broadcast %ne3A_426 : i32 to vector<16xi32>
    %ne3A_428 = arith.cmpi ne, %rem3A_425, %ne3A_427 : vector<16xi32>
    %and3A_429 = arith.andi %ne3A_423, %ne3A_428 : vector<16xi1>
    %sub3A_430 = arith.constant 1 : i32
    %sub3A_431 = vector.broadcast %sub3A_430 : i32 to vector<16xi32>
    %sub3A_432 = arith.subi %div3A_405, %sub3A_431 : vector<16xi32>
    %select_n3A_433 = arith.select %and3A_429, %sub3A_432, %div3A_405 : vector<16xi1>, vector<16xi32>
    %jit3A_434 = arith.constant 8 : i32
    %div3A_435 = vector.broadcast %jit3A_434 : i32 to vector<16xi32>
    %div3A_436 = arith.divsi %add3A_14, %div3A_435 : vector<16xi32>
    %sign3A_437 = arith.constant 0 : i32
    %sign3A_438 = vector.broadcast %sign3A_437 : i32 to vector<16xi32>
    %sign3A_439 = arith.cmpi sgt, %add3A_14, %sign3A_438 : vector<16xi32>
    %sign3A_440 = arith.extui %sign3A_439 : vector<16xi1> to vector<16xi32>
    %sign3A_441 = arith.constant 0 : i32
    %sign3A_442 = vector.broadcast %sign3A_441 : i32 to vector<16xi32>
    %sign3A_443 = arith.cmpi slt, %add3A_14, %sign3A_442 : vector<16xi32>
    %sign3A_444 = arith.extui %sign3A_443 : vector<16xi1> to vector<16xi32>
    %sign3A_445 = arith.subi %sign3A_440, %sign3A_444 : vector<16xi32>
    %sign3A_446 = arith.constant 0 : i32
    %sign3A_447 = arith.cmpi sgt, %jit3A_434, %sign3A_446 : i32
    %sign3A_448 = arith.extui %sign3A_447 : i1 to i32
    %sign3A_449 = arith.constant 0 : i32
    %sign3A_450 = arith.cmpi slt, %jit3A_434, %sign3A_449 : i32
    %sign3A_451 = arith.extui %sign3A_450 : i1 to i32
    %sign3A_452 = arith.subi %sign3A_448, %sign3A_451 : i32
    %ne3A_453 = vector.broadcast %sign3A_452 : i32 to vector<16xi32>
    %ne3A_454 = arith.cmpi ne, %sign3A_445, %ne3A_453 : vector<16xi32>
    %rem3A_455 = vector.broadcast %jit3A_434 : i32 to vector<16xi32>
    %rem3A_456 = arith.remsi %add3A_14, %rem3A_455 : vector<16xi32>
    %ne3A_457 = arith.constant 0 : i32
    %ne3A_458 = vector.broadcast %ne3A_457 : i32 to vector<16xi32>
    %ne3A_459 = arith.cmpi ne, %rem3A_456, %ne3A_458 : vector<16xi32>
    %and3A_460 = arith.andi %ne3A_454, %ne3A_459 : vector<16xi1>
    %sub3A_461 = arith.constant 1 : i32
    %sub3A_462 = vector.broadcast %sub3A_461 : i32 to vector<16xi32>
    %sub3A_463 = arith.subi %div3A_436, %sub3A_462 : vector<16xi32>
    %select_n3A_464 = arith.select %and3A_460, %sub3A_463, %div3A_436 : vector<16xi1>, vector<16xi32>
    %jit3A_465 = arith.constant 8 : i32
    %eq3A = arith.constant 0 : i32
    %eq3A_466 = arith.cmpi eq, %jit3A_465, %eq3A : i32
    %jit3A_467 = arith.constant 1 : i32
    %select_n3A_468 = arith.select %eq3A_466, %jit3A_467, %jit3A_465 : i32
    %rem3A_469 = vector.broadcast %select_n3A_468 : i32 to vector<16xi32>
    %rem3A_470 = arith.remsi %add3A_5, %rem3A_469 : vector<16xi32>
    %ne3A_471 = arith.constant 0 : i32
    %ne3A_472 = vector.broadcast %ne3A_471 : i32 to vector<16xi32>
    %ne3A_473 = arith.cmpi ne, %rem3A_470, %ne3A_472 : vector<16xi32>
    %lt3A = arith.constant 0 : i32
    %lt3A_474 = vector.broadcast %lt3A : i32 to vector<16xi32>
    %lt3A_475 = arith.cmpi slt, %rem3A_470, %lt3A_474 : vector<16xi32>
    %lt3A_476 = arith.constant 0 : i32
    %lt3A_477 = arith.cmpi slt, %select_n3A_468, %lt3A_476 : i32
    %ne3A_478 = vector.broadcast %lt3A_477 : i1 to vector<16xi1>
    %ne3A_479 = vector.broadcast %ne3A_478 : vector<16xi1> to vector<16xi1>
    %ne3A_480 = arith.xori %lt3A_475, %ne3A_479 : vector<16xi1>
    %and3A_481 = arith.andi %ne3A_480, %ne3A_473 : vector<16xi1>
    %add3A_482 = vector.broadcast %select_n3A_468 : i32 to vector<16xi32>
    %add3A_483 = arith.addi %rem3A_470, %add3A_482 : vector<16xi32>
    %select_n3A_484 = arith.select %and3A_481, %add3A_483, %rem3A_470 : vector<16xi1>, vector<16xi32>
    %jit3A_485 = arith.constant 8 : i32
    %eq3A_486 = arith.constant 0 : i32
    %eq3A_487 = arith.cmpi eq, %jit3A_485, %eq3A_486 : i32
    %jit3A_488 = arith.constant 1 : i32
    %select_n3A_489 = arith.select %eq3A_487, %jit3A_488, %jit3A_485 : i32
    %rem3A_490 = vector.broadcast %select_n3A_489 : i32 to vector<16xi32>
    %rem3A_491 = arith.remsi %add3A_8, %rem3A_490 : vector<16xi32>
    %ne3A_492 = arith.constant 0 : i32
    %ne3A_493 = vector.broadcast %ne3A_492 : i32 to vector<16xi32>
    %ne3A_494 = arith.cmpi ne, %rem3A_491, %ne3A_493 : vector<16xi32>
    %lt3A_495 = arith.constant 0 : i32
    %lt3A_496 = vector.broadcast %lt3A_495 : i32 to vector<16xi32>
    %lt3A_497 = arith.cmpi slt, %rem3A_491, %lt3A_496 : vector<16xi32>
    %lt3A_498 = arith.constant 0 : i32
    %lt3A_499 = arith.cmpi slt, %select_n3A_489, %lt3A_498 : i32
    %ne3A_500 = vector.broadcast %lt3A_499 : i1 to vector<16xi1>
    %ne3A_501 = vector.broadcast %ne3A_500 : vector<16xi1> to vector<16xi1>
    %ne3A_502 = arith.xori %lt3A_497, %ne3A_501 : vector<16xi1>
    %and3A_503 = arith.andi %ne3A_502, %ne3A_494 : vector<16xi1>
    %add3A_504 = vector.broadcast %select_n3A_489 : i32 to vector<16xi32>
    %add3A_505 = arith.addi %rem3A_491, %add3A_504 : vector<16xi32>
    %select_n3A_506 = arith.select %and3A_503, %add3A_505, %rem3A_491 : vector<16xi1>, vector<16xi32>
    %jit3A_507 = arith.constant 8 : i32
    %eq3A_508 = arith.constant 0 : i32
    %eq3A_509 = arith.cmpi eq, %jit3A_507, %eq3A_508 : i32
    %jit3A_510 = arith.constant 1 : i32
    %select_n3A_511 = arith.select %eq3A_509, %jit3A_510, %jit3A_507 : i32
    %rem3A_512 = vector.broadcast %select_n3A_511 : i32 to vector<16xi32>
    %rem3A_513 = arith.remsi %add3A_11, %rem3A_512 : vector<16xi32>
    %ne3A_514 = arith.constant 0 : i32
    %ne3A_515 = vector.broadcast %ne3A_514 : i32 to vector<16xi32>
    %ne3A_516 = arith.cmpi ne, %rem3A_513, %ne3A_515 : vector<16xi32>
    %lt3A_517 = arith.constant 0 : i32
    %lt3A_518 = vector.broadcast %lt3A_517 : i32 to vector<16xi32>
    %lt3A_519 = arith.cmpi slt, %rem3A_513, %lt3A_518 : vector<16xi32>
    %lt3A_520 = arith.constant 0 : i32
    %lt3A_521 = arith.cmpi slt, %select_n3A_511, %lt3A_520 : i32
    %ne3A_522 = vector.broadcast %lt3A_521 : i1 to vector<16xi1>
    %ne3A_523 = vector.broadcast %ne3A_522 : vector<16xi1> to vector<16xi1>
    %ne3A_524 = arith.xori %lt3A_519, %ne3A_523 : vector<16xi1>
    %and3A_525 = arith.andi %ne3A_524, %ne3A_516 : vector<16xi1>
    %add3A_526 = vector.broadcast %select_n3A_511 : i32 to vector<16xi32>
    %add3A_527 = arith.addi %rem3A_513, %add3A_526 : vector<16xi32>
    %select_n3A_528 = arith.select %and3A_525, %add3A_527, %rem3A_513 : vector<16xi1>, vector<16xi32>
    %jit3A_529 = arith.constant 8 : i32
    %eq3A_530 = arith.constant 0 : i32
    %eq3A_531 = arith.cmpi eq, %jit3A_529, %eq3A_530 : i32
    %jit3A_532 = arith.constant 1 : i32
    %select_n3A_533 = arith.select %eq3A_531, %jit3A_532, %jit3A_529 : i32
    %rem3A_534 = vector.broadcast %select_n3A_533 : i32 to vector<16xi32>
    %rem3A_535 = arith.remsi %add3A_14, %rem3A_534 : vector<16xi32>
    %ne3A_536 = arith.constant 0 : i32
    %ne3A_537 = vector.broadcast %ne3A_536 : i32 to vector<16xi32>
    %ne3A_538 = arith.cmpi ne, %rem3A_535, %ne3A_537 : vector<16xi32>
    %lt3A_539 = arith.constant 0 : i32
    %lt3A_540 = vector.broadcast %lt3A_539 : i32 to vector<16xi32>
    %lt3A_541 = arith.cmpi slt, %rem3A_535, %lt3A_540 : vector<16xi32>
    %lt3A_542 = arith.constant 0 : i32
    %lt3A_543 = arith.cmpi slt, %select_n3A_533, %lt3A_542 : i32
    %ne3A_544 = vector.broadcast %lt3A_543 : i1 to vector<16xi1>
    %ne3A_545 = vector.broadcast %ne3A_544 : vector<16xi1> to vector<16xi1>
    %ne3A_546 = arith.xori %lt3A_541, %ne3A_545 : vector<16xi1>
    %and3A_547 = arith.andi %ne3A_546, %ne3A_538 : vector<16xi1>
    %add3A_548 = vector.broadcast %select_n3A_533 : i32 to vector<16xi32>
    %add3A_549 = arith.addi %rem3A_535, %add3A_548 : vector<16xi32>
    %select_n3A_550 = arith.select %and3A_547, %add3A_549, %rem3A_535 : vector<16xi1>, vector<16xi32>
    %scan3A = arith.constant 0 : i32
    %scan3A_551 = arith.constant 32 : i32
    %scan3A_552 = arith.addi %scan3A, %scan3A_551 : i32
    %scan3A_553 = arith.constant 1 : i32
    scf.for %scan3A_885 = %scan3A to %scan3A_552 step %scan3A_553  : i32 {
      %mul3A_886 = arith.constant 4 : i32
      %mul3A_887 = arith.muli %scan3A_885, %mul3A_886 : i32
      %add3A_888 = arith.constant 0 : i32
      %add3A_889 = arith.addi %add3A_888, %mul3A_887 : i32
      %add3A_890 = arith.constant 0 : i32
      %add3A_891 = arith.addi %add3A_889, %add3A_890 : i32
      %add3A_892 = arith.constant 1 : i32
      %add3A_893 = arith.addi %add3A_889, %add3A_892 : i32
      %add3A_894 = arith.constant 2 : i32
      %add3A_895 = arith.addi %add3A_889, %add3A_894 : i32
      %add3A_896 = arith.constant 3 : i32
      %add3A_897 = arith.addi %add3A_889, %add3A_896 : i32
      %broadcast_in_dim3A = vector.broadcast %add3A_891 : i32 to vector<16xi32>
      %broadcast_in_dim3A_898 = vector.broadcast %add3A_893 : i32 to vector<16xi32>
      %broadcast_in_dim3A_899 = vector.broadcast %add3A_895 : i32 to vector<16xi32>
      %broadcast_in_dim3A_900 = vector.broadcast %add3A_897 : i32 to vector<16xi32>
      %mul3A_901 = arith.constant 2 : i32
      %mul3A_902 = arith.muli %mul3A_901, %add3A_891 : i32
      %add3A_903 = arith.constant 0 : i32
      %add3A_904 = arith.addi %mul3A_902, %add3A_903 : i32
      %get3A_905 = arith.index_cast %add3A_904 : i32 to index
      %get3A_906 = arith.constant 0 : index
      %get3A_907 = tpu.vector_load %arg10[%get3A_905, %get3A_906] {strides = array<i32>} : memref<256x32xf32, #tpu.memory_space<vmem>>, vector<16xf32>,
      %mul3A_908 = arith.constant 2 : i32
      %mul3A_909 = arith.muli %mul3A_908, %add3A_891 : i32
      %add3A_910 = arith.constant 0 : i32
      %add3A_911 = arith.addi %mul3A_909, %add3A_910 : i32
      %get3A_912 = arith.index_cast %add3A_911 : i32 to index
      %get3A_913 = arith.constant 16 : index
      %get3A_914 = tpu.vector_load %arg10[%get3A_912, %get3A_913] {strides = array<i32>} : memref<256x32xf32, #tpu.memory_space<vmem>>, vector<16xf32>,
      %mul3A_915 = arith.constant 2 : i32
      %mul3A_916 = arith.muli %mul3A_915, %add3A_891 : i32
      %add3A_917 = arith.constant 1 : i32
      %add3A_918 = arith.addi %mul3A_916, %add3A_917 : i32
      %get3A_919 = arith.index_cast %add3A_918 : i32 to index
      %get3A_920 = arith.constant 0 : index
      %get3A_921 = tpu.vector_load %arg10[%get3A_919, %get3A_920] {strides = array<i32>} : memref<256x32xf32, #tpu.memory_space<vmem>>, vector<16xf32>,
      %mul3A_922 = arith.constant 2 : i32
      %mul3A_923 = arith.muli %mul3A_922, %add3A_891 : i32
      %add3A_924 = arith.constant 1 : i32
      %add3A_925 = arith.addi %mul3A_923, %add3A_924 : i32
      %get3A_926 = arith.index_cast %add3A_925 : i32 to index
      %get3A_927 = arith.constant 16 : index
      %get3A_928 = tpu.vector_load %arg10[%get3A_926, %get3A_927] {strides = array<i32>} : memref<256x32xf32, #tpu.memory_space<vmem>>, vector<16xf32>,
      %mul3A_929 = arith.constant 2 : i32
      %mul3A_930 = arith.muli %mul3A_929, %add3A_893 : i32
      %add3A_931 = arith.constant 0 : i32
      %add3A_932 = arith.addi %mul3A_930, %add3A_931 : i32
      %get3A_933 = arith.index_cast %add3A_932 : i32 to index
      %get3A_934 = arith.constant 0 : index
      %get3A_935 = tpu.vector_load %arg10[%get3A_933, %get3A_934] {strides = array<i32>} : memref<256x32xf32, #tpu.memory_space<vmem>>, vector<16xf32>,
      %mul3A_936 = arith.constant 2 : i32
      %mul3A_937 = arith.muli %mul3A_936, %add3A_893 : i32
      %add3A_938 = arith.constant 0 : i32
      %add3A_939 = arith.addi %mul3A_937, %add3A_938 : i32
      %get3A_940 = arith.index_cast %add3A_939 : i32 to index
      %get3A_941 = arith.constant 16 : index
      %get3A_942 = tpu.vector_load %arg10[%get3A_940, %get3A_941] {strides = array<i32>} : memref<256x32xf32, #tpu.memory_space<vmem>>, vector<16xf32>,
      %mul3A_943 = arith.constant 2 : i32
      %mul3A_944 = arith.muli %mul3A_943, %add3A_893 : i32
      %add3A_945 = arith.constant 1 : i32
      %add3A_946 = arith.addi %mul3A_944, %add3A_945 : i32
      %get3A_947 = arith.index_cast %add3A_946 : i32 to index
      %get3A_948 = arith.constant 0 : index
      %get3A_949 = tpu.vector_load %arg10[%get3A_947, %get3A_948] {strides = array<i32>} : memref<256x32xf32, #tpu.memory_space<vmem>>, vector<16xf32>,
      %mul3A_950 = arith.constant 2 : i32
      %mul3A_951 = arith.muli %mul3A_950, %add3A_893 : i32
      %add3A_952 = arith.constant 1 : i32
      %add3A_953 = arith.addi %mul3A_951, %add3A_952 : i32
      %get3A_954 = arith.index_cast %add3A_953 : i32 to index
      %get3A_955 = arith.constant 16 : index
      %get3A_956 = tpu.vector_load %arg10[%get3A_954, %get3A_955] {strides = array<i32>} : memref<256x32xf32, #tpu.memory_space<vmem>>, vector<16xf32>,
      %mul3A_957 = arith.constant 2 : i32
      %mul3A_958 = arith.muli %mul3A_957, %add3A_895 : i32
      %add3A_959 = arith.constant 0 : i32
      %add3A_960 = arith.addi %mul3A_958, %add3A_959 : i32
      %get3A_961 = arith.index_cast %add3A_960 : i32 to index
      %get3A_962 = arith.constant 0 : index
      %get3A_963 = tpu.vector_load %arg10[%get3A_961, %get3A_962] {strides = array<i32>} : memref<256x32xf32, #tpu.memory_space<vmem>>, vector<16xf32>,
      %mul3A_964 = arith.constant 2 : i32
      %mul3A_965 = arith.muli %mul3A_964, %add3A_895 : i32
      %add3A_966 = arith.constant 0 : i32
      %add3A_967 = arith.addi %mul3A_965, %add3A_966 : i32
      %get3A_968 = arith.index_cast %add3A_967 : i32 to index
      %get3A_969 = arith.constant 16 : index
      %get3A_970 = tpu.vector_load %arg10[%get3A_968, %get3A_969] {strides = array<i32>} : memref<256x32xf32, #tpu.memory_space<vmem>>, vector<16xf32>,
      %mul3A_971 = arith.constant 2 : i32
      %mul3A_972 = arith.muli %mul3A_971, %add3A_895 : i32
      %add3A_973 = arith.constant 1 : i32
      %add3A_974 = arith.addi %mul3A_972, %add3A_973 : i32
      %get3A_975 = arith.index_cast %add3A_974 : i32 to index
      %get3A_976 = arith.constant 0 : index
      %get3A_977 = tpu.vector_load %arg10[%get3A_975, %get3A_976] {strides = array<i32>} : memref<256x32xf32, #tpu.memory_space<vmem>>, vector<16xf32>,
      %mul3A_978 = arith.constant 2 : i32
      %mul3A_979 = arith.muli %mul3A_978, %add3A_895 : i32
      %add3A_980 = arith.constant 1 : i32
      %add3A_981 = arith.addi %mul3A_979, %add3A_980 : i32
      %get3A_982 = arith.index_cast %add3A_981 : i32 to index
      %get3A_983 = arith.constant 16 : index
      %get3A_984 = tpu.vector_load %arg10[%get3A_982, %get3A_983] {strides = array<i32>} : memref<256x32xf32, #tpu.memory_space<vmem>>, vector<16xf32>,
      %mul3A_985 = arith.constant 2 : i32
      %mul3A_986 = arith.muli %mul3A_985, %add3A_897 : i32
      %add3A_987 = arith.constant 0 : i32
      %add3A_988 = arith.addi %mul3A_986, %add3A_987 : i32
      %get3A_989 = arith.index_cast %add3A_988 : i32 to index
      %get3A_990 = arith.constant 0 : index
      %get3A_991 = tpu.vector_load %arg10[%get3A_989, %get3A_990] {strides = array<i32>} : memref<256x32xf32, #tpu.memory_space<vmem>>, vector<16xf32>,
      %mul3A_992 = arith.constant 2 : i32
      %mul3A_993 = arith.muli %mul3A_992, %add3A_897 : i32
      %add3A_994 = arith.constant 0 : i32
      %add3A_995 = arith.addi %mul3A_993, %add3A_994 : i32
      %get3A_996 = arith.index_cast %add3A_995 : i32 to index
      %get3A_997 = arith.constant 16 : index
      %get3A_998 = tpu.vector_load %arg10[%get3A_996, %get3A_997] {strides = array<i32>} : memref<256x32xf32, #tpu.memory_space<vmem>>, vector<16xf32>,
      %mul3A_999 = arith.constant 2 : i32
      %mul3A_1000 = arith.muli %mul3A_999, %add3A_897 : i32
      %add3A_1001 = arith.constant 1 : i32
      %add3A_1002 = arith.addi %mul3A_1000, %add3A_1001 : i32
      %get3A_1003 = arith.index_cast %add3A_1002 : i32 to index
      %get3A_1004 = arith.constant 0 : index
      %get3A_1005 = tpu.vector_load %arg10[%get3A_1003, %get3A_1004] {strides = array<i32>} : memref<256x32xf32, #tpu.memory_space<vmem>>, vector<16xf32>,
      %mul3A_1006 = arith.constant 2 : i32
      %mul3A_1007 = arith.muli %mul3A_1006, %add3A_897 : i32
      %add3A_1008 = arith.constant 1 : i32
      %add3A_1009 = arith.addi %mul3A_1007, %add3A_1008 : i32
      %get3A_1010 = arith.index_cast %add3A_1009 : i32 to index
      %get3A_1011 = arith.constant 16 : index
      %get3A_1012 = tpu.vector_load %arg10[%get3A_1010, %get3A_1011] {strides = array<i32>} : memref<256x32xf32, #tpu.memory_space<vmem>>, vector<16xf32>,
      %add3A_1013 = arith.addf %get3A_907, %get3A_336 : vector<16xf32>
      %add3A_1014 = arith.addf %get3A_914, %get3A_340 : vector<16xf32>
      %add3A_1015 = arith.addf %get3A_921, %get3A_344 : vector<16xf32>
      %add3A_1016 = arith.addf %get3A_928, %get3A_348 : vector<16xf32>
      %add3A_1017 = arith.addf %get3A_935, %get3A_336 : vector<16xf32>
      %add3A_1018 = arith.addf %get3A_942, %get3A_340 : vector<16xf32>
      %add3A_1019 = arith.addf %get3A_949, %get3A_344 : vector<16xf32>
      %add3A_1020 = arith.addf %get3A_956, %get3A_348 : vector<16xf32>
      %add3A_1021 = arith.addf %get3A_963, %get3A_336 : vector<16xf32>
      %add3A_1022 = arith.addf %get3A_970, %get3A_340 : vector<16xf32>
      %add3A_1023 = arith.addf %get3A_977, %get3A_344 : vector<16xf32>
      %add3A_1024 = arith.addf %get3A_984, %get3A_348 : vector<16xf32>
      %add3A_1025 = arith.addf %get3A_991, %get3A_336 : vector<16xf32>
      %add3A_1026 = arith.addf %get3A_998, %get3A_340 : vector<16xf32>
      %add3A_1027 = arith.addf %get3A_1005, %get3A_344 : vector<16xf32>
      %add3A_1028 = arith.addf %get3A_1012, %get3A_348 : vector<16xf32>
      tpu.vector_store_idx %arg12[%select_n3A, %select_n3A_484, %broadcast_in_dim3A], %add3A_1013 : memref<8x8x132xf32, #tpu.memory_space<vmem>>[vector<16xi32>, vector<16xi32>, vector<16xi32>], vector<16xf32>,
      tpu.vector_store_idx %arg12[%select_n3A_402, %select_n3A_506, %broadcast_in_dim3A], %add3A_1014 : memref<8x8x132xf32, #tpu.memory_space<vmem>>[vector<16xi32>, vector<16xi32>, vector<16xi32>], vector<16xf32>,
      tpu.vector_store_idx %arg12[%select_n3A_433, %select_n3A_528, %broadcast_in_dim3A], %add3A_1015 : memref<8x8x132xf32, #tpu.memory_space<vmem>>[vector<16xi32>, vector<16xi32>, vector<16xi32>], vector<16xf32>,
      tpu.vector_store_idx %arg12[%select_n3A_464, %select_n3A_550, %broadcast_in_dim3A], %add3A_1016 : memref<8x8x132xf32, #tpu.memory_space<vmem>>[vector<16xi32>, vector<16xi32>, vector<16xi32>], vector<16xf32>,
      tpu.vector_store_idx %arg12[%select_n3A, %select_n3A_484, %broadcast_in_dim3A_898], %add3A_1017 : memref<8x8x132xf32, #tpu.memory_space<vmem>>[vector<16xi32>, vector<16xi32>, vector<16xi32>], vector<16xf32>,
      tpu.vector_store_idx %arg12[%select_n3A_402, %select_n3A_506, %broadcast_in_dim3A_898], %add3A_1018 : memref<8x8x132xf32, #tpu.memory_space<vmem>>[vector<16xi32>, vector<16xi32>, vector<16xi32>], vector<16xf32>,
      tpu.vector_store_idx %arg12[%select_n3A_433, %select_n3A_528, %broadcast_in_dim3A_898], %add3A_1019 : memref<8x8x132xf32, #tpu.memory_space<vmem>>[vector<16xi32>, vector<16xi32>, vector<16xi32>], vector<16xf32>,
      tpu.vector_store_idx %arg12[%select_n3A_464, %select_n3A_550, %broadcast_in_dim3A_898], %add3A_1020 : memref<8x8x132xf32, #tpu.memory_space<vmem>>[vector<16xi32>, vector<16xi32>, vector<16xi32>], vector<16xf32>,
      tpu.vector_store_idx %arg12[%select_n3A, %select_n3A_484, %broadcast_in_dim3A_899], %add3A_1021 : memref<8x8x132xf32, #tpu.memory_space<vmem>>[vector<16xi32>, vector<16xi32>, vector<16xi32>], vector<16xf32>,
      tpu.vector_store_idx %arg12[%select_n3A_402, %select_n3A_506, %broadcast_in_dim3A_899], %add3A_1022 : memref<8x8x132xf32, #tpu.memory_space<vmem>>[vector<16xi32>, vector<16xi32>, vector<16xi32>], vector<16xf32>,
      tpu.vector_store_idx %arg12[%select_n3A_433, %select_n3A_528, %broadcast_in_dim3A_899], %add3A_1023 : memref<8x8x132xf32, #tpu.memory_space<vmem>>[vector<16xi32>, vector<16xi32>, vector<16xi32>], vector<16xf32>,
      tpu.vector_store_idx %arg12[%select_n3A_464, %select_n3A_550, %broadcast_in_dim3A_899], %add3A_1024 : memref<8x8x132xf32, #tpu.memory_space<vmem>>[vector<16xi32>, vector<16xi32>, vector<16xi32>], vector<16xf32>,
      tpu.vector_store_idx %arg12[%select_n3A, %select_n3A_484, %broadcast_in_dim3A_900], %add3A_1025 : memref<8x8x132xf32, #tpu.memory_space<vmem>>[vector<16xi32>, vector<16xi32>, vector<16xi32>], vector<16xf32>,
      tpu.vector_store_idx %arg12[%select_n3A_402, %select_n3A_506, %broadcast_in_dim3A_900], %add3A_1026 : memref<8x8x132xf32, #tpu.memory_space<vmem>>[vector<16xi32>, vector<16xi32>, vector<16xi32>], vector<16xf32>,
      tpu.vector_store_idx %arg12[%select_n3A_433, %select_n3A_528, %broadcast_in_dim3A_900], %add3A_1027 : memref<8x8x132xf32, #tpu.memory_space<vmem>>[vector<16xi32>, vector<16xi32>, vector<16xi32>], vector<16xf32>,
      tpu.vector_store_idx %arg12[%select_n3A_464, %select_n3A_550, %broadcast_in_dim3A_900], %add3A_1028 : memref<8x8x132xf32, #tpu.memory_space<vmem>>[vector<16xi32>, vector<16xi32>, vector<16xi32>], vector<16xf32>,
    }
    %scan3A_554 = arith.constant 32 : i32
    %dma_start3A_555 = arith.constant 0 : i32
    %dma_start3A_556 = arith.constant 0 : i32
    %dma_start3A_557 = arith.constant 0 : i32
    %dma_start3A_558 = arith.constant 0 : i32
    %dma_start3A_559 = tpu.memref_slice %arg12[%dma_start3A_556, %dma_start3A_557, %dma_start3A_558] : memref<8x8x132xf32, #tpu.memory_space<vmem>> -> memref<8x8x128xf32, #tpu.memory_space<vmem>>
    %dma_start3A_560 = arith.constant 0 : i32
    %dma_start3A_561 = arith.constant 0 : i32
    %dma_start3A_562 = arith.constant 0 : i32
    %dma_start3A_563 = tpu.memref_slice %arg5[%dma_start3A_555, %dma_start3A_560, %add3A, %dma_start3A_561, %dma_start3A_562] : memref<200x8x32x8x128xf32, #tpu.memory_space<hbm>> -> memref<1x8x1x8x128xf32, #tpu.memory_space<hbm>>
    %dma_start3A_564 = tpu.memref_squeeze %dma_start3A_563 : memref<1x8x1x8x128xf32, #tpu.memory_space<hbm>> -> memref<8x8x128xf32, #tpu.memory_space<hbm>>
    %dma_start3A_565 = arith.constant 0 : i32
    %dma_start3A_566 = arith.constant 0 : i32
    %dma_start3A_567 = arith.constant 0 : i32
    %dma_start3A_568 = tpu.memref_slice %arg5[%dma_start3A_555, %dma_start3A_565, %add3A, %dma_start3A_566, %dma_start3A_567] : memref<200x8x32x8x128xf32, #tpu.memory_space<hbm>> -> memref<1x8x1x8x128xf32, #tpu.memory_space<hbm>>
    %dma_start3A_569 = tpu.memref_squeeze %dma_start3A_568 : memref<1x8x1x8x128xf32, #tpu.memory_space<hbm>> -> memref<8x8x128xf32, #tpu.memory_space<hbm>>
    %dma_start3A_570 = arith.constant 0 : i32
    %dma_start3A_571 = arith.constant 0 : i32
    %dma_start3A_572 = arith.constant 0 : i32
    %dma_start3A_573 = tpu.memref_slice %arg12[%dma_start3A_570, %dma_start3A_571, %dma_start3A_572] : memref<8x8x132xf32, #tpu.memory_space<vmem>> -> memref<8x8x128xf32, #tpu.memory_space<vmem>>
    tpu.enqueue_dma source(%dma_start3A_573 : memref<8x8x128xf32, #tpu.memory_space<vmem>>) target(%dma_start3A_569 : memref<8x8x128xf32, #tpu.memory_space<hbm>>) target_semaphore(%arg16 : memref<!tpu.dma_semaphore, #tpu.memory_space<semaphore_mem>>)
    %scan3A_574 = arith.constant 0 : i32
    %scan3A_575 = arith.constant 99 : i32
    %scan3A_576 = arith.addi %scan3A_574, %scan3A_575 : i32
    %scan3A_577 = arith.constant 1 : i32
    scf.for %scan3A_885 = %scan3A_574 to %scan3A_576 step %scan3A_577  : i32 {
      %mul3A_886 = arith.constant 2 : i32
      %mul3A_887 = arith.muli %scan3A_885, %mul3A_886 : i32
      %add3A_888 = arith.constant 2 : i32
      %add3A_889 = arith.addi %add3A_888, %mul3A_887 : i32
      %add3A_890 = arith.constant 0 : i32
      %add3A_891 = arith.addi %add3A_889, %add3A_890 : i32
      %sub3A_892 = arith.constant 2 : i32
      %sub3A_893 = arith.subi %add3A_891, %sub3A_892 : i32
      %dma_wait3A_894 = arith.constant 0 : i32
      %dma_wait3A_895 = arith.constant 0 : i32
      %dma_wait3A_896 = arith.constant 0 : i32
      %dma_wait3A_897 = tpu.memref_slice %arg12[%dma_wait3A_894, %dma_wait3A_895, %dma_wait3A_896] : memref<8x8x132xf32, #tpu.memory_space<vmem>> -> memref<8x8x128xf32, #tpu.memory_space<vmem>>
      %dma_wait3A_898 = arith.constant 0 : i32
      %dma_wait3A_899 = arith.constant 0 : i32
      %dma_wait3A_900 = arith.constant 0 : i32
      %dma_wait3A_901 = tpu.memref_slice %arg5[%sub3A_893, %dma_wait3A_898, %add3A, %dma_wait3A_899, %dma_wait3A_900] : memref<200x8x32x8x128xf32, #tpu.memory_space<hbm>> -> memref<1x8x1x8x128xf32, #tpu.memory_space<hbm>>
      %dma_wait3A_902 = tpu.memref_squeeze %dma_wait3A_901 : memref<1x8x1x8x128xf32, #tpu.memory_space<hbm>> -> memref<8x8x128xf32, #tpu.memory_space<hbm>>
      %dma_wait3A_903 = arith.constant 0 : i32
      %dma_wait3A_904 = arith.constant 0 : i32
      %dma_wait3A_905 = arith.constant 0 : i32
      %dma_wait3A_906 = tpu.memref_slice %arg5[%sub3A_893, %dma_wait3A_903, %add3A, %dma_wait3A_904, %dma_wait3A_905] : memref<200x8x32x8x128xf32, #tpu.memory_space<hbm>> -> memref<1x8x1x8x128xf32, #tpu.memory_space<hbm>>
      %dma_wait3A_907 = tpu.memref_squeeze %dma_wait3A_906 : memref<1x8x1x8x128xf32, #tpu.memory_space<hbm>> -> memref<8x8x128xf32, #tpu.memory_space<hbm>>
      %dma_wait3A_908 = arith.constant 0 : i32
      %dma_wait3A_909 = arith.constant 0 : i32
      %dma_wait3A_910 = arith.constant 0 : i32
      %dma_wait3A_911 = tpu.memref_slice %arg12[%dma_wait3A_908, %dma_wait3A_909, %dma_wait3A_910] : memref<8x8x132xf32, #tpu.memory_space<vmem>> -> memref<8x8x128xf32, #tpu.memory_space<vmem>>
      tpu.wait_dma2 semaphore(%arg16 : memref<!tpu.dma_semaphore, #tpu.memory_space<semaphore_mem>>) src(%dma_wait3A_911 : memref<8x8x128xf32, #tpu.memory_space<vmem>>) dst(%dma_wait3A_907 : memref<8x8x128xf32, #tpu.memory_space<hbm>>)
      "tpu.region"() ({
        %run_scoped3A_1772 = tpu.sem_alloc : memref<!tpu.dma_semaphore, #tpu.memory_space<semaphore_mem>>
        %dma_start3A_1773 = tpu.memref_slice %arg2[%add3A_891, %mul3A_2] : memref<200x4096xi32, #tpu.memory_space<hbm>> -> memref<1x128xi32, #tpu.memory_space<hbm>>
        %dma_start3A_1774 = tpu.memref_squeeze %dma_start3A_1773 : memref<1x128xi32, #tpu.memory_space<hbm>> -> memref<128xi32, #tpu.memory_space<hbm>>
        %dma_start3A_1775 = tpu.memref_slice %arg2[%add3A_891, %mul3A_2] : memref<200x4096xi32, #tpu.memory_space<hbm>> -> memref<1x128xi32, #tpu.memory_space<hbm>>
        %dma_start3A_1776 = tpu.memref_squeeze %dma_start3A_1775 : memref<1x128xi32, #tpu.memory_space<hbm>> -> memref<128xi32, #tpu.memory_space<hbm>>
        tpu.enqueue_dma source(%dma_start3A_1776 : memref<128xi32, #tpu.memory_space<hbm>>) target(%arg7 : memref<128xi32, #tpu.memory_space<vmem>>) target_semaphore(%run_scoped3A_1772 : memref<!tpu.dma_semaphore, #tpu.memory_space<semaphore_mem>>)
        %dma_wait3A_1777 = tpu.memref_slice %arg2[%add3A_891, %mul3A_2] : memref<200x4096xi32, #tpu.memory_space<hbm>> -> memref<1x128xi32, #tpu.memory_space<hbm>>
        %dma_wait3A_1778 = tpu.memref_squeeze %dma_wait3A_1777 : memref<1x128xi32, #tpu.memory_space<hbm>> -> memref<128xi32, #tpu.memory_space<hbm>>
        %dma_wait3A_1779 = tpu.memref_slice %arg2[%add3A_891, %mul3A_2] : memref<200x4096xi32, #tpu.memory_space<hbm>> -> memref<1x128xi32, #tpu.memory_space<hbm>>
        %dma_wait3A_1780 = tpu.memref_squeeze %dma_wait3A_1779 : memref<1x128xi32, #tpu.memory_space<hbm>> -> memref<128xi32, #tpu.memory_space<hbm>>
        tpu.wait_dma2 semaphore(%run_scoped3A_1772 : memref<!tpu.dma_semaphore, #tpu.memory_space<semaphore_mem>>) src(%dma_wait3A_1780 : memref<128xi32, #tpu.memory_space<hbm>>) dst(%arg7 : memref<128xi32, #tpu.memory_space<vmem>>)
        tpu.yield
      }) : () -> ()
      %get3A_912 = arith.constant 0 : index
      %get3A_913 = tpu.vector_load %arg7[%get3A_912] {strides = array<i32>} : memref<128xi32, #tpu.memory_space<vmem>>, vector<16xi32>,
      %mul3A_914 = arith.constant 2 : i32
      %mul3A_915 = vector.broadcast %mul3A_914 : i32 to vector<16xi32>
      %mul3A_916 = arith.muli %get3A_913, %mul3A_915 : vector<16xi32>
      %add3A_917 = arith.constant 0 : i32
      %add3A_918 = vector.broadcast %add3A_917 : i32 to vector<16xi32>
      %add3A_919 = arith.addi %add3A_918, %iota3A : vector<16xi32>
      %mul3A_920 = arith.constant 2 : i32
      %mul3A_921 = vector.broadcast %mul3A_920 : i32 to vector<16xi32>
      %mul3A_922 = arith.muli %add3A_919, %mul3A_921 : vector<16xi32>
      tpu.vector_store_idx %arg8[%mul3A_922], %mul3A_916 : memref<256xi32, #tpu.memory_space<vmem>>[vector<16xi32>], vector<16xi32>,
      %add3A_923 = arith.constant 1 : i32
      %add3A_924 = vector.broadcast %add3A_923 : i32 to vector<16xi32>
      %add3A_925 = arith.addi %mul3A_922, %add3A_924 : vector<16xi32>
      %add3A_926 = arith.constant 1 : i32
      %add3A_927 = vector.broadcast %add3A_926 : i32 to vector<16xi32>
      %add3A_928 = arith.addi %mul3A_916, %add3A_927 : vector<16xi32>
      tpu.vector_store_idx %arg8[%add3A_925], %add3A_928 : memref<256xi32, #tpu.memory_space<vmem>>[vector<16xi32>], vector<16xi32>,
      %get3A_929 = arith.constant 16 : index
      %get3A_930 = tpu.vector_load %arg7[%get3A_929] {strides = array<i32>} : memref<128xi32, #tpu.memory_space<vmem>>, vector<16xi32>,
      %mul3A_931 = arith.constant 2 : i32
      %mul3A_932 = vector.broadcast %mul3A_931 : i32 to vector<16xi32>
      %mul3A_933 = arith.muli %get3A_930, %mul3A_932 : vector<16xi32>
      %add3A_934 = arith.constant 16 : i32
      %add3A_935 = vector.broadcast %add3A_934 : i32 to vector<16xi32>
      %add3A_936 = arith.addi %add3A_935, %iota3A : vector<16xi32>
      %mul3A_937 = arith.constant 2 : i32
      %mul3A_938 = vector.broadcast %mul3A_937 : i32 to vector<16xi32>
      %mul3A_939 = arith.muli %add3A_936, %mul3A_938 : vector<16xi32>
      tpu.vector_store_idx %arg8[%mul3A_939], %mul3A_933 : memref<256xi32, #tpu.memory_space<vmem>>[vector<16xi32>], vector<16xi32>,
      %add3A_940 = arith.constant 1 : i32
      %add3A_941 = vector.broadcast %add3A_940 : i32 to vector<16xi32>
      %add3A_942 = arith.addi %mul3A_939, %add3A_941 : vector<16xi32>
      %add3A_943 = arith.constant 1 : i32
      %add3A_944 = vector.broadcast %add3A_943 : i32 to vector<16xi32>
      %add3A_945 = arith.addi %mul3A_933, %add3A_944 : vector<16xi32>
      tpu.vector_store_idx %arg8[%add3A_942], %add3A_945 : memref<256xi32, #tpu.memory_space<vmem>>[vector<16xi32>], vector<16xi32>,
      %get3A_946 = arith.constant 32 : index
      %get3A_947 = tpu.vector_load %arg7[%get3A_946] {strides = array<i32>} : memref<128xi32, #tpu.memory_space<vmem>>, vector<16xi32>,
      %mul3A_948 = arith.constant 2 : i32
      %mul3A_949 = vector.broadcast %mul3A_948 : i32 to vector<16xi32>
      %mul3A_950 = arith.muli %get3A_947, %mul3A_949 : vector<16xi32>
      %add3A_951 = arith.constant 32 : i32
      %add3A_952 = vector.broadcast %add3A_951 : i32 to vector<16xi32>
      %add3A_953 = arith.addi %add3A_952, %iota3A : vector<16xi32>
      %mul3A_954 = arith.constant 2 : i32
      %mul3A_955 = vector.broadcast %mul3A_954 : i32 to vector<16xi32>
      %mul3A_956 = arith.muli %add3A_953, %mul3A_955 : vector<16xi32>
      tpu.vector_store_idx %arg8[%mul3A_956], %mul3A_950 : memref<256xi32, #tpu.memory_space<vmem>>[vector<16xi32>], vector<16xi32>,
      %add3A_957 = arith.constant 1 : i32
      %add3A_958 = vector.broadcast %add3A_957 : i32 to vector<16xi32>
      %add3A_959 = arith.addi %mul3A_956, %add3A_958 : vector<16xi32>
      %add3A_960 = arith.constant 1 : i32
      %add3A_961 = vector.broadcast %add3A_960 : i32 to vector<16xi32>
      %add3A_962 = arith.addi %mul3A_950, %add3A_961 : vector<16xi32>
      tpu.vector_store_idx %arg8[%add3A_959], %add3A_962 : memref<256xi32, #tpu.memory_space<vmem>>[vector<16xi32>], vector<16xi32>,
      %get3A_963 = arith.constant 48 : index
      %get3A_964 = tpu.vector_load %arg7[%get3A_963] {strides = array<i32>} : memref<128xi32, #tpu.memory_space<vmem>>, vector<16xi32>,
      %mul3A_965 = arith.constant 2 : i32
      %mul3A_966 = vector.broadcast %mul3A_965 : i32 to vector<16xi32>
      %mul3A_967 = arith.muli %get3A_964, %mul3A_966 : vector<16xi32>
      %add3A_968 = arith.constant 48 : i32
      %add3A_969 = vector.broadcast %add3A_968 : i32 to vector<16xi32>
      %add3A_970 = arith.addi %add3A_969, %iota3A : vector<16xi32>
      %mul3A_971 = arith.constant 2 : i32
      %mul3A_972 = vector.broadcast %mul3A_971 : i32 to vector<16xi32>
      %mul3A_973 = arith.muli %add3A_970, %mul3A_972 : vector<16xi32>
      tpu.vector_store_idx %arg8[%mul3A_973], %mul3A_967 : memref<256xi32, #tpu.memory_space<vmem>>[vector<16xi32>], vector<16xi32>,
      %add3A_974 = arith.constant 1 : i32
      %add3A_975 = vector.broadcast %add3A_974 : i32 to vector<16xi32>
      %add3A_976 = arith.addi %mul3A_973, %add3A_975 : vector<16xi32>
      %add3A_977 = arith.constant 1 : i32
      %add3A_978 = vector.broadcast %add3A_977 : i32 to vector<16xi32>
      %add3A_979 = arith.addi %mul3A_967, %add3A_978 : vector<16xi32>
      tpu.vector_store_idx %arg8[%add3A_976], %add3A_979 : memref<256xi32, #tpu.memory_space<vmem>>[vector<16xi32>], vector<16xi32>,
      %get3A_980 = arith.constant 64 : index
      %get3A_981 = tpu.vector_load %arg7[%get3A_980] {strides = array<i32>} : memref<128xi32, #tpu.memory_space<vmem>>, vector<16xi32>,
      %mul3A_982 = arith.constant 2 : i32
      %mul3A_983 = vector.broadcast %mul3A_982 : i32 to vector<16xi32>
      %mul3A_984 = arith.muli %get3A_981, %mul3A_983 : vector<16xi32>
      %add3A_985 = arith.constant 64 : i32
      %add3A_986 = vector.broadcast %add3A_985 : i32 to vector<16xi32>
      %add3A_987 = arith.addi %add3A_986, %iota3A : vector<16xi32>
      %mul3A_988 = arith.constant 2 : i32
      %mul3A_989 = vector.broadcast %mul3A_988 : i32 to vector<16xi32>
      %mul3A_990 = arith.muli %add3A_987, %mul3A_989 : vector<16xi32>
      tpu.vector_store_idx %arg8[%mul3A_990], %mul3A_984 : memref<256xi32, #tpu.memory_space<vmem>>[vector<16xi32>], vector<16xi32>,
      %add3A_991 = arith.constant 1 : i32
      %add3A_992 = vector.broadcast %add3A_991 : i32 to vector<16xi32>
      %add3A_993 = arith.addi %mul3A_990, %add3A_992 : vector<16xi32>
      %add3A_994 = arith.constant 1 : i32
      %add3A_995 = vector.broadcast %add3A_994 : i32 to vector<16xi32>
      %add3A_996 = arith.addi %mul3A_984, %add3A_995 : vector<16xi32>
      tpu.vector_store_idx %arg8[%add3A_993], %add3A_996 : memref<256xi32, #tpu.memory_space<vmem>>[vector<16xi32>], vector<16xi32>,
      %get3A_997 = arith.constant 80 : index
      %get3A_998 = tpu.vector_load %arg7[%get3A_997] {strides = array<i32>} : memref<128xi32, #tpu.memory_space<vmem>>, vector<16xi32>,
      %mul3A_999 = arith.constant 2 : i32
      %mul3A_1000 = vector.broadcast %mul3A_999 : i32 to vector<16xi32>
      %mul3A_1001 = arith.muli %get3A_998, %mul3A_1000 : vector<16xi32>
      %add3A_1002 = arith.constant 80 : i32
      %add3A_1003 = vector.broadcast %add3A_1002 : i32 to vector<16xi32>
      %add3A_1004 = arith.addi %add3A_1003, %iota3A : vector<16xi32>
      %mul3A_1005 = arith.constant 2 : i32
      %mul3A_1006 = vector.broadcast %mul3A_1005 : i32 to vector<16xi32>
      %mul3A_1007 = arith.muli %add3A_1004, %mul3A_1006 : vector<16xi32>
      tpu.vector_store_idx %arg8[%mul3A_1007], %mul3A_1001 : memref<256xi32, #tpu.memory_space<vmem>>[vector<16xi32>], vector<16xi32>,
      %add3A_1008 = arith.constant 1 : i32
      %add3A_1009 = vector.broadcast %add3A_1008 : i32 to vector<16xi32>
      %add3A_1010 = arith.addi %mul3A_1007, %add3A_1009 : vector<16xi32>
      %add3A_1011 = arith.constant 1 : i32
      %add3A_1012 = vector.broadcast %add3A_1011 : i32 to vector<16xi32>
      %add3A_1013 = arith.addi %mul3A_1001, %add3A_1012 : vector<16xi32>
      tpu.vector_store_idx %arg8[%add3A_1010], %add3A_1013 : memref<256xi32, #tpu.memory_space<vmem>>[vector<16xi32>], vector<16xi32>,
      %get3A_1014 = arith.constant 96 : index
      %get3A_1015 = tpu.vector_load %arg7[%get3A_1014] {strides = array<i32>} : memref<128xi32, #tpu.memory_space<vmem>>, vector<16xi32>,
      %mul3A_1016 = arith.constant 2 : i32
      %mul3A_1017 = vector.broadcast %mul3A_1016 : i32 to vector<16xi32>
      %mul3A_1018 = arith.muli %get3A_1015, %mul3A_1017 : vector<16xi32>
      %add3A_1019 = arith.constant 96 : i32
      %add3A_1020 = vector.broadcast %add3A_1019 : i32 to vector<16xi32>
      %add3A_1021 = arith.addi %add3A_1020, %iota3A : vector<16xi32>
      %mul3A_1022 = arith.constant 2 : i32
      %mul3A_1023 = vector.broadcast %mul3A_1022 : i32 to vector<16xi32>
      %mul3A_1024 = arith.muli %add3A_1021, %mul3A_1023 : vector<16xi32>
      tpu.vector_store_idx %arg8[%mul3A_1024], %mul3A_1018 : memref<256xi32, #tpu.memory_space<vmem>>[vector<16xi32>], vector<16xi32>,
      %add3A_1025 = arith.constant 1 : i32
      %add3A_1026 = vector.broadcast %add3A_1025 : i32 to vector<16xi32>
      %add3A_1027 = arith.addi %mul3A_1024, %add3A_1026 : vector<16xi32>
      %add3A_1028 = arith.constant 1 : i32
      %add3A_1029 = vector.broadcast %add3A_1028 : i32 to vector<16xi32>
      %add3A_1030 = arith.addi %mul3A_1018, %add3A_1029 : vector<16xi32>
      tpu.vector_store_idx %arg8[%add3A_1027], %add3A_1030 : memref<256xi32, #tpu.memory_space<vmem>>[vector<16xi32>], vector<16xi32>,
      %get3A_1031 = arith.constant 112 : index
      %get3A_1032 = tpu.vector_load %arg7[%get3A_1031] {strides = array<i32>} : memref<128xi32, #tpu.memory_space<vmem>>, vector<16xi32>,
      %mul3A_1033 = arith.constant 2 : i32
      %mul3A_1034 = vector.broadcast %mul3A_1033 : i32 to vector<16xi32>
      %mul3A_1035 = arith.muli %get3A_1032, %mul3A_1034 : vector<16xi32>
      %add3A_1036 = arith.constant 112 : i32
      %add3A_1037 = vector.broadcast %add3A_1036 : i32 to vector<16xi32>
      %add3A_1038 = arith.addi %add3A_1037, %iota3A : vector<16xi32>
      %mul3A_1039 = arith.constant 2 : i32
      %mul3A_1040 = vector.broadcast %mul3A_1039 : i32 to vector<16xi32>
      %mul3A_1041 = arith.muli %add3A_1038, %mul3A_1040 : vector<16xi32>
      tpu.vector_store_idx %arg8[%mul3A_1041], %mul3A_1035 : memref<256xi32, #tpu.memory_space<vmem>>[vector<16xi32>], vector<16xi32>,
      %add3A_1042 = arith.constant 1 : i32
      %add3A_1043 = vector.broadcast %add3A_1042 : i32 to vector<16xi32>
      %add3A_1044 = arith.addi %mul3A_1041, %add3A_1043 : vector<16xi32>
      %add3A_1045 = arith.constant 1 : i32
      %add3A_1046 = vector.broadcast %add3A_1045 : i32 to vector<16xi32>
      %add3A_1047 = arith.addi %mul3A_1035, %add3A_1046 : vector<16xi32>
      tpu.vector_store_idx %arg8[%add3A_1044], %add3A_1047 : memref<256xi32, #tpu.memory_space<vmem>>[vector<16xi32>], vector<16xi32>,
      %dma_start3A_1048 = arith.constant 0 : i32
      %dma_start3A_1049 = arith.constant 0 : i32
      %dma_start3A_1050 = tpu.memref_slice %arg10[%dma_start3A_1048, %dma_start3A_1049] : memref<256x32xf32, #tpu.memory_space<vmem>> -> memref<128x32xf32, #tpu.memory_space<vmem>>
      %dma_start3A_1051 = arith.constant 0 : i32
      %dma_start3A_1052 = tpu.memref_slice %arg8[%dma_start3A_1051] : memref<256xi32, #tpu.memory_space<vmem>> -> memref<128xi32, #tpu.memory_space<vmem>>
      %dma_start3A_1053 = arith.constant 0 : i32
      %dma_start3A_1054 = arith.constant 0 : i32
      %dma_start3A_1055 = tpu.memref_slice %arg3[%dma_start3A_1053, %dma_start3A_1054] : memref<2000000x32xf32, #tpu.memory_space<hbm>> -> memref<2000000x32xf32, #tpu.memory_space<hbm>>
      tpu.enqueue_indirect_dma source(%dma_start3A_1055 : memref<2000000x32xf32, #tpu.memory_space<hbm>>) target(%dma_start3A_1050 : memref<128x32xf32, #tpu.memory_space<vmem>>) offsets(%dma_start3A_1052 : memref<128xi32, #tpu.memory_space<vmem>>) semaphore(%arg14 : memref<!tpu.dma_semaphore, #tpu.memory_space<semaphore_mem>>)
      %dma_start3A_1056 = arith.constant 128 : i32
      %dma_start3A_1057 = arith.constant 0 : i32
      %dma_start3A_1058 = tpu.memref_slice %arg10[%dma_start3A_1056, %dma_start3A_1057] : memref<256x32xf32, #tpu.memory_space<vmem>> -> memref<128x32xf32, #tpu.memory_space<vmem>>
      %dma_start3A_1059 = arith.constant 128 : i32
      %dma_start3A_1060 = tpu.memref_slice %arg8[%dma_start3A_1059] : memref<256xi32, #tpu.memory_space<vmem>> -> memref<128xi32, #tpu.memory_space<vmem>>
      %dma_start3A_1061 = arith.constant 0 : i32
      %dma_start3A_1062 = arith.constant 0 : i32
      %dma_start3A_1063 = tpu.memref_slice %arg3[%dma_start3A_1061, %dma_start3A_1062] : memref<2000000x32xf32, #tpu.memory_space<hbm>> -> memref<2000000x32xf32, #tpu.memory_space<hbm>>
      tpu.enqueue_indirect_dma source(%dma_start3A_1063 : memref<2000000x32xf32, #tpu.memory_space<hbm>>) target(%dma_start3A_1058 : memref<128x32xf32, #tpu.memory_space<vmem>>) offsets(%dma_start3A_1060 : memref<128xi32, #tpu.memory_space<vmem>>) semaphore(%arg14 : memref<!tpu.dma_semaphore, #tpu.memory_space<semaphore_mem>>)
      %dma_wait3A_1064 = arith.constant 0 : i32
      %dma_wait3A_1065 = arith.constant 0 : i32
      %dma_wait3A_1066 = tpu.memref_slice %arg11[%dma_wait3A_1064, %dma_wait3A_1065] : memref<256x32xf32, #tpu.memory_space<vmem>> -> memref<128x32xf32, #tpu.memory_space<vmem>>
      %dma_wait3A_1067 = arith.constant 0 : i32
      %dma_wait3A_1068 = tpu.memref_slice %arg9[%dma_wait3A_1067] : memref<256xi32, #tpu.memory_space<vmem>> -> memref<128xi32, #tpu.memory_space<vmem>>
      %dma_wait3A_1069 = arith.constant 0 : i32
      %dma_wait3A_1070 = arith.constant 0 : i32
      %dma_wait3A_1071 = tpu.memref_slice %arg3[%dma_wait3A_1069, %dma_wait3A_1070] : memref<2000000x32xf32, #tpu.memory_space<hbm>> -> memref<2000000x32xf32, #tpu.memory_space<hbm>>
      tpu.wait_indirect_dma semaphore(%arg15 : memref<!tpu.dma_semaphore, #tpu.memory_space<semaphore_mem>>) src(%dma_wait3A_1071 : memref<2000000x32xf32, #tpu.memory_space<hbm>>) dst(%dma_wait3A_1066 : memref<128x32xf32, #tpu.memory_space<vmem>>)
      %dma_wait3A_1072 = arith.constant 128 : i32
      %dma_wait3A_1073 = arith.constant 0 : i32
      %dma_wait3A_1074 = tpu.memref_slice %arg11[%dma_wait3A_1072, %dma_wait3A_1073] : memref<256x32xf32, #tpu.memory_space<vmem>> -> memref<128x32xf32, #tpu.memory_space<vmem>>
      %dma_wait3A_1075 = arith.constant 128 : i32
      %dma_wait3A_1076 = tpu.memref_slice %arg9[%dma_wait3A_1075] : memref<256xi32, #tpu.memory_space<vmem>> -> memref<128xi32, #tpu.memory_space<vmem>>
      %dma_wait3A_1077 = arith.constant 0 : i32
      %dma_wait3A_1078 = arith.constant 0 : i32
      %dma_wait3A_1079 = tpu.memref_slice %arg3[%dma_wait3A_1077, %dma_wait3A_1078] : memref<2000000x32xf32, #tpu.memory_space<hbm>> -> memref<2000000x32xf32, #tpu.memory_space<hbm>>
      tpu.wait_indirect_dma semaphore(%arg15 : memref<!tpu.dma_semaphore, #tpu.memory_space<semaphore_mem>>) src(%dma_wait3A_1079 : memref<2000000x32xf32, #tpu.memory_space<hbm>>) dst(%dma_wait3A_1074 : memref<128x32xf32, #tpu.memory_space<vmem>>)
      %sub3A_1080 = arith.constant 1 : i32
      %sub3A_1081 = arith.subi %add3A_891, %sub3A_1080 : i32
      %get3A_1082 = arith.index_cast %sub3A_1081 : i32 to index
      %get3A_1083 = arith.constant 0 : index
      %get3A_1084 = tpu.vector_load %arg6[%get3A_1082, %get3A_1083] {strides = array<i32>} : memref<200x64xf32, #tpu.memory_space<vmem>>, vector<16xf32>,
      %get3A_1085 = arith.index_cast %sub3A_1081 : i32 to index
      %get3A_1086 = arith.constant 16 : index
      %get3A_1087 = tpu.vector_load %arg6[%get3A_1085, %get3A_1086] {strides = array<i32>} : memref<200x64xf32, #tpu.memory_space<vmem>>, vector<16xf32>,
      %get3A_1088 = arith.index_cast %sub3A_1081 : i32 to index
      %get3A_1089 = arith.constant 32 : index
      %get3A_1090 = tpu.vector_load %arg6[%get3A_1088, %get3A_1089] {strides = array<i32>} : memref<200x64xf32, #tpu.memory_space<vmem>>, vector<16xf32>,
      %get3A_1091 = arith.index_cast %sub3A_1081 : i32 to index
      %get3A_1092 = arith.constant 48 : index
      %get3A_1093 = tpu.vector_load %arg6[%get3A_1091, %get3A_1092] {strides = array<i32>} : memref<200x64xf32, #tpu.memory_space<vmem>>, vector<16xf32>,
      %jit3A_1094 = arith.constant 8 : i32
      %div3A_1095 = vector.broadcast %jit3A_1094 : i32 to vector<16xi32>
      %div3A_1096 = arith.divsi %add3A_5, %div3A_1095 : vector<16xi32>
      %sign3A_1097 = arith.constant 0 : i32
      %sign3A_1098 = vector.broadcast %sign3A_1097 : i32 to vector<16xi32>
      %sign3A_1099 = arith.cmpi sgt, %add3A_5, %sign3A_1098 : vector<16xi32>
      %sign3A_1100 = arith.extui %sign3A_1099 : vector<16xi1> to vector<16xi32>
      %sign3A_1101 = arith.constant 0 : i32
      %sign3A_1102 = vector.broadcast %sign3A_1101 : i32 to vector<16xi32>
      %sign3A_1103 = arith.cmpi slt, %add3A_5, %sign3A_1102 : vector<16xi32>
      %sign3A_1104 = arith.extui %sign3A_1103 : vector<16xi1> to vector<16xi32>
      %sign3A_1105 = arith.subi %sign3A_1100, %sign3A_1104 : vector<16xi32>
      %sign3A_1106 = arith.constant 0 : i32
      %sign3A_1107 = arith.cmpi sgt, %jit3A_1094, %sign3A_1106 : i32
      %sign3A_1108 = arith.extui %sign3A_1107 : i1 to i32
      %sign3A_1109 = arith.constant 0 : i32
      %sign3A_1110 = arith.cmpi slt, %jit3A_1094, %sign3A_1109 : i32
      %sign3A_1111 = arith.extui %sign3A_1110 : i1 to i32
      %sign3A_1112 = arith.subi %sign3A_1108, %sign3A_1111 : i32
      %ne3A_1113 = vector.broadcast %sign3A_1112 : i32 to vector<16xi32>
      %ne3A_1114 = arith.cmpi ne, %sign3A_1105, %ne3A_1113 : vector<16xi32>
      %rem3A_1115 = vector.broadcast %jit3A_1094 : i32 to vector<16xi32>
      %rem3A_1116 = arith.remsi %add3A_5, %rem3A_1115 : vector<16xi32>
      %ne3A_1117 = arith.constant 0 : i32
      %ne3A_1118 = vector.broadcast %ne3A_1117 : i32 to vector<16xi32>
      %ne3A_1119 = arith.cmpi ne, %rem3A_1116, %ne3A_1118 : vector<16xi32>
      %and3A_1120 = arith.andi %ne3A_1114, %ne3A_1119 : vector<16xi1>
      %sub3A_1121 = arith.constant 1 : i32
      %sub3A_1122 = vector.broadcast %sub3A_1121 : i32 to vector<16xi32>
      %sub3A_1123 = arith.subi %div3A_1096, %sub3A_1122 : vector<16xi32>
      %select_n3A_1124 = arith.select %and3A_1120, %sub3A_1123, %div3A_1096 : vector<16xi1>, vector<16xi32>
      %jit3A_1125 = arith.constant 8 : i32
      %div3A_1126 = vector.broadcast %jit3A_1125 : i32 to vector<16xi32>
      %div3A_1127 = arith.divsi %add3A_8, %div3A_1126 : vector<16xi32>
      %sign3A_1128 = arith.constant 0 : i32
      %sign3A_1129 = vector.broadcast %sign3A_1128 : i32 to vector<16xi32>
      %sign3A_1130 = arith.cmpi sgt, %add3A_8, %sign3A_1129 : vector<16xi32>
      %sign3A_1131 = arith.extui %sign3A_1130 : vector<16xi1> to vector<16xi32>
      %sign3A_1132 = arith.constant 0 : i32
      %sign3A_1133 = vector.broadcast %sign3A_1132 : i32 to vector<16xi32>
      %sign3A_1134 = arith.cmpi slt, %add3A_8, %sign3A_1133 : vector<16xi32>
      %sign3A_1135 = arith.extui %sign3A_1134 : vector<16xi1> to vector<16xi32>
      %sign3A_1136 = arith.subi %sign3A_1131, %sign3A_1135 : vector<16xi32>
      %sign3A_1137 = arith.constant 0 : i32
      %sign3A_1138 = arith.cmpi sgt, %jit3A_1125, %sign3A_1137 : i32
      %sign3A_1139 = arith.extui %sign3A_1138 : i1 to i32
      %sign3A_1140 = arith.constant 0 : i32
      %sign3A_1141 = arith.cmpi slt, %jit3A_1125, %sign3A_1140 : i32
      %sign3A_1142 = arith.extui %sign3A_1141 : i1 to i32
      %sign3A_1143 = arith.subi %sign3A_1139, %sign3A_1142 : i32
      %ne3A_1144 = vector.broadcast %sign3A_1143 : i32 to vector<16xi32>
      %ne3A_1145 = arith.cmpi ne, %sign3A_1136, %ne3A_1144 : vector<16xi32>
      %rem3A_1146 = vector.broadcast %jit3A_1125 : i32 to vector<16xi32>
      %rem3A_1147 = arith.remsi %add3A_8, %rem3A_1146 : vector<16xi32>
      %ne3A_1148 = arith.constant 0 : i32
      %ne3A_1149 = vector.broadcast %ne3A_1148 : i32 to vector<16xi32>
      %ne3A_1150 = arith.cmpi ne, %rem3A_1147, %ne3A_1149 : vector<16xi32>
      %and3A_1151 = arith.andi %ne3A_1145, %ne3A_1150 : vector<16xi1>
      %sub3A_1152 = arith.constant 1 : i32
      %sub3A_1153 = vector.broadcast %sub3A_1152 : i32 to vector<16xi32>
      %sub3A_1154 = arith.subi %div3A_1127, %sub3A_1153 : vector<16xi32>
      %select_n3A_1155 = arith.select %and3A_1151, %sub3A_1154, %div3A_1127 : vector<16xi1>, vector<16xi32>
      %jit3A_1156 = arith.constant 8 : i32
      %div3A_1157 = vector.broadcast %jit3A_1156 : i32 to vector<16xi32>
      %div3A_1158 = arith.divsi %add3A_11, %div3A_1157 : vector<16xi32>
      %sign3A_1159 = arith.constant 0 : i32
      %sign3A_1160 = vector.broadcast %sign3A_1159 : i32 to vector<16xi32>
      %sign3A_1161 = arith.cmpi sgt, %add3A_11, %sign3A_1160 : vector<16xi32>
      %sign3A_1162 = arith.extui %sign3A_1161 : vector<16xi1> to vector<16xi32>
      %sign3A_1163 = arith.constant 0 : i32
      %sign3A_1164 = vector.broadcast %sign3A_1163 : i32 to vector<16xi32>
      %sign3A_1165 = arith.cmpi slt, %add3A_11, %sign3A_1164 : vector<16xi32>
      %sign3A_1166 = arith.extui %sign3A_1165 : vector<16xi1> to vector<16xi32>
      %sign3A_1167 = arith.subi %sign3A_1162, %sign3A_1166 : vector<16xi32>
      %sign3A_1168 = arith.constant 0 : i32
      %sign3A_1169 = arith.cmpi sgt, %jit3A_1156, %sign3A_1168 : i32
      %sign3A_1170 = arith.extui %sign3A_1169 : i1 to i32
      %sign3A_1171 = arith.constant 0 : i32
      %sign3A_1172 = arith.cmpi slt, %jit3A_1156, %sign3A_1171 : i32
      %sign3A_1173 = arith.extui %sign3A_1172 : i1 to i32
      %sign3A_1174 = arith.subi %sign3A_1170, %sign3A_1173 : i32
      %ne3A_1175 = vector.broadcast %sign3A_1174 : i32 to vector<16xi32>
      %ne3A_1176 = arith.cmpi ne, %sign3A_1167, %ne3A_1175 : vector<16xi32>
      %rem3A_1177 = vector.broadcast %jit3A_1156 : i32 to vector<16xi32>
      %rem3A_1178 = arith.remsi %add3A_11, %rem3A_1177 : vector<16xi32>
      %ne3A_1179 = arith.constant 0 : i32
      %ne3A_1180 = vector.broadcast %ne3A_1179 : i32 to vector<16xi32>
      %ne3A_1181 = arith.cmpi ne, %rem3A_1178, %ne3A_1180 : vector<16xi32>
      %and3A_1182 = arith.andi %ne3A_1176, %ne3A_1181 : vector<16xi1>
      %sub3A_1183 = arith.constant 1 : i32
      %sub3A_1184 = vector.broadcast %sub3A_1183 : i32 to vector<16xi32>
      %sub3A_1185 = arith.subi %div3A_1158, %sub3A_1184 : vector<16xi32>
      %select_n3A_1186 = arith.select %and3A_1182, %sub3A_1185, %div3A_1158 : vector<16xi1>, vector<16xi32>
      %jit3A_1187 = arith.constant 8 : i32
      %div3A_1188 = vector.broadcast %jit3A_1187 : i32 to vector<16xi32>
      %div3A_1189 = arith.divsi %add3A_14, %div3A_1188 : vector<16xi32>
      %sign3A_1190 = arith.constant 0 : i32
      %sign3A_1191 = vector.broadcast %sign3A_1190 : i32 to vector<16xi32>
      %sign3A_1192 = arith.cmpi sgt, %add3A_14, %sign3A_1191 : vector<16xi32>
      %sign3A_1193 = arith.extui %sign3A_1192 : vector<16xi1> to vector<16xi32>
      %sign3A_1194 = arith.constant 0 : i32
      %sign3A_1195 = vector.broadcast %sign3A_1194 : i32 to vector<16xi32>
      %sign3A_1196 = arith.cmpi slt, %add3A_14, %sign3A_1195 : vector<16xi32>
      %sign3A_1197 = arith.extui %sign3A_1196 : vector<16xi1> to vector<16xi32>
      %sign3A_1198 = arith.subi %sign3A_1193, %sign3A_1197 : vector<16xi32>
      %sign3A_1199 = arith.constant 0 : i32
      %sign3A_1200 = arith.cmpi sgt, %jit3A_1187, %sign3A_1199 : i32
      %sign3A_1201 = arith.extui %sign3A_1200 : i1 to i32
      %sign3A_1202 = arith.constant 0 : i32
      %sign3A_1203 = arith.cmpi slt, %jit3A_1187, %sign3A_1202 : i32
      %sign3A_1204 = arith.extui %sign3A_1203 : i1 to i32
      %sign3A_1205 = arith.subi %sign3A_1201, %sign3A_1204 : i32
      %ne3A_1206 = vector.broadcast %sign3A_1205 : i32 to vector<16xi32>
      %ne3A_1207 = arith.cmpi ne, %sign3A_1198, %ne3A_1206 : vector<16xi32>
      %rem3A_1208 = vector.broadcast %jit3A_1187 : i32 to vector<16xi32>
      %rem3A_1209 = arith.remsi %add3A_14, %rem3A_1208 : vector<16xi32>
      %ne3A_1210 = arith.constant 0 : i32
      %ne3A_1211 = vector.broadcast %ne3A_1210 : i32 to vector<16xi32>
      %ne3A_1212 = arith.cmpi ne, %rem3A_1209, %ne3A_1211 : vector<16xi32>
      %and3A_1213 = arith.andi %ne3A_1207, %ne3A_1212 : vector<16xi1>
      %sub3A_1214 = arith.constant 1 : i32
      %sub3A_1215 = vector.broadcast %sub3A_1214 : i32 to vector<16xi32>
      %sub3A_1216 = arith.subi %div3A_1189, %sub3A_1215 : vector<16xi32>
      %select_n3A_1217 = arith.select %and3A_1213, %sub3A_1216, %div3A_1189 : vector<16xi1>, vector<16xi32>
      %jit3A_1218 = arith.constant 8 : i32
      %eq3A_1219 = arith.constant 0 : i32
      %eq3A_1220 = arith.cmpi eq, %jit3A_1218, %eq3A_1219 : i32
      %jit3A_1221 = arith.constant 1 : i32
      %select_n3A_1222 = arith.select %eq3A_1220, %jit3A_1221, %jit3A_1218 : i32
      %rem3A_1223 = vector.broadcast %select_n3A_1222 : i32 to vector<16xi32>
      %rem3A_1224 = arith.remsi %add3A_5, %rem3A_1223 : vector<16xi32>
      %ne3A_1225 = arith.constant 0 : i32
      %ne3A_1226 = vector.broadcast %ne3A_1225 : i32 to vector<16xi32>
      %ne3A_1227 = arith.cmpi ne, %rem3A_1224, %ne3A_1226 : vector<16xi32>
      %lt3A_1228 = arith.constant 0 : i32
      %lt3A_1229 = vector.broadcast %lt3A_1228 : i32 to vector<16xi32>
      %lt3A_1230 = arith.cmpi slt, %rem3A_1224, %lt3A_1229 : vector<16xi32>
      %lt3A_1231 = arith.constant 0 : i32
      %lt3A_1232 = arith.cmpi slt, %select_n3A_1222, %lt3A_1231 : i32
      %ne3A_1233 = vector.broadcast %lt3A_1232 : i1 to vector<16xi1>
      %ne3A_1234 = vector.broadcast %ne3A_1233 : vector<16xi1> to vector<16xi1>
      %ne3A_1235 = arith.xori %lt3A_1230, %ne3A_1234 : vector<16xi1>
      %and3A_1236 = arith.andi %ne3A_1235, %ne3A_1227 : vector<16xi1>
      %add3A_1237 = vector.broadcast %select_n3A_1222 : i32 to vector<16xi32>
      %add3A_1238 = arith.addi %rem3A_1224, %add3A_1237 : vector<16xi32>
      %select_n3A_1239 = arith.select %and3A_1236, %add3A_1238, %rem3A_1224 : vector<16xi1>, vector<16xi32>
      %jit3A_1240 = arith.constant 8 : i32
      %eq3A_1241 = arith.constant 0 : i32
      %eq3A_1242 = arith.cmpi eq, %jit3A_1240, %eq3A_1241 : i32
      %jit3A_1243 = arith.constant 1 : i32
      %select_n3A_1244 = arith.select %eq3A_1242, %jit3A_1243, %jit3A_1240 : i32
      %rem3A_1245 = vector.broadcast %select_n3A_1244 : i32 to vector<16xi32>
      %rem3A_1246 = arith.remsi %add3A_8, %rem3A_1245 : vector<16xi32>
      %ne3A_1247 = arith.constant 0 : i32
      %ne3A_1248 = vector.broadcast %ne3A_1247 : i32 to vector<16xi32>
      %ne3A_1249 = arith.cmpi ne, %rem3A_1246, %ne3A_1248 : vector<16xi32>
      %lt3A_1250 = arith.constant 0 : i32
      %lt3A_1251 = vector.broadcast %lt3A_1250 : i32 to vector<16xi32>
      %lt3A_1252 = arith.cmpi slt, %rem3A_1246, %lt3A_1251 : vector<16xi32>
      %lt3A_1253 = arith.constant 0 : i32
      %lt3A_1254 = arith.cmpi slt, %select_n3A_1244, %lt3A_1253 : i32
      %ne3A_1255 = vector.broadcast %lt3A_1254 : i1 to vector<16xi1>
      %ne3A_1256 = vector.broadcast %ne3A_1255 : vector<16xi1> to vector<16xi1>
      %ne3A_1257 = arith.xori %lt3A_1252, %ne3A_1256 : vector<16xi1>
      %and3A_1258 = arith.andi %ne3A_1257, %ne3A_1249 : vector<16xi1>
      %add3A_1259 = vector.broadcast %select_n3A_1244 : i32 to vector<16xi32>
      %add3A_1260 = arith.addi %rem3A_1246, %add3A_1259 : vector<16xi32>
      %select_n3A_1261 = arith.select %and3A_1258, %add3A_1260, %rem3A_1246 : vector<16xi1>, vector<16xi32>
      %jit3A_1262 = arith.constant 8 : i32
      %eq3A_1263 = arith.constant 0 : i32
      %eq3A_1264 = arith.cmpi eq, %jit3A_1262, %eq3A_1263 : i32
      %jit3A_1265 = arith.constant 1 : i32
      %select_n3A_1266 = arith.select %eq3A_1264, %jit3A_1265, %jit3A_1262 : i32
      %rem3A_1267 = vector.broadcast %select_n3A_1266 : i32 to vector<16xi32>
      %rem3A_1268 = arith.remsi %add3A_11, %rem3A_1267 : vector<16xi32>
      %ne3A_1269 = arith.constant 0 : i32
      %ne3A_1270 = vector.broadcast %ne3A_1269 : i32 to vector<16xi32>
      %ne3A_1271 = arith.cmpi ne, %rem3A_1268, %ne3A_1270 : vector<16xi32>
      %lt3A_1272 = arith.constant 0 : i32
      %lt3A_1273 = vector.broadcast %lt3A_1272 : i32 to vector<16xi32>
      %lt3A_1274 = arith.cmpi slt, %rem3A_1268, %lt3A_1273 : vector<16xi32>
      %lt3A_1275 = arith.constant 0 : i32
      %lt3A_1276 = arith.cmpi slt, %select_n3A_1266, %lt3A_1275 : i32
      %ne3A_1277 = vector.broadcast %lt3A_1276 : i1 to vector<16xi1>
      %ne3A_1278 = vector.broadcast %ne3A_1277 : vector<16xi1> to vector<16xi1>
      %ne3A_1279 = arith.xori %lt3A_1274, %ne3A_1278 : vector<16xi1>
      %and3A_1280 = arith.andi %ne3A_1279, %ne3A_1271 : vector<16xi1>
      %add3A_1281 = vector.broadcast %select_n3A_1266 : i32 to vector<16xi32>
      %add3A_1282 = arith.addi %rem3A_1268, %add3A_1281 : vector<16xi32>
      %select_n3A_1283 = arith.select %and3A_1280, %add3A_1282, %rem3A_1268 : vector<16xi1>, vector<16xi32>
      %jit3A_1284 = arith.constant 8 : i32
      %eq3A_1285 = arith.constant 0 : i32
      %eq3A_1286 = arith.cmpi eq, %jit3A_1284, %eq3A_1285 : i32
      %jit3A_1287 = arith.constant 1 : i32
      %select_n3A_1288 = arith.select %eq3A_1286, %jit3A_1287, %jit3A_1284 : i32
      %rem3A_1289 = vector.broadcast %select_n3A_1288 : i32 to vector<16xi32>
      %rem3A_1290 = arith.remsi %add3A_14, %rem3A_1289 : vector<16xi32>
      %ne3A_1291 = arith.constant 0 : i32
      %ne3A_1292 = vector.broadcast %ne3A_1291 : i32 to vector<16xi32>
      %ne3A_1293 = arith.cmpi ne, %rem3A_1290, %ne3A_1292 : vector<16xi32>
      %lt3A_1294 = arith.constant 0 : i32
      %lt3A_1295 = vector.broadcast %lt3A_1294 : i32 to vector<16xi32>
      %lt3A_1296 = arith.cmpi slt, %rem3A_1290, %lt3A_1295 : vector<16xi32>
      %lt3A_1297 = arith.constant 0 : i32
      %lt3A_1298 = arith.cmpi slt, %select_n3A_1288, %lt3A_1297 : i32
      %ne3A_1299 = vector.broadcast %lt3A_1298 : i1 to vector<16xi1>
      %ne3A_1300 = vector.broadcast %ne3A_1299 : vector<16xi1> to vector<16xi1>
      %ne3A_1301 = arith.xori %lt3A_1296, %ne3A_1300 : vector<16xi1>
      %and3A_1302 = arith.andi %ne3A_1301, %ne3A_1293 : vector<16xi1>
      %add3A_1303 = vector.broadcast %select_n3A_1288 : i32 to vector<16xi32>
      %add3A_1304 = arith.addi %rem3A_1290, %add3A_1303 : vector<16xi32>
      %select_n3A_1305 = arith.select %and3A_1302, %add3A_1304, %rem3A_1290 : vector<16xi1>, vector<16xi32>
      %scan3A_1306 = arith.constant 0 : i32
      %scan3A_1307 = arith.constant 32 : i32
      %scan3A_1308 = arith.addi %scan3A_1306, %scan3A_1307 : i32
      %scan3A_1309 = arith.constant 1 : i32
      scf.for %scan3A_1772 = %scan3A_1306 to %scan3A_1308 step %scan3A_1309  : i32 {
        %mul3A_1773 = arith.constant 4 : i32
        %mul3A_1774 = arith.muli %scan3A_1772, %mul3A_1773 : i32
        %add3A_1775 = arith.constant 0 : i32
        %add3A_1776 = arith.addi %add3A_1775, %mul3A_1774 : i32
        %add3A_1777 = arith.constant 0 : i32
        %add3A_1778 = arith.addi %add3A_1776, %add3A_1777 : i32
        %add3A_1779 = arith.constant 1 : i32
        %add3A_1780 = arith.addi %add3A_1776, %add3A_1779 : i32
        %add3A_1781 = arith.constant 2 : i32
        %add3A_1782 = arith.addi %add3A_1776, %add3A_1781 : i32
        %add3A_1783 = arith.constant 3 : i32
        %add3A_1784 = arith.addi %add3A_1776, %add3A_1783 : i32
        %broadcast_in_dim3A = vector.broadcast %add3A_1778 : i32 to vector<16xi32>
        %broadcast_in_dim3A_1785 = vector.broadcast %add3A_1780 : i32 to vector<16xi32>
        %broadcast_in_dim3A_1786 = vector.broadcast %add3A_1782 : i32 to vector<16xi32>
        %broadcast_in_dim3A_1787 = vector.broadcast %add3A_1784 : i32 to vector<16xi32>
        %mul3A_1788 = arith.constant 2 : i32
        %mul3A_1789 = arith.muli %mul3A_1788, %add3A_1778 : i32
        %add3A_1790 = arith.constant 0 : i32
        %add3A_1791 = arith.addi %mul3A_1789, %add3A_1790 : i32
        %get3A_1792 = arith.index_cast %add3A_1791 : i32 to index
        %get3A_1793 = arith.constant 0 : index
        %get3A_1794 = tpu.vector_load %arg11[%get3A_1792, %get3A_1793] {strides = array<i32>} : memref<256x32xf32, #tpu.memory_space<vmem>>, vector<16xf32>,
        %mul3A_1795 = arith.constant 2 : i32
        %mul3A_1796 = arith.muli %mul3A_1795, %add3A_1778 : i32
        %add3A_1797 = arith.constant 0 : i32
        %add3A_1798 = arith.addi %mul3A_1796, %add3A_1797 : i32
        %get3A_1799 = arith.index_cast %add3A_1798 : i32 to index
        %get3A_1800 = arith.constant 16 : index
        %get3A_1801 = tpu.vector_load %arg11[%get3A_1799, %get3A_1800] {strides = array<i32>} : memref<256x32xf32, #tpu.memory_space<vmem>>, vector<16xf32>,
        %mul3A_1802 = arith.constant 2 : i32
        %mul3A_1803 = arith.muli %mul3A_1802, %add3A_1778 : i32
        %add3A_1804 = arith.constant 1 : i32
        %add3A_1805 = arith.addi %mul3A_1803, %add3A_1804 : i32
        %get3A_1806 = arith.index_cast %add3A_1805 : i32 to index
        %get3A_1807 = arith.constant 0 : index
        %get3A_1808 = tpu.vector_load %arg11[%get3A_1806, %get3A_1807] {strides = array<i32>} : memref<256x32xf32, #tpu.memory_space<vmem>>, vector<16xf32>,
        %mul3A_1809 = arith.constant 2 : i32
        %mul3A_1810 = arith.muli %mul3A_1809, %add3A_1778 : i32
        %add3A_1811 = arith.constant 1 : i32
        %add3A_1812 = arith.addi %mul3A_1810, %add3A_1811 : i32
        %get3A_1813 = arith.index_cast %add3A_1812 : i32 to index
        %get3A_1814 = arith.constant 16 : index
        %get3A_1815 = tpu.vector_load %arg11[%get3A_1813, %get3A_1814] {strides = array<i32>} : memref<256x32xf32, #tpu.memory_space<vmem>>, vector<16xf32>,
        %mul3A_1816 = arith.constant 2 : i32
        %mul3A_1817 = arith.muli %mul3A_1816, %add3A_1780 : i32
        %add3A_1818 = arith.constant 0 : i32
        %add3A_1819 = arith.addi %mul3A_1817, %add3A_1818 : i32
        %get3A_1820 = arith.index_cast %add3A_1819 : i32 to index
        %get3A_1821 = arith.constant 0 : index
        %get3A_1822 = tpu.vector_load %arg11[%get3A_1820, %get3A_1821] {strides = array<i32>} : memref<256x32xf32, #tpu.memory_space<vmem>>, vector<16xf32>,
        %mul3A_1823 = arith.constant 2 : i32
        %mul3A_1824 = arith.muli %mul3A_1823, %add3A_1780 : i32
        %add3A_1825 = arith.constant 0 : i32
        %add3A_1826 = arith.addi %mul3A_1824, %add3A_1825 : i32
        %get3A_1827 = arith.index_cast %add3A_1826 : i32 to index
        %get3A_1828 = arith.constant 16 : index
        %get3A_1829 = tpu.vector_load %arg11[%get3A_1827, %get3A_1828] {strides = array<i32>} : memref<256x32xf32, #tpu.memory_space<vmem>>, vector<16xf32>,
        %mul3A_1830 = arith.constant 2 : i32
        %mul3A_1831 = arith.muli %mul3A_1830, %add3A_1780 : i32
        %add3A_1832 = arith.constant 1 : i32
        %add3A_1833 = arith.addi %mul3A_1831, %add3A_1832 : i32
        %get3A_1834 = arith.index_cast %add3A_1833 : i32 to index
        %get3A_1835 = arith.constant 0 : index
        %get3A_1836 = tpu.vector_load %arg11[%get3A_1834, %get3A_1835] {strides = array<i32>} : memref<256x32xf32, #tpu.memory_space<vmem>>, vector<16xf32>,
        %mul3A_1837 = arith.constant 2 : i32
        %mul3A_1838 = arith.muli %mul3A_1837, %add3A_1780 : i32
        %add3A_1839 = arith.constant 1 : i32
        %add3A_1840 = arith.addi %mul3A_1838, %add3A_1839 : i32
        %get3A_1841 = arith.index_cast %add3A_1840 : i32 to index
        %get3A_1842 = arith.constant 16 : index
        %get3A_1843 = tpu.vector_load %arg11[%get3A_1841, %get3A_1842] {strides = array<i32>} : memref<256x32xf32, #tpu.memory_space<vmem>>, vector<16xf32>,
        %mul3A_1844 = arith.constant 2 : i32
        %mul3A_1845 = arith.muli %mul3A_1844, %add3A_1782 : i32
        %add3A_1846 = arith.constant 0 : i32
        %add3A_1847 = arith.addi %mul3A_1845, %add3A_1846 : i32
        %get3A_1848 = arith.index_cast %add3A_1847 : i32 to index
        %get3A_1849 = arith.constant 0 : index
        %get3A_1850 = tpu.vector_load %arg11[%get3A_1848, %get3A_1849] {strides = array<i32>} : memref<256x32xf32, #tpu.memory_space<vmem>>, vector<16xf32>,
        %mul3A_1851 = arith.constant 2 : i32
        %mul3A_1852 = arith.muli %mul3A_1851, %add3A_1782 : i32
        %add3A_1853 = arith.constant 0 : i32
        %add3A_1854 = arith.addi %mul3A_1852, %add3A_1853 : i32
        %get3A_1855 = arith.index_cast %add3A_1854 : i32 to index
        %get3A_1856 = arith.constant 16 : index
        %get3A_1857 = tpu.vector_load %arg11[%get3A_1855, %get3A_1856] {strides = array<i32>} : memref<256x32xf32, #tpu.memory_space<vmem>>, vector<16xf32>,
        %mul3A_1858 = arith.constant 2 : i32
        %mul3A_1859 = arith.muli %mul3A_1858, %add3A_1782 : i32
        %add3A_1860 = arith.constant 1 : i32
        %add3A_1861 = arith.addi %mul3A_1859, %add3A_1860 : i32
        %get3A_1862 = arith.index_cast %add3A_1861 : i32 to index
        %get3A_1863 = arith.constant 0 : index
        %get3A_1864 = tpu.vector_load %arg11[%get3A_1862, %get3A_1863] {strides = array<i32>} : memref<256x32xf32, #tpu.memory_space<vmem>>, vector<16xf32>,
        %mul3A_1865 = arith.constant 2 : i32
        %mul3A_1866 = arith.muli %mul3A_1865, %add3A_1782 : i32
        %add3A_1867 = arith.constant 1 : i32
        %add3A_1868 = arith.addi %mul3A_1866, %add3A_1867 : i32
        %get3A_1869 = arith.index_cast %add3A_1868 : i32 to index
        %get3A_1870 = arith.constant 16 : index
        %get3A_1871 = tpu.vector_load %arg11[%get3A_1869, %get3A_1870] {strides = array<i32>} : memref<256x32xf32, #tpu.memory_space<vmem>>, vector<16xf32>,
        %mul3A_1872 = arith.constant 2 : i32
        %mul3A_1873 = arith.muli %mul3A_1872, %add3A_1784 : i32
        %add3A_1874 = arith.constant 0 : i32
        %add3A_1875 = arith.addi %mul3A_1873, %add3A_1874 : i32
        %get3A_1876 = arith.index_cast %add3A_1875 : i32 to index
        %get3A_1877 = arith.constant 0 : index
        %get3A_1878 = tpu.vector_load %arg11[%get3A_1876, %get3A_1877] {strides = array<i32>} : memref<256x32xf32, #tpu.memory_space<vmem>>, vector<16xf32>,
        %mul3A_1879 = arith.constant 2 : i32
        %mul3A_1880 = arith.muli %mul3A_1879, %add3A_1784 : i32
        %add3A_1881 = arith.constant 0 : i32
        %add3A_1882 = arith.addi %mul3A_1880, %add3A_1881 : i32
        %get3A_1883 = arith.index_cast %add3A_1882 : i32 to index
        %get3A_1884 = arith.constant 16 : index
        %get3A_1885 = tpu.vector_load %arg11[%get3A_1883, %get3A_1884] {strides = array<i32>} : memref<256x32xf32, #tpu.memory_space<vmem>>, vector<16xf32>,
        %mul3A_1886 = arith.constant 2 : i32
        %mul3A_1887 = arith.muli %mul3A_1886, %add3A_1784 : i32
        %add3A_1888 = arith.constant 1 : i32
        %add3A_1889 = arith.addi %mul3A_1887, %add3A_1888 : i32
        %get3A_1890 = arith.index_cast %add3A_1889 : i32 to index
        %get3A_1891 = arith.constant 0 : index
        %get3A_1892 = tpu.vector_load %arg11[%get3A_1890, %get3A_1891] {strides = array<i32>} : memref<256x32xf32, #tpu.memory_space<vmem>>, vector<16xf32>,
        %mul3A_1893 = arith.constant 2 : i32
        %mul3A_1894 = arith.muli %mul3A_1893, %add3A_1784 : i32
        %add3A_1895 = arith.constant 1 : i32
        %add3A_1896 = arith.addi %mul3A_1894, %add3A_1895 : i32
        %get3A_1897 = arith.index_cast %add3A_1896 : i32 to index
        %get3A_1898 = arith.constant 16 : index
        %get3A_1899 = tpu.vector_load %arg11[%get3A_1897, %get3A_1898] {strides = array<i32>} : memref<256x32xf32, #tpu.memory_space<vmem>>, vector<16xf32>,
        %add3A_1900 = arith.addf %get3A_1794, %get3A_1084 : vector<16xf32>
        %add3A_1901 = arith.addf %get3A_1801, %get3A_1087 : vector<16xf32>
        %add3A_1902 = arith.addf %get3A_1808, %get3A_1090 : vector<16xf32>
        %add3A_1903 = arith.addf %get3A_1815, %get3A_1093 : vector<16xf32>
        %add3A_1904 = arith.addf %get3A_1822, %get3A_1084 : vector<16xf32>
        %add3A_1905 = arith.addf %get3A_1829, %get3A_1087 : vector<16xf32>
        %add3A_1906 = arith.addf %get3A_1836, %get3A_1090 : vector<16xf32>
        %add3A_1907 = arith.addf %get3A_1843, %get3A_1093 : vector<16xf32>
        %add3A_1908 = arith.addf %get3A_1850, %get3A_1084 : vector<16xf32>
        %add3A_1909 = arith.addf %get3A_1857, %get3A_1087 : vector<16xf32>
        %add3A_1910 = arith.addf %get3A_1864, %get3A_1090 : vector<16xf32>
        %add3A_1911 = arith.addf %get3A_1871, %get3A_1093 : vector<16xf32>
        %add3A_1912 = arith.addf %get3A_1878, %get3A_1084 : vector<16xf32>
        %add3A_1913 = arith.addf %get3A_1885, %get3A_1087 : vector<16xf32>
        %add3A_1914 = arith.addf %get3A_1892, %get3A_1090 : vector<16xf32>
        %add3A_1915 = arith.addf %get3A_1899, %get3A_1093 : vector<16xf32>
        tpu.vector_store_idx %arg13[%select_n3A_1124, %select_n3A_1239, %broadcast_in_dim3A], %add3A_1900 : memref<8x8x132xf32, #tpu.memory_space<vmem>>[vector<16xi32>, vector<16xi32>, vector<16xi32>], vector<16xf32>,
        tpu.vector_store_idx %arg13[%select_n3A_1155, %select_n3A_1261, %broadcast_in_dim3A], %add3A_1901 : memref<8x8x132xf32, #tpu.memory_space<vmem>>[vector<16xi32>, vector<16xi32>, vector<16xi32>], vector<16xf32>,
        tpu.vector_store_idx %arg13[%select_n3A_1186, %select_n3A_1283, %broadcast_in_dim3A], %add3A_1902 : memref<8x8x132xf32, #tpu.memory_space<vmem>>[vector<16xi32>, vector<16xi32>, vector<16xi32>], vector<16xf32>,
        tpu.vector_store_idx %arg13[%select_n3A_1217, %select_n3A_1305, %broadcast_in_dim3A], %add3A_1903 : memref<8x8x132xf32, #tpu.memory_space<vmem>>[vector<16xi32>, vector<16xi32>, vector<16xi32>], vector<16xf32>,
        tpu.vector_store_idx %arg13[%select_n3A_1124, %select_n3A_1239, %broadcast_in_dim3A_1785], %add3A_1904 : memref<8x8x132xf32, #tpu.memory_space<vmem>>[vector<16xi32>, vector<16xi32>, vector<16xi32>], vector<16xf32>,
        tpu.vector_store_idx %arg13[%select_n3A_1155, %select_n3A_1261, %broadcast_in_dim3A_1785], %add3A_1905 : memref<8x8x132xf32, #tpu.memory_space<vmem>>[vector<16xi32>, vector<16xi32>, vector<16xi32>], vector<16xf32>,
        tpu.vector_store_idx %arg13[%select_n3A_1186, %select_n3A_1283, %broadcast_in_dim3A_1785], %add3A_1906 : memref<8x8x132xf32, #tpu.memory_space<vmem>>[vector<16xi32>, vector<16xi32>, vector<16xi32>], vector<16xf32>,
        tpu.vector_store_idx %arg13[%select_n3A_1217, %select_n3A_1305, %broadcast_in_dim3A_1785], %add3A_1907 : memref<8x8x132xf32, #tpu.memory_space<vmem>>[vector<16xi32>, vector<16xi32>, vector<16xi32>], vector<16xf32>,
        tpu.vector_store_idx %arg13[%select_n3A_1124, %select_n3A_1239, %broadcast_in_dim3A_1786], %add3A_1908 : memref<8x8x132xf32, #tpu.memory_space<vmem>>[vector<16xi32>, vector<16xi32>, vector<16xi32>], vector<16xf32>,
        tpu.vector_store_idx %arg13[%select_n3A_1155, %select_n3A_1261, %broadcast_in_dim3A_1786], %add3A_1909 : memref<8x8x132xf32, #tpu.memory_space<vmem>>[vector<16xi32>, vector<16xi32>, vector<16xi32>], vector<16xf32>,
        tpu.vector_store_idx %arg13[%select_n3A_1186, %select_n3A_1283, %broadcast_in_dim3A_1786], %add3A_1910 : memref<8x8x132xf32, #tpu.memory_space<vmem>>[vector<16xi32>, vector<16xi32>, vector<16xi32>], vector<16xf32>,
        tpu.vector_store_idx %arg13[%select_n3A_1217, %select_n3A_1305, %broadcast_in_dim3A_1786], %add3A_1911 : memref<8x8x132xf32, #tpu.memory_space<vmem>>[vector<16xi32>, vector<16xi32>, vector<16xi32>], vector<16xf32>,
        tpu.vector_store_idx %arg13[%select_n3A_1124, %select_n3A_1239, %broadcast_in_dim3A_1787], %add3A_1912 : memref<8x8x132xf32, #tpu.memory_space<vmem>>[vector<16xi32>, vector<16xi32>, vector<16xi32>], vector<16xf32>,
        tpu.vector_store_idx %arg13[%select_n3A_1155, %select_n3A_1261, %broadcast_in_dim3A_1787], %add3A_1913 : memref<8x8x132xf32, #tpu.memory_space<vmem>>[vector<16xi32>, vector<16xi32>, vector<16xi32>], vector<16xf32>,
        tpu.vector_store_idx %arg13[%select_n3A_1186, %select_n3A_1283, %broadcast_in_dim3A_1787], %add3A_1914 : memref<8x8x132xf32, #tpu.memory_space<vmem>>[vector<16xi32>, vector<16xi32>, vector<16xi32>], vector<16xf32>,
        tpu.vector_store_idx %arg13[%select_n3A_1217, %select_n3A_1305, %broadcast_in_dim3A_1787], %add3A_1915 : memref<8x8x132xf32, #tpu.memory_space<vmem>>[vector<16xi32>, vector<16xi32>, vector<16xi32>], vector<16xf32>,
      }
      %scan3A_1310 = arith.constant 32 : i32
      %sub3A_1311 = arith.constant 1 : i32
      %sub3A_1312 = arith.subi %add3A_891, %sub3A_1311 : i32
      %dma_start3A_1313 = arith.constant 0 : i32
      %dma_start3A_1314 = arith.constant 0 : i32
      %dma_start3A_1315 = arith.constant 0 : i32
      %dma_start3A_1316 = tpu.memref_slice %arg13[%dma_start3A_1313, %dma_start3A_1314, %dma_start3A_1315] : memref<8x8x132xf32, #tpu.memory_space<vmem>> -> memref<8x8x128xf32, #tpu.memory_space<vmem>>
      %dma_start3A_1317 = arith.constant 0 : i32
      %dma_start3A_1318 = arith.constant 0 : i32
      %dma_start3A_1319 = arith.constant 0 : i32
      %dma_start3A_1320 = tpu.memref_slice %arg5[%sub3A_1312, %dma_start3A_1317, %add3A, %dma_start3A_1318, %dma_start3A_1319] : memref<200x8x32x8x128xf32, #tpu.memory_space<hbm>> -> memref<1x8x1x8x128xf32, #tpu.memory_space<hbm>>
      %dma_start3A_1321 = tpu.memref_squeeze %dma_start3A_1320 : memref<1x8x1x8x128xf32, #tpu.memory_space<hbm>> -> memref<8x8x128xf32, #tpu.memory_space<hbm>>
      %dma_start3A_1322 = arith.constant 0 : i32
      %dma_start3A_1323 = arith.constant 0 : i32
      %dma_start3A_1324 = arith.constant 0 : i32
      %dma_start3A_1325 = tpu.memref_slice %arg5[%sub3A_1312, %dma_start3A_1322, %add3A, %dma_start3A_1323, %dma_start3A_1324] : memref<200x8x32x8x128xf32, #tpu.memory_space<hbm>> -> memref<1x8x1x8x128xf32, #tpu.memory_space<hbm>>
      %dma_start3A_1326 = tpu.memref_squeeze %dma_start3A_1325 : memref<1x8x1x8x128xf32, #tpu.memory_space<hbm>> -> memref<8x8x128xf32, #tpu.memory_space<hbm>>
      %dma_start3A_1327 = arith.constant 0 : i32
      %dma_start3A_1328 = arith.constant 0 : i32
      %dma_start3A_1329 = arith.constant 0 : i32
      %dma_start3A_1330 = tpu.memref_slice %arg13[%dma_start3A_1327, %dma_start3A_1328, %dma_start3A_1329] : memref<8x8x132xf32, #tpu.memory_space<vmem>> -> memref<8x8x128xf32, #tpu.memory_space<vmem>>
      tpu.enqueue_dma source(%dma_start3A_1330 : memref<8x8x128xf32, #tpu.memory_space<vmem>>) target(%dma_start3A_1326 : memref<8x8x128xf32, #tpu.memory_space<hbm>>) target_semaphore(%arg17 : memref<!tpu.dma_semaphore, #tpu.memory_space<semaphore_mem>>)
      %add3A_1331 = arith.constant 1 : i32
      %add3A_1332 = arith.addi %add3A_889, %add3A_1331 : i32
      %sub3A_1333 = arith.constant 2 : i32
      %sub3A_1334 = arith.subi %add3A_1332, %sub3A_1333 : i32
      %dma_wait3A_1335 = arith.constant 0 : i32
      %dma_wait3A_1336 = arith.constant 0 : i32
      %dma_wait3A_1337 = arith.constant 0 : i32
      %dma_wait3A_1338 = tpu.memref_slice %arg13[%dma_wait3A_1335, %dma_wait3A_1336, %dma_wait3A_1337] : memref<8x8x132xf32, #tpu.memory_space<vmem>> -> memref<8x8x128xf32, #tpu.memory_space<vmem>>
      %dma_wait3A_1339 = arith.constant 0 : i32
      %dma_wait3A_1340 = arith.constant 0 : i32
      %dma_wait3A_1341 = arith.constant 0 : i32
      %dma_wait3A_1342 = tpu.memref_slice %arg5[%sub3A_1334, %dma_wait3A_1339, %add3A, %dma_wait3A_1340, %dma_wait3A_1341] : memref<200x8x32x8x128xf32, #tpu.memory_space<hbm>> -> memref<1x8x1x8x128xf32, #tpu.memory_space<hbm>>
      %dma_wait3A_1343 = tpu.memref_squeeze %dma_wait3A_1342 : memref<1x8x1x8x128xf32, #tpu.memory_space<hbm>> -> memref<8x8x128xf32, #tpu.memory_space<hbm>>
      %dma_wait3A_1344 = arith.constant 0 : i32
      %dma_wait3A_1345 = arith.constant 0 : i32
      %dma_wait3A_1346 = arith.constant 0 : i32
      %dma_wait3A_1347 = tpu.memref_slice %arg5[%sub3A_1334, %dma_wait3A_1344, %add3A, %dma_wait3A_1345, %dma_wait3A_1346] : memref<200x8x32x8x128xf32, #tpu.memory_space<hbm>> -> memref<1x8x1x8x128xf32, #tpu.memory_space<hbm>>
      %dma_wait3A_1348 = tpu.memref_squeeze %dma_wait3A_1347 : memref<1x8x1x8x128xf32, #tpu.memory_space<hbm>> -> memref<8x8x128xf32, #tpu.memory_space<hbm>>
      %dma_wait3A_1349 = arith.constant 0 : i32
      %dma_wait3A_1350 = arith.constant 0 : i32
      %dma_wait3A_1351 = arith.constant 0 : i32
      %dma_wait3A_1352 = tpu.memref_slice %arg13[%dma_wait3A_1349, %dma_wait3A_1350, %dma_wait3A_1351] : memref<8x8x132xf32, #tpu.memory_space<vmem>> -> memref<8x8x128xf32, #tpu.memory_space<vmem>>
      tpu.wait_dma2 semaphore(%arg17 : memref<!tpu.dma_semaphore, #tpu.memory_space<semaphore_mem>>) src(%dma_wait3A_1352 : memref<8x8x128xf32, #tpu.memory_space<vmem>>) dst(%dma_wait3A_1348 : memref<8x8x128xf32, #tpu.memory_space<hbm>>)
      "tpu.region"() ({
        %run_scoped3A_1772 = tpu.sem_alloc : memref<!tpu.dma_semaphore, #tpu.memory_space<semaphore_mem>>
        %dma_start3A_1773 = tpu.memref_slice %arg2[%add3A_1332, %mul3A_2] : memref<200x4096xi32, #tpu.memory_space<hbm>> -> memref<1x128xi32, #tpu.memory_space<hbm>>
        %dma_start3A_1774 = tpu.memref_squeeze %dma_start3A_1773 : memref<1x128xi32, #tpu.memory_space<hbm>> -> memref<128xi32, #tpu.memory_space<hbm>>
        %dma_start3A_1775 = tpu.memref_slice %arg2[%add3A_1332, %mul3A_2] : memref<200x4096xi32, #tpu.memory_space<hbm>> -> memref<1x128xi32, #tpu.memory_space<hbm>>
        %dma_start3A_1776 = tpu.memref_squeeze %dma_start3A_1775 : memref<1x128xi32, #tpu.memory_space<hbm>> -> memref<128xi32, #tpu.memory_space<hbm>>
        tpu.enqueue_dma source(%dma_start3A_1776 : memref<128xi32, #tpu.memory_space<hbm>>) target(%arg7 : memref<128xi32, #tpu.memory_space<vmem>>) target_semaphore(%run_scoped3A_1772 : memref<!tpu.dma_semaphore, #tpu.memory_space<semaphore_mem>>)
        %dma_wait3A_1777 = tpu.memref_slice %arg2[%add3A_1332, %mul3A_2] : memref<200x4096xi32, #tpu.memory_space<hbm>> -> memref<1x128xi32, #tpu.memory_space<hbm>>
        %dma_wait3A_1778 = tpu.memref_squeeze %dma_wait3A_1777 : memref<1x128xi32, #tpu.memory_space<hbm>> -> memref<128xi32, #tpu.memory_space<hbm>>
        %dma_wait3A_1779 = tpu.memref_slice %arg2[%add3A_1332, %mul3A_2] : memref<200x4096xi32, #tpu.memory_space<hbm>> -> memref<1x128xi32, #tpu.memory_space<hbm>>
        %dma_wait3A_1780 = tpu.memref_squeeze %dma_wait3A_1779 : memref<1x128xi32, #tpu.memory_space<hbm>> -> memref<128xi32, #tpu.memory_space<hbm>>
        tpu.wait_dma2 semaphore(%run_scoped3A_1772 : memref<!tpu.dma_semaphore, #tpu.memory_space<semaphore_mem>>) src(%dma_wait3A_1780 : memref<128xi32, #tpu.memory_space<hbm>>) dst(%arg7 : memref<128xi32, #tpu.memory_space<vmem>>)
        tpu.yield
      }) : () -> ()
      %get3A_1353 = arith.constant 0 : index
      %get3A_1354 = tpu.vector_load %arg7[%get3A_1353] {strides = array<i32>} : memref<128xi32, #tpu.memory_space<vmem>>, vector<16xi32>,
      %mul3A_1355 = arith.constant 2 : i32
      %mul3A_1356 = vector.broadcast %mul3A_1355 : i32 to vector<16xi32>
      %mul3A_1357 = arith.muli %get3A_1354, %mul3A_1356 : vector<16xi32>
      %add3A_1358 = arith.constant 0 : i32
      %add3A_1359 = vector.broadcast %add3A_1358 : i32 to vector<16xi32>
      %add3A_1360 = arith.addi %add3A_1359, %iota3A : vector<16xi32>
      %mul3A_1361 = arith.constant 2 : i32
      %mul3A_1362 = vector.broadcast %mul3A_1361 : i32 to vector<16xi32>
      %mul3A_1363 = arith.muli %add3A_1360, %mul3A_1362 : vector<16xi32>
      tpu.vector_store_idx %arg9[%mul3A_1363], %mul3A_1357 : memref<256xi32, #tpu.memory_space<vmem>>[vector<16xi32>], vector<16xi32>,
      %add3A_1364 = arith.constant 1 : i32
      %add3A_1365 = vector.broadcast %add3A_1364 : i32 to vector<16xi32>
      %add3A_1366 = arith.addi %mul3A_1363, %add3A_1365 : vector<16xi32>
      %add3A_1367 = arith.constant 1 : i32
      %add3A_1368 = vector.broadcast %add3A_1367 : i32 to vector<16xi32>
      %add3A_1369 = arith.addi %mul3A_1357, %add3A_1368 : vector<16xi32>
      tpu.vector_store_idx %arg9[%add3A_1366], %add3A_1369 : memref<256xi32, #tpu.memory_space<vmem>>[vector<16xi32>], vector<16xi32>,
      %get3A_1370 = arith.constant 16 : index
      %get3A_1371 = tpu.vector_load %arg7[%get3A_1370] {strides = array<i32>} : memref<128xi32, #tpu.memory_space<vmem>>, vector<16xi32>,
      %mul3A_1372 = arith.constant 2 : i32
      %mul3A_1373 = vector.broadcast %mul3A_1372 : i32 to vector<16xi32>
      %mul3A_1374 = arith.muli %get3A_1371, %mul3A_1373 : vector<16xi32>
      %add3A_1375 = arith.constant 16 : i32
      %add3A_1376 = vector.broadcast %add3A_1375 : i32 to vector<16xi32>
      %add3A_1377 = arith.addi %add3A_1376, %iota3A : vector<16xi32>
      %mul3A_1378 = arith.constant 2 : i32
      %mul3A_1379 = vector.broadcast %mul3A_1378 : i32 to vector<16xi32>
      %mul3A_1380 = arith.muli %add3A_1377, %mul3A_1379 : vector<16xi32>
      tpu.vector_store_idx %arg9[%mul3A_1380], %mul3A_1374 : memref<256xi32, #tpu.memory_space<vmem>>[vector<16xi32>], vector<16xi32>,
      %add3A_1381 = arith.constant 1 : i32
      %add3A_1382 = vector.broadcast %add3A_1381 : i32 to vector<16xi32>
      %add3A_1383 = arith.addi %mul3A_1380, %add3A_1382 : vector<16xi32>
      %add3A_1384 = arith.constant 1 : i32
      %add3A_1385 = vector.broadcast %add3A_1384 : i32 to vector<16xi32>
      %add3A_1386 = arith.addi %mul3A_1374, %add3A_1385 : vector<16xi32>
      tpu.vector_store_idx %arg9[%add3A_1383], %add3A_1386 : memref<256xi32, #tpu.memory_space<vmem>>[vector<16xi32>], vector<16xi32>,
      %get3A_1387 = arith.constant 32 : index
      %get3A_1388 = tpu.vector_load %arg7[%get3A_1387] {strides = array<i32>} : memref<128xi32, #tpu.memory_space<vmem>>, vector<16xi32>,
      %mul3A_1389 = arith.constant 2 : i32
      %mul3A_1390 = vector.broadcast %mul3A_1389 : i32 to vector<16xi32>
      %mul3A_1391 = arith.muli %get3A_1388, %mul3A_1390 : vector<16xi32>
      %add3A_1392 = arith.constant 32 : i32
      %add3A_1393 = vector.broadcast %add3A_1392 : i32 to vector<16xi32>
      %add3A_1394 = arith.addi %add3A_1393, %iota3A : vector<16xi32>
      %mul3A_1395 = arith.constant 2 : i32
      %mul3A_1396 = vector.broadcast %mul3A_1395 : i32 to vector<16xi32>
      %mul3A_1397 = arith.muli %add3A_1394, %mul3A_1396 : vector<16xi32>
      tpu.vector_store_idx %arg9[%mul3A_1397], %mul3A_1391 : memref<256xi32, #tpu.memory_space<vmem>>[vector<16xi32>], vector<16xi32>,
      %add3A_1398 = arith.constant 1 : i32
      %add3A_1399 = vector.broadcast %add3A_1398 : i32 to vector<16xi32>
      %add3A_1400 = arith.addi %mul3A_1397, %add3A_1399 : vector<16xi32>
      %add3A_1401 = arith.constant 1 : i32
      %add3A_1402 = vector.broadcast %add3A_1401 : i32 to vector<16xi32>
      %add3A_1403 = arith.addi %mul3A_1391, %add3A_1402 : vector<16xi32>
      tpu.vector_store_idx %arg9[%add3A_1400], %add3A_1403 : memref<256xi32, #tpu.memory_space<vmem>>[vector<16xi32>], vector<16xi32>,
      %get3A_1404 = arith.constant 48 : index
      %get3A_1405 = tpu.vector_load %arg7[%get3A_1404] {strides = array<i32>} : memref<128xi32, #tpu.memory_space<vmem>>, vector<16xi32>,
      %mul3A_1406 = arith.constant 2 : i32
      %mul3A_1407 = vector.broadcast %mul3A_1406 : i32 to vector<16xi32>
      %mul3A_1408 = arith.muli %get3A_1405, %mul3A_1407 : vector<16xi32>
      %add3A_1409 = arith.constant 48 : i32
      %add3A_1410 = vector.broadcast %add3A_1409 : i32 to vector<16xi32>
      %add3A_1411 = arith.addi %add3A_1410, %iota3A : vector<16xi32>
      %mul3A_1412 = arith.constant 2 : i32
      %mul3A_1413 = vector.broadcast %mul3A_1412 : i32 to vector<16xi32>
      %mul3A_1414 = arith.muli %add3A_1411, %mul3A_1413 : vector<16xi32>
      tpu.vector_store_idx %arg9[%mul3A_1414], %mul3A_1408 : memref<256xi32, #tpu.memory_space<vmem>>[vector<16xi32>], vector<16xi32>,
      %add3A_1415 = arith.constant 1 : i32
      %add3A_1416 = vector.broadcast %add3A_1415 : i32 to vector<16xi32>
      %add3A_1417 = arith.addi %mul3A_1414, %add3A_1416 : vector<16xi32>
      %add3A_1418 = arith.constant 1 : i32
      %add3A_1419 = vector.broadcast %add3A_1418 : i32 to vector<16xi32>
      %add3A_1420 = arith.addi %mul3A_1408, %add3A_1419 : vector<16xi32>
      tpu.vector_store_idx %arg9[%add3A_1417], %add3A_1420 : memref<256xi32, #tpu.memory_space<vmem>>[vector<16xi32>], vector<16xi32>,
      %get3A_1421 = arith.constant 64 : index
      %get3A_1422 = tpu.vector_load %arg7[%get3A_1421] {strides = array<i32>} : memref<128xi32, #tpu.memory_space<vmem>>, vector<16xi32>,
      %mul3A_1423 = arith.constant 2 : i32
      %mul3A_1424 = vector.broadcast %mul3A_1423 : i32 to vector<16xi32>
      %mul3A_1425 = arith.muli %get3A_1422, %mul3A_1424 : vector<16xi32>
      %add3A_1426 = arith.constant 64 : i32
      %add3A_1427 = vector.broadcast %add3A_1426 : i32 to vector<16xi32>
      %add3A_1428 = arith.addi %add3A_1427, %iota3A : vector<16xi32>
      %mul3A_1429 = arith.constant 2 : i32
      %mul3A_1430 = vector.broadcast %mul3A_1429 : i32 to vector<16xi32>
      %mul3A_1431 = arith.muli %add3A_1428, %mul3A_1430 : vector<16xi32>
      tpu.vector_store_idx %arg9[%mul3A_1431], %mul3A_1425 : memref<256xi32, #tpu.memory_space<vmem>>[vector<16xi32>], vector<16xi32>,
      %add3A_1432 = arith.constant 1 : i32
      %add3A_1433 = vector.broadcast %add3A_1432 : i32 to vector<16xi32>
      %add3A_1434 = arith.addi %mul3A_1431, %add3A_1433 : vector<16xi32>
      %add3A_1435 = arith.constant 1 : i32
      %add3A_1436 = vector.broadcast %add3A_1435 : i32 to vector<16xi32>
      %add3A_1437 = arith.addi %mul3A_1425, %add3A_1436 : vector<16xi32>
      tpu.vector_store_idx %arg9[%add3A_1434], %add3A_1437 : memref<256xi32, #tpu.memory_space<vmem>>[vector<16xi32>], vector<16xi32>,
      %get3A_1438 = arith.constant 80 : index
      %get3A_1439 = tpu.vector_load %arg7[%get3A_1438] {strides = array<i32>} : memref<128xi32, #tpu.memory_space<vmem>>, vector<16xi32>,
      %mul3A_1440 = arith.constant 2 : i32
      %mul3A_1441 = vector.broadcast %mul3A_1440 : i32 to vector<16xi32>
      %mul3A_1442 = arith.muli %get3A_1439, %mul3A_1441 : vector<16xi32>
      %add3A_1443 = arith.constant 80 : i32
      %add3A_1444 = vector.broadcast %add3A_1443 : i32 to vector<16xi32>
      %add3A_1445 = arith.addi %add3A_1444, %iota3A : vector<16xi32>
      %mul3A_1446 = arith.constant 2 : i32
      %mul3A_1447 = vector.broadcast %mul3A_1446 : i32 to vector<16xi32>
      %mul3A_1448 = arith.muli %add3A_1445, %mul3A_1447 : vector<16xi32>
      tpu.vector_store_idx %arg9[%mul3A_1448], %mul3A_1442 : memref<256xi32, #tpu.memory_space<vmem>>[vector<16xi32>], vector<16xi32>,
      %add3A_1449 = arith.constant 1 : i32
      %add3A_1450 = vector.broadcast %add3A_1449 : i32 to vector<16xi32>
      %add3A_1451 = arith.addi %mul3A_1448, %add3A_1450 : vector<16xi32>
      %add3A_1452 = arith.constant 1 : i32
      %add3A_1453 = vector.broadcast %add3A_1452 : i32 to vector<16xi32>
      %add3A_1454 = arith.addi %mul3A_1442, %add3A_1453 : vector<16xi32>
      tpu.vector_store_idx %arg9[%add3A_1451], %add3A_1454 : memref<256xi32, #tpu.memory_space<vmem>>[vector<16xi32>], vector<16xi32>,
      %get3A_1455 = arith.constant 96 : index
      %get3A_1456 = tpu.vector_load %arg7[%get3A_1455] {strides = array<i32>} : memref<128xi32, #tpu.memory_space<vmem>>, vector<16xi32>,
      %mul3A_1457 = arith.constant 2 : i32
      %mul3A_1458 = vector.broadcast %mul3A_1457 : i32 to vector<16xi32>
      %mul3A_1459 = arith.muli %get3A_1456, %mul3A_1458 : vector<16xi32>
      %add3A_1460 = arith.constant 96 : i32
      %add3A_1461 = vector.broadcast %add3A_1460 : i32 to vector<16xi32>
      %add3A_1462 = arith.addi %add3A_1461, %iota3A : vector<16xi32>
      %mul3A_1463 = arith.constant 2 : i32
      %mul3A_1464 = vector.broadcast %mul3A_1463 : i32 to vector<16xi32>
      %mul3A_1465 = arith.muli %add3A_1462, %mul3A_1464 : vector<16xi32>
      tpu.vector_store_idx %arg9[%mul3A_1465], %mul3A_1459 : memref<256xi32, #tpu.memory_space<vmem>>[vector<16xi32>], vector<16xi32>,
      %add3A_1466 = arith.constant 1 : i32
      %add3A_1467 = vector.broadcast %add3A_1466 : i32 to vector<16xi32>
      %add3A_1468 = arith.addi %mul3A_1465, %add3A_1467 : vector<16xi32>
      %add3A_1469 = arith.constant 1 : i32
      %add3A_1470 = vector.broadcast %add3A_1469 : i32 to vector<16xi32>
      %add3A_1471 = arith.addi %mul3A_1459, %add3A_1470 : vector<16xi32>
      tpu.vector_store_idx %arg9[%add3A_1468], %add3A_1471 : memref<256xi32, #tpu.memory_space<vmem>>[vector<16xi32>], vector<16xi32>,
      %get3A_1472 = arith.constant 112 : index
      %get3A_1473 = tpu.vector_load %arg7[%get3A_1472] {strides = array<i32>} : memref<128xi32, #tpu.memory_space<vmem>>, vector<16xi32>,
      %mul3A_1474 = arith.constant 2 : i32
      %mul3A_1475 = vector.broadcast %mul3A_1474 : i32 to vector<16xi32>
      %mul3A_1476 = arith.muli %get3A_1473, %mul3A_1475 : vector<16xi32>
      %add3A_1477 = arith.constant 112 : i32
      %add3A_1478 = vector.broadcast %add3A_1477 : i32 to vector<16xi32>
      %add3A_1479 = arith.addi %add3A_1478, %iota3A : vector<16xi32>
      %mul3A_1480 = arith.constant 2 : i32
      %mul3A_1481 = vector.broadcast %mul3A_1480 : i32 to vector<16xi32>
      %mul3A_1482 = arith.muli %add3A_1479, %mul3A_1481 : vector<16xi32>
      tpu.vector_store_idx %arg9[%mul3A_1482], %mul3A_1476 : memref<256xi32, #tpu.memory_space<vmem>>[vector<16xi32>], vector<16xi32>,
      %add3A_1483 = arith.constant 1 : i32
      %add3A_1484 = vector.broadcast %add3A_1483 : i32 to vector<16xi32>
      %add3A_1485 = arith.addi %mul3A_1482, %add3A_1484 : vector<16xi32>
      %add3A_1486 = arith.constant 1 : i32
      %add3A_1487 = vector.broadcast %add3A_1486 : i32 to vector<16xi32>
      %add3A_1488 = arith.addi %mul3A_1476, %add3A_1487 : vector<16xi32>
      tpu.vector_store_idx %arg9[%add3A_1485], %add3A_1488 : memref<256xi32, #tpu.memory_space<vmem>>[vector<16xi32>], vector<16xi32>,
      %dma_start3A_1489 = arith.constant 0 : i32
      %dma_start3A_1490 = arith.constant 0 : i32
      %dma_start3A_1491 = tpu.memref_slice %arg11[%dma_start3A_1489, %dma_start3A_1490] : memref<256x32xf32, #tpu.memory_space<vmem>> -> memref<128x32xf32, #tpu.memory_space<vmem>>
      %dma_start3A_1492 = arith.constant 0 : i32
      %dma_start3A_1493 = tpu.memref_slice %arg9[%dma_start3A_1492] : memref<256xi32, #tpu.memory_space<vmem>> -> memref<128xi32, #tpu.memory_space<vmem>>
      %dma_start3A_1494 = arith.constant 0 : i32
      %dma_start3A_1495 = arith.constant 0 : i32
      %dma_start3A_1496 = tpu.memref_slice %arg3[%dma_start3A_1494, %dma_start3A_1495] : memref<2000000x32xf32, #tpu.memory_space<hbm>> -> memref<2000000x32xf32, #tpu.memory_space<hbm>>
      tpu.enqueue_indirect_dma source(%dma_start3A_1496 : memref<2000000x32xf32, #tpu.memory_space<hbm>>) target(%dma_start3A_1491 : memref<128x32xf32, #tpu.memory_space<vmem>>) offsets(%dma_start3A_1493 : memref<128xi32, #tpu.memory_space<vmem>>) semaphore(%arg15 : memref<!tpu.dma_semaphore, #tpu.memory_space<semaphore_mem>>)
      %dma_start3A_1497 = arith.constant 128 : i32
      %dma_start3A_1498 = arith.constant 0 : i32
      %dma_start3A_1499 = tpu.memref_slice %arg11[%dma_start3A_1497, %dma_start3A_1498] : memref<256x32xf32, #tpu.memory_space<vmem>> -> memref<128x32xf32, #tpu.memory_space<vmem>>
      %dma_start3A_1500 = arith.constant 128 : i32
      %dma_start3A_1501 = tpu.memref_slice %arg9[%dma_start3A_1500] : memref<256xi32, #tpu.memory_space<vmem>> -> memref<128xi32, #tpu.memory_space<vmem>>
      %dma_start3A_1502 = arith.constant 0 : i32
      %dma_start3A_1503 = arith.constant 0 : i32
      %dma_start3A_1504 = tpu.memref_slice %arg3[%dma_start3A_1502, %dma_start3A_1503] : memref<2000000x32xf32, #tpu.memory_space<hbm>> -> memref<2000000x32xf32, #tpu.memory_space<hbm>>
      tpu.enqueue_indirect_dma source(%dma_start3A_1504 : memref<2000000x32xf32, #tpu.memory_space<hbm>>) target(%dma_start3A_1499 : memref<128x32xf32, #tpu.memory_space<vmem>>) offsets(%dma_start3A_1501 : memref<128xi32, #tpu.memory_space<vmem>>) semaphore(%arg15 : memref<!tpu.dma_semaphore, #tpu.memory_space<semaphore_mem>>)
      %dma_wait3A_1505 = arith.constant 0 : i32
      %dma_wait3A_1506 = arith.constant 0 : i32
      %dma_wait3A_1507 = tpu.memref_slice %arg10[%dma_wait3A_1505, %dma_wait3A_1506] : memref<256x32xf32, #tpu.memory_space<vmem>> -> memref<128x32xf32, #tpu.memory_space<vmem>>
      %dma_wait3A_1508 = arith.constant 0 : i32
      %dma_wait3A_1509 = tpu.memref_slice %arg8[%dma_wait3A_1508] : memref<256xi32, #tpu.memory_space<vmem>> -> memref<128xi32, #tpu.memory_space<vmem>>
      %dma_wait3A_1510 = arith.constant 0 : i32
      %dma_wait3A_1511 = arith.constant 0 : i32
      %dma_wait3A_1512 = tpu.memref_slice %arg3[%dma_wait3A_1510, %dma_wait3A_1511] : memref<2000000x32xf32, #tpu.memory_space<hbm>> -> memref<2000000x32xf32, #tpu.memory_space<hbm>>
      tpu.wait_indirect_dma semaphore(%arg14 : memref<!tpu.dma_semaphore, #tpu.memory_space<semaphore_mem>>) src(%dma_wait3A_1512 : memref<2000000x32xf32, #tpu.memory_space<hbm>>) dst(%dma_wait3A_1507 : memref<128x32xf32, #tpu.memory_space<vmem>>)
      %dma_wait3A_1513 = arith.constant 128 : i32
      %dma_wait3A_1514 = arith.constant 0 : i32
      %dma_wait3A_1515 = tpu.memref_slice %arg10[%dma_wait3A_1513, %dma_wait3A_1514] : memref<256x32xf32, #tpu.memory_space<vmem>> -> memref<128x32xf32, #tpu.memory_space<vmem>>
      %dma_wait3A_1516 = arith.constant 128 : i32
      %dma_wait3A_1517 = tpu.memref_slice %arg8[%dma_wait3A_1516] : memref<256xi32, #tpu.memory_space<vmem>> -> memref<128xi32, #tpu.memory_space<vmem>>
      %dma_wait3A_1518 = arith.constant 0 : i32
      %dma_wait3A_1519 = arith.constant 0 : i32
      %dma_wait3A_1520 = tpu.memref_slice %arg3[%dma_wait3A_1518, %dma_wait3A_1519] : memref<2000000x32xf32, #tpu.memory_space<hbm>> -> memref<2000000x32xf32, #tpu.memory_space<hbm>>
      tpu.wait_indirect_dma semaphore(%arg14 : memref<!tpu.dma_semaphore, #tpu.memory_space<semaphore_mem>>) src(%dma_wait3A_1520 : memref<2000000x32xf32, #tpu.memory_space<hbm>>) dst(%dma_wait3A_1515 : memref<128x32xf32, #tpu.memory_space<vmem>>)
      %sub3A_1521 = arith.constant 1 : i32
      %sub3A_1522 = arith.subi %add3A_1332, %sub3A_1521 : i32
      %get3A_1523 = arith.index_cast %sub3A_1522 : i32 to index
      %get3A_1524 = arith.constant 0 : index
      %get3A_1525 = tpu.vector_load %arg6[%get3A_1523, %get3A_1524] {strides = array<i32>} : memref<200x64xf32, #tpu.memory_space<vmem>>, vector<16xf32>,
      %get3A_1526 = arith.index_cast %sub3A_1522 : i32 to index
      %get3A_1527 = arith.constant 16 : index
      %get3A_1528 = tpu.vector_load %arg6[%get3A_1526, %get3A_1527] {strides = array<i32>} : memref<200x64xf32, #tpu.memory_space<vmem>>, vector<16xf32>,
      %get3A_1529 = arith.index_cast %sub3A_1522 : i32 to index
      %get3A_1530 = arith.constant 32 : index
      %get3A_1531 = tpu.vector_load %arg6[%get3A_1529, %get3A_1530] {strides = array<i32>} : memref<200x64xf32, #tpu.memory_space<vmem>>, vector<16xf32>,
      %get3A_1532 = arith.index_cast %sub3A_1522 : i32 to index
      %get3A_1533 = arith.constant 48 : index
      %get3A_1534 = tpu.vector_load %arg6[%get3A_1532, %get3A_1533] {strides = array<i32>} : memref<200x64xf32, #tpu.memory_space<vmem>>, vector<16xf32>,
      %jit3A_1535 = arith.constant 8 : i32
      %div3A_1536 = vector.broadcast %jit3A_1535 : i32 to vector<16xi32>
      %div3A_1537 = arith.divsi %add3A_5, %div3A_1536 : vector<16xi32>
      %sign3A_1538 = arith.constant 0 : i32
      %sign3A_1539 = vector.broadcast %sign3A_1538 : i32 to vector<16xi32>
      %sign3A_1540 = arith.cmpi sgt, %add3A_5, %sign3A_1539 : vector<16xi32>
      %sign3A_1541 = arith.extui %sign3A_1540 : vector<16xi1> to vector<16xi32>
      %sign3A_1542 = arith.constant 0 : i32
      %sign3A_1543 = vector.broadcast %sign3A_1542 : i32 to vector<16xi32>
      %sign3A_1544 = arith.cmpi slt, %add3A_5, %sign3A_1543 : vector<16xi32>
      %sign3A_1545 = arith.extui %sign3A_1544 : vector<16xi1> to vector<16xi32>
      %sign3A_1546 = arith.subi %sign3A_1541, %sign3A_1545 : vector<16xi32>
      %sign3A_1547 = arith.constant 0 : i32
      %sign3A_1548 = arith.cmpi sgt, %jit3A_1535, %sign3A_1547 : i32
      %sign3A_1549 = arith.extui %sign3A_1548 : i1 to i32
      %sign3A_1550 = arith.constant 0 : i32
      %sign3A_1551 = arith.cmpi slt, %jit3A_1535, %sign3A_1550 : i32
      %sign3A_1552 = arith.extui %sign3A_1551 : i1 to i32
      %sign3A_1553 = arith.subi %sign3A_1549, %sign3A_1552 : i32
      %ne3A_1554 = vector.broadcast %sign3A_1553 : i32 to vector<16xi32>
      %ne3A_1555 = arith.cmpi ne, %sign3A_1546, %ne3A_1554 : vector<16xi32>
      %rem3A_1556 = vector.broadcast %jit3A_1535 : i32 to vector<16xi32>
      %rem3A_1557 = arith.remsi %add3A_5, %rem3A_1556 : vector<16xi32>
      %ne3A_1558 = arith.constant 0 : i32
      %ne3A_1559 = vector.broadcast %ne3A_1558 : i32 to vector<16xi32>
      %ne3A_1560 = arith.cmpi ne, %rem3A_1557, %ne3A_1559 : vector<16xi32>
      %and3A_1561 = arith.andi %ne3A_1555, %ne3A_1560 : vector<16xi1>
      %sub3A_1562 = arith.constant 1 : i32
      %sub3A_1563 = vector.broadcast %sub3A_1562 : i32 to vector<16xi32>
      %sub3A_1564 = arith.subi %div3A_1537, %sub3A_1563 : vector<16xi32>
      %select_n3A_1565 = arith.select %and3A_1561, %sub3A_1564, %div3A_1537 : vector<16xi1>, vector<16xi32>
      %jit3A_1566 = arith.constant 8 : i32
      %div3A_1567 = vector.broadcast %jit3A_1566 : i32 to vector<16xi32>
      %div3A_1568 = arith.divsi %add3A_8, %div3A_1567 : vector<16xi32>
      %sign3A_1569 = arith.constant 0 : i32
      %sign3A_1570 = vector.broadcast %sign3A_1569 : i32 to vector<16xi32>
      %sign3A_1571 = arith.cmpi sgt, %add3A_8, %sign3A_1570 : vector<16xi32>
      %sign3A_1572 = arith.extui %sign3A_1571 : vector<16xi1> to vector<16xi32>
      %sign3A_1573 = arith.constant 0 : i32
      %sign3A_1574 = vector.broadcast %sign3A_1573 : i32 to vector<16xi32>
      %sign3A_1575 = arith.cmpi slt, %add3A_8, %sign3A_1574 : vector<16xi32>
      %sign3A_1576 = arith.extui %sign3A_1575 : vector<16xi1> to vector<16xi32>
      %sign3A_1577 = arith.subi %sign3A_1572, %sign3A_1576 : vector<16xi32>
      %sign3A_1578 = arith.constant 0 : i32
      %sign3A_1579 = arith.cmpi sgt, %jit3A_1566, %sign3A_1578 : i32
      %sign3A_1580 = arith.extui %sign3A_1579 : i1 to i32
      %sign3A_1581 = arith.constant 0 : i32
      %sign3A_1582 = arith.cmpi slt, %jit3A_1566, %sign3A_1581 : i32
      %sign3A_1583 = arith.extui %sign3A_1582 : i1 to i32
      %sign3A_1584 = arith.subi %sign3A_1580, %sign3A_1583 : i32
      %ne3A_1585 = vector.broadcast %sign3A_1584 : i32 to vector<16xi32>
      %ne3A_1586 = arith.cmpi ne, %sign3A_1577, %ne3A_1585 : vector<16xi32>
      %rem3A_1587 = vector.broadcast %jit3A_1566 : i32 to vector<16xi32>
      %rem3A_1588 = arith.remsi %add3A_8, %rem3A_1587 : vector<16xi32>
      %ne3A_1589 = arith.constant 0 : i32
      %ne3A_1590 = vector.broadcast %ne3A_1589 : i32 to vector<16xi32>
      %ne3A_1591 = arith.cmpi ne, %rem3A_1588, %ne3A_1590 : vector<16xi32>
      %and3A_1592 = arith.andi %ne3A_1586, %ne3A_1591 : vector<16xi1>
      %sub3A_1593 = arith.constant 1 : i32
      %sub3A_1594 = vector.broadcast %sub3A_1593 : i32 to vector<16xi32>
      %sub3A_1595 = arith.subi %div3A_1568, %sub3A_1594 : vector<16xi32>
      %select_n3A_1596 = arith.select %and3A_1592, %sub3A_1595, %div3A_1568 : vector<16xi1>, vector<16xi32>
      %jit3A_1597 = arith.constant 8 : i32
      %div3A_1598 = vector.broadcast %jit3A_1597 : i32 to vector<16xi32>
      %div3A_1599 = arith.divsi %add3A_11, %div3A_1598 : vector<16xi32>
      %sign3A_1600 = arith.constant 0 : i32
      %sign3A_1601 = vector.broadcast %sign3A_1600 : i32 to vector<16xi32>
      %sign3A_1602 = arith.cmpi sgt, %add3A_11, %sign3A_1601 : vector<16xi32>
      %sign3A_1603 = arith.extui %sign3A_1602 : vector<16xi1> to vector<16xi32>
      %sign3A_1604 = arith.constant 0 : i32
      %sign3A_1605 = vector.broadcast %sign3A_1604 : i32 to vector<16xi32>
      %sign3A_1606 = arith.cmpi slt, %add3A_11, %sign3A_1605 : vector<16xi32>
      %sign3A_1607 = arith.extui %sign3A_1606 : vector<16xi1> to vector<16xi32>
      %sign3A_1608 = arith.subi %sign3A_1603, %sign3A_1607 : vector<16xi32>
      %sign3A_1609 = arith.constant 0 : i32
      %sign3A_1610 = arith.cmpi sgt, %jit3A_1597, %sign3A_1609 : i32
      %sign3A_1611 = arith.extui %sign3A_1610 : i1 to i32
      %sign3A_1612 = arith.constant 0 : i32
      %sign3A_1613 = arith.cmpi slt, %jit3A_1597, %sign3A_1612 : i32
      %sign3A_1614 = arith.extui %sign3A_1613 : i1 to i32
      %sign3A_1615 = arith.subi %sign3A_1611, %sign3A_1614 : i32
      %ne3A_1616 = vector.broadcast %sign3A_1615 : i32 to vector<16xi32>
      %ne3A_1617 = arith.cmpi ne, %sign3A_1608, %ne3A_1616 : vector<16xi32>
      %rem3A_1618 = vector.broadcast %jit3A_1597 : i32 to vector<16xi32>
      %rem3A_1619 = arith.remsi %add3A_11, %rem3A_1618 : vector<16xi32>
      %ne3A_1620 = arith.constant 0 : i32
      %ne3A_1621 = vector.broadcast %ne3A_1620 : i32 to vector<16xi32>
      %ne3A_1622 = arith.cmpi ne, %rem3A_1619, %ne3A_1621 : vector<16xi32>
      %and3A_1623 = arith.andi %ne3A_1617, %ne3A_1622 : vector<16xi1>
      %sub3A_1624 = arith.constant 1 : i32
      %sub3A_1625 = vector.broadcast %sub3A_1624 : i32 to vector<16xi32>
      %sub3A_1626 = arith.subi %div3A_1599, %sub3A_1625 : vector<16xi32>
      %select_n3A_1627 = arith.select %and3A_1623, %sub3A_1626, %div3A_1599 : vector<16xi1>, vector<16xi32>
      %jit3A_1628 = arith.constant 8 : i32
      %div3A_1629 = vector.broadcast %jit3A_1628 : i32 to vector<16xi32>
      %div3A_1630 = arith.divsi %add3A_14, %div3A_1629 : vector<16xi32>
      %sign3A_1631 = arith.constant 0 : i32
      %sign3A_1632 = vector.broadcast %sign3A_1631 : i32 to vector<16xi32>
      %sign3A_1633 = arith.cmpi sgt, %add3A_14, %sign3A_1632 : vector<16xi32>
      %sign3A_1634 = arith.extui %sign3A_1633 : vector<16xi1> to vector<16xi32>
      %sign3A_1635 = arith.constant 0 : i32
      %sign3A_1636 = vector.broadcast %sign3A_1635 : i32 to vector<16xi32>
      %sign3A_1637 = arith.cmpi slt, %add3A_14, %sign3A_1636 : vector<16xi32>
      %sign3A_1638 = arith.extui %sign3A_1637 : vector<16xi1> to vector<16xi32>
      %sign3A_1639 = arith.subi %sign3A_1634, %sign3A_1638 : vector<16xi32>
      %sign3A_1640 = arith.constant 0 : i32
      %sign3A_1641 = arith.cmpi sgt, %jit3A_1628, %sign3A_1640 : i32
      %sign3A_1642 = arith.extui %sign3A_1641 : i1 to i32
      %sign3A_1643 = arith.constant 0 : i32
      %sign3A_1644 = arith.cmpi slt, %jit3A_1628, %sign3A_1643 : i32
      %sign3A_1645 = arith.extui %sign3A_1644 : i1 to i32
      %sign3A_1646 = arith.subi %sign3A_1642, %sign3A_1645 : i32
      %ne3A_1647 = vector.broadcast %sign3A_1646 : i32 to vector<16xi32>
      %ne3A_1648 = arith.cmpi ne, %sign3A_1639, %ne3A_1647 : vector<16xi32>
      %rem3A_1649 = vector.broadcast %jit3A_1628 : i32 to vector<16xi32>
      %rem3A_1650 = arith.remsi %add3A_14, %rem3A_1649 : vector<16xi32>
      %ne3A_1651 = arith.constant 0 : i32
      %ne3A_1652 = vector.broadcast %ne3A_1651 : i32 to vector<16xi32>
      %ne3A_1653 = arith.cmpi ne, %rem3A_1650, %ne3A_1652 : vector<16xi32>
      %and3A_1654 = arith.andi %ne3A_1648, %ne3A_1653 : vector<16xi1>
      %sub3A_1655 = arith.constant 1 : i32
      %sub3A_1656 = vector.broadcast %sub3A_1655 : i32 to vector<16xi32>
      %sub3A_1657 = arith.subi %div3A_1630, %sub3A_1656 : vector<16xi32>
      %select_n3A_1658 = arith.select %and3A_1654, %sub3A_1657, %div3A_1630 : vector<16xi1>, vector<16xi32>
      %jit3A_1659 = arith.constant 8 : i32
      %eq3A_1660 = arith.constant 0 : i32
      %eq3A_1661 = arith.cmpi eq, %jit3A_1659, %eq3A_1660 : i32
      %jit3A_1662 = arith.constant 1 : i32
      %select_n3A_1663 = arith.select %eq3A_1661, %jit3A_1662, %jit3A_1659 : i32
      %rem3A_1664 = vector.broadcast %select_n3A_1663 : i32 to vector<16xi32>
      %rem3A_1665 = arith.remsi %add3A_5, %rem3A_1664 : vector<16xi32>
      %ne3A_1666 = arith.constant 0 : i32
      %ne3A_1667 = vector.broadcast %ne3A_1666 : i32 to vector<16xi32>
      %ne3A_1668 = arith.cmpi ne, %rem3A_1665, %ne3A_1667 : vector<16xi32>
      %lt3A_1669 = arith.constant 0 : i32
      %lt3A_1670 = vector.broadcast %lt3A_1669 : i32 to vector<16xi32>
      %lt3A_1671 = arith.cmpi slt, %rem3A_1665, %lt3A_1670 : vector<16xi32>
      %lt3A_1672 = arith.constant 0 : i32
      %lt3A_1673 = arith.cmpi slt, %select_n3A_1663, %lt3A_1672 : i32
      %ne3A_1674 = vector.broadcast %lt3A_1673 : i1 to vector<16xi1>
      %ne3A_1675 = vector.broadcast %ne3A_1674 : vector<16xi1> to vector<16xi1>
      %ne3A_1676 = arith.xori %lt3A_1671, %ne3A_1675 : vector<16xi1>
      %and3A_1677 = arith.andi %ne3A_1676, %ne3A_1668 : vector<16xi1>
      %add3A_1678 = vector.broadcast %select_n3A_1663 : i32 to vector<16xi32>
      %add3A_1679 = arith.addi %rem3A_1665, %add3A_1678 : vector<16xi32>
      %select_n3A_1680 = arith.select %and3A_1677, %add3A_1679, %rem3A_1665 : vector<16xi1>, vector<16xi32>
      %jit3A_1681 = arith.constant 8 : i32
      %eq3A_1682 = arith.constant 0 : i32
      %eq3A_1683 = arith.cmpi eq, %jit3A_1681, %eq3A_1682 : i32
      %jit3A_1684 = arith.constant 1 : i32
      %select_n3A_1685 = arith.select %eq3A_1683, %jit3A_1684, %jit3A_1681 : i32
      %rem3A_1686 = vector.broadcast %select_n3A_1685 : i32 to vector<16xi32>
      %rem3A_1687 = arith.remsi %add3A_8, %rem3A_1686 : vector<16xi32>
      %ne3A_1688 = arith.constant 0 : i32
      %ne3A_1689 = vector.broadcast %ne3A_1688 : i32 to vector<16xi32>
      %ne3A_1690 = arith.cmpi ne, %rem3A_1687, %ne3A_1689 : vector<16xi32>
      %lt3A_1691 = arith.constant 0 : i32
      %lt3A_1692 = vector.broadcast %lt3A_1691 : i32 to vector<16xi32>
      %lt3A_1693 = arith.cmpi slt, %rem3A_1687, %lt3A_1692 : vector<16xi32>
      %lt3A_1694 = arith.constant 0 : i32
      %lt3A_1695 = arith.cmpi slt, %select_n3A_1685, %lt3A_1694 : i32
      %ne3A_1696 = vector.broadcast %lt3A_1695 : i1 to vector<16xi1>
      %ne3A_1697 = vector.broadcast %ne3A_1696 : vector<16xi1> to vector<16xi1>
      %ne3A_1698 = arith.xori %lt3A_1693, %ne3A_1697 : vector<16xi1>
      %and3A_1699 = arith.andi %ne3A_1698, %ne3A_1690 : vector<16xi1>
      %add3A_1700 = vector.broadcast %select_n3A_1685 : i32 to vector<16xi32>
      %add3A_1701 = arith.addi %rem3A_1687, %add3A_1700 : vector<16xi32>
      %select_n3A_1702 = arith.select %and3A_1699, %add3A_1701, %rem3A_1687 : vector<16xi1>, vector<16xi32>
      %jit3A_1703 = arith.constant 8 : i32
      %eq3A_1704 = arith.constant 0 : i32
      %eq3A_1705 = arith.cmpi eq, %jit3A_1703, %eq3A_1704 : i32
      %jit3A_1706 = arith.constant 1 : i32
      %select_n3A_1707 = arith.select %eq3A_1705, %jit3A_1706, %jit3A_1703 : i32
      %rem3A_1708 = vector.broadcast %select_n3A_1707 : i32 to vector<16xi32>
      %rem3A_1709 = arith.remsi %add3A_11, %rem3A_1708 : vector<16xi32>
      %ne3A_1710 = arith.constant 0 : i32
      %ne3A_1711 = vector.broadcast %ne3A_1710 : i32 to vector<16xi32>
      %ne3A_1712 = arith.cmpi ne, %rem3A_1709, %ne3A_1711 : vector<16xi32>
      %lt3A_1713 = arith.constant 0 : i32
      %lt3A_1714 = vector.broadcast %lt3A_1713 : i32 to vector<16xi32>
      %lt3A_1715 = arith.cmpi slt, %rem3A_1709, %lt3A_1714 : vector<16xi32>
      %lt3A_1716 = arith.constant 0 : i32
      %lt3A_1717 = arith.cmpi slt, %select_n3A_1707, %lt3A_1716 : i32
      %ne3A_1718 = vector.broadcast %lt3A_1717 : i1 to vector<16xi1>
      %ne3A_1719 = vector.broadcast %ne3A_1718 : vector<16xi1> to vector<16xi1>
      %ne3A_1720 = arith.xori %lt3A_1715, %ne3A_1719 : vector<16xi1>
      %and3A_1721 = arith.andi %ne3A_1720, %ne3A_1712 : vector<16xi1>
      %add3A_1722 = vector.broadcast %select_n3A_1707 : i32 to vector<16xi32>
      %add3A_1723 = arith.addi %rem3A_1709, %add3A_1722 : vector<16xi32>
      %select_n3A_1724 = arith.select %and3A_1721, %add3A_1723, %rem3A_1709 : vector<16xi1>, vector<16xi32>
      %jit3A_1725 = arith.constant 8 : i32
      %eq3A_1726 = arith.constant 0 : i32
      %eq3A_1727 = arith.cmpi eq, %jit3A_1725, %eq3A_1726 : i32
      %jit3A_1728 = arith.constant 1 : i32
      %select_n3A_1729 = arith.select %eq3A_1727, %jit3A_1728, %jit3A_1725 : i32
      %rem3A_1730 = vector.broadcast %select_n3A_1729 : i32 to vector<16xi32>
      %rem3A_1731 = arith.remsi %add3A_14, %rem3A_1730 : vector<16xi32>
      %ne3A_1732 = arith.constant 0 : i32
      %ne3A_1733 = vector.broadcast %ne3A_1732 : i32 to vector<16xi32>
      %ne3A_1734 = arith.cmpi ne, %rem3A_1731, %ne3A_1733 : vector<16xi32>
      %lt3A_1735 = arith.constant 0 : i32
      %lt3A_1736 = vector.broadcast %lt3A_1735 : i32 to vector<16xi32>
      %lt3A_1737 = arith.cmpi slt, %rem3A_1731, %lt3A_1736 : vector<16xi32>
      %lt3A_1738 = arith.constant 0 : i32
      %lt3A_1739 = arith.cmpi slt, %select_n3A_1729, %lt3A_1738 : i32
      %ne3A_1740 = vector.broadcast %lt3A_1739 : i1 to vector<16xi1>
      %ne3A_1741 = vector.broadcast %ne3A_1740 : vector<16xi1> to vector<16xi1>
      %ne3A_1742 = arith.xori %lt3A_1737, %ne3A_1741 : vector<16xi1>
      %and3A_1743 = arith.andi %ne3A_1742, %ne3A_1734 : vector<16xi1>
      %add3A_1744 = vector.broadcast %select_n3A_1729 : i32 to vector<16xi32>
      %add3A_1745 = arith.addi %rem3A_1731, %add3A_1744 : vector<16xi32>
      %select_n3A_1746 = arith.select %and3A_1743, %add3A_1745, %rem3A_1731 : vector<16xi1>, vector<16xi32>
      %scan3A_1747 = arith.constant 0 : i32
      %scan3A_1748 = arith.constant 32 : i32
      %scan3A_1749 = arith.addi %scan3A_1747, %scan3A_1748 : i32
      %scan3A_1750 = arith.constant 1 : i32
      scf.for %scan3A_1772 = %scan3A_1747 to %scan3A_1749 step %scan3A_1750  : i32 {
        %mul3A_1773 = arith.constant 4 : i32
        %mul3A_1774 = arith.muli %scan3A_1772, %mul3A_1773 : i32
        %add3A_1775 = arith.constant 0 : i32
        %add3A_1776 = arith.addi %add3A_1775, %mul3A_1774 : i32
        %add3A_1777 = arith.constant 0 : i32
        %add3A_1778 = arith.addi %add3A_1776, %add3A_1777 : i32
        %add3A_1779 = arith.constant 1 : i32
        %add3A_1780 = arith.addi %add3A_1776, %add3A_1779 : i32
        %add3A_1781 = arith.constant 2 : i32
        %add3A_1782 = arith.addi %add3A_1776, %add3A_1781 : i32
        %add3A_1783 = arith.constant 3 : i32
        %add3A_1784 = arith.addi %add3A_1776, %add3A_1783 : i32
        %broadcast_in_dim3A = vector.broadcast %add3A_1778 : i32 to vector<16xi32>
        %broadcast_in_dim3A_1785 = vector.broadcast %add3A_1780 : i32 to vector<16xi32>
        %broadcast_in_dim3A_1786 = vector.broadcast %add3A_1782 : i32 to vector<16xi32>
        %broadcast_in_dim3A_1787 = vector.broadcast %add3A_1784 : i32 to vector<16xi32>
        %mul3A_1788 = arith.constant 2 : i32
        %mul3A_1789 = arith.muli %mul3A_1788, %add3A_1778 : i32
        %add3A_1790 = arith.constant 0 : i32
        %add3A_1791 = arith.addi %mul3A_1789, %add3A_1790 : i32
        %get3A_1792 = arith.index_cast %add3A_1791 : i32 to index
        %get3A_1793 = arith.constant 0 : index
        %get3A_1794 = tpu.vector_load %arg10[%get3A_1792, %get3A_1793] {strides = array<i32>} : memref<256x32xf32, #tpu.memory_space<vmem>>, vector<16xf32>,
        %mul3A_1795 = arith.constant 2 : i32
        %mul3A_1796 = arith.muli %mul3A_1795, %add3A_1778 : i32
        %add3A_1797 = arith.constant 0 : i32
        %add3A_1798 = arith.addi %mul3A_1796, %add3A_1797 : i32
        %get3A_1799 = arith.index_cast %add3A_1798 : i32 to index
        %get3A_1800 = arith.constant 16 : index
        %get3A_1801 = tpu.vector_load %arg10[%get3A_1799, %get3A_1800] {strides = array<i32>} : memref<256x32xf32, #tpu.memory_space<vmem>>, vector<16xf32>,
        %mul3A_1802 = arith.constant 2 : i32
        %mul3A_1803 = arith.muli %mul3A_1802, %add3A_1778 : i32
        %add3A_1804 = arith.constant 1 : i32
        %add3A_1805 = arith.addi %mul3A_1803, %add3A_1804 : i32
        %get3A_1806 = arith.index_cast %add3A_1805 : i32 to index
        %get3A_1807 = arith.constant 0 : index
        %get3A_1808 = tpu.vector_load %arg10[%get3A_1806, %get3A_1807] {strides = array<i32>} : memref<256x32xf32, #tpu.memory_space<vmem>>, vector<16xf32>,
        %mul3A_1809 = arith.constant 2 : i32
        %mul3A_1810 = arith.muli %mul3A_1809, %add3A_1778 : i32
        %add3A_1811 = arith.constant 1 : i32
        %add3A_1812 = arith.addi %mul3A_1810, %add3A_1811 : i32
        %get3A_1813 = arith.index_cast %add3A_1812 : i32 to index
        %get3A_1814 = arith.constant 16 : index
        %get3A_1815 = tpu.vector_load %arg10[%get3A_1813, %get3A_1814] {strides = array<i32>} : memref<256x32xf32, #tpu.memory_space<vmem>>, vector<16xf32>,
        %mul3A_1816 = arith.constant 2 : i32
        %mul3A_1817 = arith.muli %mul3A_1816, %add3A_1780 : i32
        %add3A_1818 = arith.constant 0 : i32
        %add3A_1819 = arith.addi %mul3A_1817, %add3A_1818 : i32
        %get3A_1820 = arith.index_cast %add3A_1819 : i32 to index
        %get3A_1821 = arith.constant 0 : index
        %get3A_1822 = tpu.vector_load %arg10[%get3A_1820, %get3A_1821] {strides = array<i32>} : memref<256x32xf32, #tpu.memory_space<vmem>>, vector<16xf32>,
        %mul3A_1823 = arith.constant 2 : i32
        %mul3A_1824 = arith.muli %mul3A_1823, %add3A_1780 : i32
        %add3A_1825 = arith.constant 0 : i32
        %add3A_1826 = arith.addi %mul3A_1824, %add3A_1825 : i32
        %get3A_1827 = arith.index_cast %add3A_1826 : i32 to index
        %get3A_1828 = arith.constant 16 : index
        %get3A_1829 = tpu.vector_load %arg10[%get3A_1827, %get3A_1828] {strides = array<i32>} : memref<256x32xf32, #tpu.memory_space<vmem>>, vector<16xf32>,
        %mul3A_1830 = arith.constant 2 : i32
        %mul3A_1831 = arith.muli %mul3A_1830, %add3A_1780 : i32
        %add3A_1832 = arith.constant 1 : i32
        %add3A_1833 = arith.addi %mul3A_1831, %add3A_1832 : i32
        %get3A_1834 = arith.index_cast %add3A_1833 : i32 to index
        %get3A_1835 = arith.constant 0 : index
        %get3A_1836 = tpu.vector_load %arg10[%get3A_1834, %get3A_1835] {strides = array<i32>} : memref<256x32xf32, #tpu.memory_space<vmem>>, vector<16xf32>,
        %mul3A_1837 = arith.constant 2 : i32
        %mul3A_1838 = arith.muli %mul3A_1837, %add3A_1780 : i32
        %add3A_1839 = arith.constant 1 : i32
        %add3A_1840 = arith.addi %mul3A_1838, %add3A_1839 : i32
        %get3A_1841 = arith.index_cast %add3A_1840 : i32 to index
        %get3A_1842 = arith.constant 16 : index
        %get3A_1843 = tpu.vector_load %arg10[%get3A_1841, %get3A_1842] {strides = array<i32>} : memref<256x32xf32, #tpu.memory_space<vmem>>, vector<16xf32>,
        %mul3A_1844 = arith.constant 2 : i32
        %mul3A_1845 = arith.muli %mul3A_1844, %add3A_1782 : i32
        %add3A_1846 = arith.constant 0 : i32
        %add3A_1847 = arith.addi %mul3A_1845, %add3A_1846 : i32
        %get3A_1848 = arith.index_cast %add3A_1847 : i32 to index
        %get3A_1849 = arith.constant 0 : index
        %get3A_1850 = tpu.vector_load %arg10[%get3A_1848, %get3A_1849] {strides = array<i32>} : memref<256x32xf32, #tpu.memory_space<vmem>>, vector<16xf32>,
        %mul3A_1851 = arith.constant 2 : i32
        %mul3A_1852 = arith.muli %mul3A_1851, %add3A_1782 : i32
        %add3A_1853 = arith.constant 0 : i32
        %add3A_1854 = arith.addi %mul3A_1852, %add3A_1853 : i32
        %get3A_1855 = arith.index_cast %add3A_1854 : i32 to index
        %get3A_1856 = arith.constant 16 : index
        %get3A_1857 = tpu.vector_load %arg10[%get3A_1855, %get3A_1856] {strides = array<i32>} : memref<256x32xf32, #tpu.memory_space<vmem>>, vector<16xf32>,
        %mul3A_1858 = arith.constant 2 : i32
        %mul3A_1859 = arith.muli %mul3A_1858, %add3A_1782 : i32
        %add3A_1860 = arith.constant 1 : i32
        %add3A_1861 = arith.addi %mul3A_1859, %add3A_1860 : i32
        %get3A_1862 = arith.index_cast %add3A_1861 : i32 to index
        %get3A_1863 = arith.constant 0 : index
        %get3A_1864 = tpu.vector_load %arg10[%get3A_1862, %get3A_1863] {strides = array<i32>} : memref<256x32xf32, #tpu.memory_space<vmem>>, vector<16xf32>,
        %mul3A_1865 = arith.constant 2 : i32
        %mul3A_1866 = arith.muli %mul3A_1865, %add3A_1782 : i32
        %add3A_1867 = arith.constant 1 : i32
        %add3A_1868 = arith.addi %mul3A_1866, %add3A_1867 : i32
        %get3A_1869 = arith.index_cast %add3A_1868 : i32 to index
        %get3A_1870 = arith.constant 16 : index
        %get3A_1871 = tpu.vector_load %arg10[%get3A_1869, %get3A_1870] {strides = array<i32>} : memref<256x32xf32, #tpu.memory_space<vmem>>, vector<16xf32>,
        %mul3A_1872 = arith.constant 2 : i32
        %mul3A_1873 = arith.muli %mul3A_1872, %add3A_1784 : i32
        %add3A_1874 = arith.constant 0 : i32
        %add3A_1875 = arith.addi %mul3A_1873, %add3A_1874 : i32
        %get3A_1876 = arith.index_cast %add3A_1875 : i32 to index
        %get3A_1877 = arith.constant 0 : index
        %get3A_1878 = tpu.vector_load %arg10[%get3A_1876, %get3A_1877] {strides = array<i32>} : memref<256x32xf32, #tpu.memory_space<vmem>>, vector<16xf32>,
        %mul3A_1879 = arith.constant 2 : i32
        %mul3A_1880 = arith.muli %mul3A_1879, %add3A_1784 : i32
        %add3A_1881 = arith.constant 0 : i32
        %add3A_1882 = arith.addi %mul3A_1880, %add3A_1881 : i32
        %get3A_1883 = arith.index_cast %add3A_1882 : i32 to index
        %get3A_1884 = arith.constant 16 : index
        %get3A_1885 = tpu.vector_load %arg10[%get3A_1883, %get3A_1884] {strides = array<i32>} : memref<256x32xf32, #tpu.memory_space<vmem>>, vector<16xf32>,
        %mul3A_1886 = arith.constant 2 : i32
        %mul3A_1887 = arith.muli %mul3A_1886, %add3A_1784 : i32
        %add3A_1888 = arith.constant 1 : i32
        %add3A_1889 = arith.addi %mul3A_1887, %add3A_1888 : i32
        %get3A_1890 = arith.index_cast %add3A_1889 : i32 to index
        %get3A_1891 = arith.constant 0 : index
        %get3A_1892 = tpu.vector_load %arg10[%get3A_1890, %get3A_1891] {strides = array<i32>} : memref<256x32xf32, #tpu.memory_space<vmem>>, vector<16xf32>,
        %mul3A_1893 = arith.constant 2 : i32
        %mul3A_1894 = arith.muli %mul3A_1893, %add3A_1784 : i32
        %add3A_1895 = arith.constant 1 : i32
        %add3A_1896 = arith.addi %mul3A_1894, %add3A_1895 : i32
        %get3A_1897 = arith.index_cast %add3A_1896 : i32 to index
        %get3A_1898 = arith.constant 16 : index
        %get3A_1899 = tpu.vector_load %arg10[%get3A_1897, %get3A_1898] {strides = array<i32>} : memref<256x32xf32, #tpu.memory_space<vmem>>, vector<16xf32>,
        %add3A_1900 = arith.addf %get3A_1794, %get3A_1525 : vector<16xf32>
        %add3A_1901 = arith.addf %get3A_1801, %get3A_1528 : vector<16xf32>
        %add3A_1902 = arith.addf %get3A_1808, %get3A_1531 : vector<16xf32>
        %add3A_1903 = arith.addf %get3A_1815, %get3A_1534 : vector<16xf32>
        %add3A_1904 = arith.addf %get3A_1822, %get3A_1525 : vector<16xf32>
        %add3A_1905 = arith.addf %get3A_1829, %get3A_1528 : vector<16xf32>
        %add3A_1906 = arith.addf %get3A_1836, %get3A_1531 : vector<16xf32>
        %add3A_1907 = arith.addf %get3A_1843, %get3A_1534 : vector<16xf32>
        %add3A_1908 = arith.addf %get3A_1850, %get3A_1525 : vector<16xf32>
        %add3A_1909 = arith.addf %get3A_1857, %get3A_1528 : vector<16xf32>
        %add3A_1910 = arith.addf %get3A_1864, %get3A_1531 : vector<16xf32>
        %add3A_1911 = arith.addf %get3A_1871, %get3A_1534 : vector<16xf32>
        %add3A_1912 = arith.addf %get3A_1878, %get3A_1525 : vector<16xf32>
        %add3A_1913 = arith.addf %get3A_1885, %get3A_1528 : vector<16xf32>
        %add3A_1914 = arith.addf %get3A_1892, %get3A_1531 : vector<16xf32>
        %add3A_1915 = arith.addf %get3A_1899, %get3A_1534 : vector<16xf32>
        tpu.vector_store_idx %arg12[%select_n3A_1565, %select_n3A_1680, %broadcast_in_dim3A], %add3A_1900 : memref<8x8x132xf32, #tpu.memory_space<vmem>>[vector<16xi32>, vector<16xi32>, vector<16xi32>], vector<16xf32>,
        tpu.vector_store_idx %arg12[%select_n3A_1596, %select_n3A_1702, %broadcast_in_dim3A], %add3A_1901 : memref<8x8x132xf32, #tpu.memory_space<vmem>>[vector<16xi32>, vector<16xi32>, vector<16xi32>], vector<16xf32>,
        tpu.vector_store_idx %arg12[%select_n3A_1627, %select_n3A_1724, %broadcast_in_dim3A], %add3A_1902 : memref<8x8x132xf32, #tpu.memory_space<vmem>>[vector<16xi32>, vector<16xi32>, vector<16xi32>], vector<16xf32>,
        tpu.vector_store_idx %arg12[%select_n3A_1658, %select_n3A_1746, %broadcast_in_dim3A], %add3A_1903 : memref<8x8x132xf32, #tpu.memory_space<vmem>>[vector<16xi32>, vector<16xi32>, vector<16xi32>], vector<16xf32>,
        tpu.vector_store_idx %arg12[%select_n3A_1565, %select_n3A_1680, %broadcast_in_dim3A_1785], %add3A_1904 : memref<8x8x132xf32, #tpu.memory_space<vmem>>[vector<16xi32>, vector<16xi32>, vector<16xi32>], vector<16xf32>,
        tpu.vector_store_idx %arg12[%select_n3A_1596, %select_n3A_1702, %broadcast_in_dim3A_1785], %add3A_1905 : memref<8x8x132xf32, #tpu.memory_space<vmem>>[vector<16xi32>, vector<16xi32>, vector<16xi32>], vector<16xf32>,
        tpu.vector_store_idx %arg12[%select_n3A_1627, %select_n3A_1724, %broadcast_in_dim3A_1785], %add3A_1906 : memref<8x8x132xf32, #tpu.memory_space<vmem>>[vector<16xi32>, vector<16xi32>, vector<16xi32>], vector<16xf32>,
        tpu.vector_store_idx %arg12[%select_n3A_1658, %select_n3A_1746, %broadcast_in_dim3A_1785], %add3A_1907 : memref<8x8x132xf32, #tpu.memory_space<vmem>>[vector<16xi32>, vector<16xi32>, vector<16xi32>], vector<16xf32>,
        tpu.vector_store_idx %arg12[%select_n3A_1565, %select_n3A_1680, %broadcast_in_dim3A_1786], %add3A_1908 : memref<8x8x132xf32, #tpu.memory_space<vmem>>[vector<16xi32>, vector<16xi32>, vector<16xi32>], vector<16xf32>,
        tpu.vector_store_idx %arg12[%select_n3A_1596, %select_n3A_1702, %broadcast_in_dim3A_1786], %add3A_1909 : memref<8x8x132xf32, #tpu.memory_space<vmem>>[vector<16xi32>, vector<16xi32>, vector<16xi32>], vector<16xf32>,
        tpu.vector_store_idx %arg12[%select_n3A_1627, %select_n3A_1724, %broadcast_in_dim3A_1786], %add3A_1910 : memref<8x8x132xf32, #tpu.memory_space<vmem>>[vector<16xi32>, vector<16xi32>, vector<16xi32>], vector<16xf32>,
        tpu.vector_store_idx %arg12[%select_n3A_1658, %select_n3A_1746, %broadcast_in_dim3A_1786], %add3A_1911 : memref<8x8x132xf32, #tpu.memory_space<vmem>>[vector<16xi32>, vector<16xi32>, vector<16xi32>], vector<16xf32>,
        tpu.vector_store_idx %arg12[%select_n3A_1565, %select_n3A_1680, %broadcast_in_dim3A_1787], %add3A_1912 : memref<8x8x132xf32, #tpu.memory_space<vmem>>[vector<16xi32>, vector<16xi32>, vector<16xi32>], vector<16xf32>,
        tpu.vector_store_idx %arg12[%select_n3A_1596, %select_n3A_1702, %broadcast_in_dim3A_1787], %add3A_1913 : memref<8x8x132xf32, #tpu.memory_space<vmem>>[vector<16xi32>, vector<16xi32>, vector<16xi32>], vector<16xf32>,
        tpu.vector_store_idx %arg12[%select_n3A_1627, %select_n3A_1724, %broadcast_in_dim3A_1787], %add3A_1914 : memref<8x8x132xf32, #tpu.memory_space<vmem>>[vector<16xi32>, vector<16xi32>, vector<16xi32>], vector<16xf32>,
        tpu.vector_store_idx %arg12[%select_n3A_1658, %select_n3A_1746, %broadcast_in_dim3A_1787], %add3A_1915 : memref<8x8x132xf32, #tpu.memory_space<vmem>>[vector<16xi32>, vector<16xi32>, vector<16xi32>], vector<16xf32>,
      }
      %scan3A_1751 = arith.constant 32 : i32
      %sub3A_1752 = arith.constant 1 : i32
      %sub3A_1753 = arith.subi %add3A_1332, %sub3A_1752 : i32
      %dma_start3A_1754 = arith.constant 0 : i32
      %dma_start3A_1755 = arith.constant 0 : i32
      %dma_start3A_1756 = arith.constant 0 : i32
      %dma_start3A_1757 = tpu.memref_slice %arg12[%dma_start3A_1754, %dma_start3A_1755, %dma_start3A_1756] : memref<8x8x132xf32, #tpu.memory_space<vmem>> -> memref<8x8x128xf32, #tpu.memory_space<vmem>>
      %dma_start3A_1758 = arith.constant 0 : i32
      %dma_start3A_1759 = arith.constant 0 : i32
      %dma_start3A_1760 = arith.constant 0 : i32
      %dma_start3A_1761 = tpu.memref_slice %arg5[%sub3A_1753, %dma_start3A_1758, %add3A, %dma_start3A_1759, %dma_start3A_1760] : memref<200x8x32x8x128xf32, #tpu.memory_space<hbm>> -> memref<1x8x1x8x128xf32, #tpu.memory_space<hbm>>
      %dma_start3A_1762 = tpu.memref_squeeze %dma_start3A_1761 : memref<1x8x1x8x128xf32, #tpu.memory_space<hbm>> -> memref<8x8x128xf32, #tpu.memory_space<hbm>>
      %dma_start3A_1763 = arith.constant 0 : i32
      %dma_start3A_1764 = arith.constant 0 : i32
      %dma_start3A_1765 = arith.constant 0 : i32
      %dma_start3A_1766 = tpu.memref_slice %arg5[%sub3A_1753, %dma_start3A_1763, %add3A, %dma_start3A_1764, %dma_start3A_1765] : memref<200x8x32x8x128xf32, #tpu.memory_space<hbm>> -> memref<1x8x1x8x128xf32, #tpu.memory_space<hbm>>
      %dma_start3A_1767 = tpu.memref_squeeze %dma_start3A_1766 : memref<1x8x1x8x128xf32, #tpu.memory_space<hbm>> -> memref<8x8x128xf32, #tpu.memory_space<hbm>>
      %dma_start3A_1768 = arith.constant 0 : i32
      %dma_start3A_1769 = arith.constant 0 : i32
      %dma_start3A_1770 = arith.constant 0 : i32
      %dma_start3A_1771 = tpu.memref_slice %arg12[%dma_start3A_1768, %dma_start3A_1769, %dma_start3A_1770] : memref<8x8x132xf32, #tpu.memory_space<vmem>> -> memref<8x8x128xf32, #tpu.memory_space<vmem>>
      tpu.enqueue_dma source(%dma_start3A_1771 : memref<8x8x128xf32, #tpu.memory_space<vmem>>) target(%dma_start3A_1767 : memref<8x8x128xf32, #tpu.memory_space<hbm>>) target_semaphore(%arg16 : memref<!tpu.dma_semaphore, #tpu.memory_space<semaphore_mem>>)
    }
    %scan3A_578 = arith.constant 99 : i32
    %dma_wait3A_579 = arith.constant 0 : i32
    %dma_wait3A_580 = arith.constant 0 : i32
    %dma_wait3A_581 = tpu.memref_slice %arg11[%dma_wait3A_579, %dma_wait3A_580] : memref<256x32xf32, #tpu.memory_space<vmem>> -> memref<128x32xf32, #tpu.memory_space<vmem>>
    %dma_wait3A_582 = arith.constant 0 : i32
    %dma_wait3A_583 = tpu.memref_slice %arg9[%dma_wait3A_582] : memref<256xi32, #tpu.memory_space<vmem>> -> memref<128xi32, #tpu.memory_space<vmem>>
    %dma_wait3A_584 = arith.constant 0 : i32
    %dma_wait3A_585 = arith.constant 0 : i32
    %dma_wait3A_586 = tpu.memref_slice %arg3[%dma_wait3A_584, %dma_wait3A_585] : memref<2000000x32xf32, #tpu.memory_space<hbm>> -> memref<2000000x32xf32, #tpu.memory_space<hbm>>
    tpu.wait_indirect_dma semaphore(%arg15 : memref<!tpu.dma_semaphore, #tpu.memory_space<semaphore_mem>>) src(%dma_wait3A_586 : memref<2000000x32xf32, #tpu.memory_space<hbm>>) dst(%dma_wait3A_581 : memref<128x32xf32, #tpu.memory_space<vmem>>)
    %dma_wait3A_587 = arith.constant 128 : i32
    %dma_wait3A_588 = arith.constant 0 : i32
    %dma_wait3A_589 = tpu.memref_slice %arg11[%dma_wait3A_587, %dma_wait3A_588] : memref<256x32xf32, #tpu.memory_space<vmem>> -> memref<128x32xf32, #tpu.memory_space<vmem>>
    %dma_wait3A_590 = arith.constant 128 : i32
    %dma_wait3A_591 = tpu.memref_slice %arg9[%dma_wait3A_590] : memref<256xi32, #tpu.memory_space<vmem>> -> memref<128xi32, #tpu.memory_space<vmem>>
    %dma_wait3A_592 = arith.constant 0 : i32
    %dma_wait3A_593 = arith.constant 0 : i32
    %dma_wait3A_594 = tpu.memref_slice %arg3[%dma_wait3A_592, %dma_wait3A_593] : memref<2000000x32xf32, #tpu.memory_space<hbm>> -> memref<2000000x32xf32, #tpu.memory_space<hbm>>
    tpu.wait_indirect_dma semaphore(%arg15 : memref<!tpu.dma_semaphore, #tpu.memory_space<semaphore_mem>>) src(%dma_wait3A_594 : memref<2000000x32xf32, #tpu.memory_space<hbm>>) dst(%dma_wait3A_589 : memref<128x32xf32, #tpu.memory_space<vmem>>)
    %get3A_595 = arith.constant 199 : i32
    %get3A_596 = arith.index_cast %get3A_595 : i32 to index
    %get3A_597 = arith.constant 0 : index
    %get3A_598 = tpu.vector_load %arg6[%get3A_596, %get3A_597] {strides = array<i32>} : memref<200x64xf32, #tpu.memory_space<vmem>>, vector<16xf32>,
    %get3A_599 = arith.constant 199 : i32
    %get3A_600 = arith.index_cast %get3A_599 : i32 to index
    %get3A_601 = arith.constant 16 : index
    %get3A_602 = tpu.vector_load %arg6[%get3A_600, %get3A_601] {strides = array<i32>} : memref<200x64xf32, #tpu.memory_space<vmem>>, vector<16xf32>,
    %get3A_603 = arith.constant 199 : i32
    %get3A_604 = arith.index_cast %get3A_603 : i32 to index
    %get3A_605 = arith.constant 32 : index
    %get3A_606 = tpu.vector_load %arg6[%get3A_604, %get3A_605] {strides = array<i32>} : memref<200x64xf32, #tpu.memory_space<vmem>>, vector<16xf32>,
    %get3A_607 = arith.constant 199 : i32
    %get3A_608 = arith.index_cast %get3A_607 : i32 to index
    %get3A_609 = arith.constant 48 : index
    %get3A_610 = tpu.vector_load %arg6[%get3A_608, %get3A_609] {strides = array<i32>} : memref<200x64xf32, #tpu.memory_space<vmem>>, vector<16xf32>,
    %jit3A_611 = arith.constant 8 : i32
    %div3A_612 = vector.broadcast %jit3A_611 : i32 to vector<16xi32>
    %div3A_613 = arith.divsi %add3A_5, %div3A_612 : vector<16xi32>
    %sign3A_614 = arith.constant 0 : i32
    %sign3A_615 = vector.broadcast %sign3A_614 : i32 to vector<16xi32>
    %sign3A_616 = arith.cmpi sgt, %add3A_5, %sign3A_615 : vector<16xi32>
    %sign3A_617 = arith.extui %sign3A_616 : vector<16xi1> to vector<16xi32>
    %sign3A_618 = arith.constant 0 : i32
    %sign3A_619 = vector.broadcast %sign3A_618 : i32 to vector<16xi32>
    %sign3A_620 = arith.cmpi slt, %add3A_5, %sign3A_619 : vector<16xi32>
    %sign3A_621 = arith.extui %sign3A_620 : vector<16xi1> to vector<16xi32>
    %sign3A_622 = arith.subi %sign3A_617, %sign3A_621 : vector<16xi32>
    %sign3A_623 = arith.constant 0 : i32
    %sign3A_624 = arith.cmpi sgt, %jit3A_611, %sign3A_623 : i32
    %sign3A_625 = arith.extui %sign3A_624 : i1 to i32
    %sign3A_626 = arith.constant 0 : i32
    %sign3A_627 = arith.cmpi slt, %jit3A_611, %sign3A_626 : i32
    %sign3A_628 = arith.extui %sign3A_627 : i1 to i32
    %sign3A_629 = arith.subi %sign3A_625, %sign3A_628 : i32
    %ne3A_630 = vector.broadcast %sign3A_629 : i32 to vector<16xi32>
    %ne3A_631 = arith.cmpi ne, %sign3A_622, %ne3A_630 : vector<16xi32>
    %rem3A_632 = vector.broadcast %jit3A_611 : i32 to vector<16xi32>
    %rem3A_633 = arith.remsi %add3A_5, %rem3A_632 : vector<16xi32>
    %ne3A_634 = arith.constant 0 : i32
    %ne3A_635 = vector.broadcast %ne3A_634 : i32 to vector<16xi32>
    %ne3A_636 = arith.cmpi ne, %rem3A_633, %ne3A_635 : vector<16xi32>
    %and3A_637 = arith.andi %ne3A_631, %ne3A_636 : vector<16xi1>
    %sub3A_638 = arith.constant 1 : i32
    %sub3A_639 = vector.broadcast %sub3A_638 : i32 to vector<16xi32>
    %sub3A_640 = arith.subi %div3A_613, %sub3A_639 : vector<16xi32>
    %select_n3A_641 = arith.select %and3A_637, %sub3A_640, %div3A_613 : vector<16xi1>, vector<16xi32>
    %jit3A_642 = arith.constant 8 : i32
    %div3A_643 = vector.broadcast %jit3A_642 : i32 to vector<16xi32>
    %div3A_644 = arith.divsi %add3A_8, %div3A_643 : vector<16xi32>
    %sign3A_645 = arith.constant 0 : i32
    %sign3A_646 = vector.broadcast %sign3A_645 : i32 to vector<16xi32>
    %sign3A_647 = arith.cmpi sgt, %add3A_8, %sign3A_646 : vector<16xi32>
    %sign3A_648 = arith.extui %sign3A_647 : vector<16xi1> to vector<16xi32>
    %sign3A_649 = arith.constant 0 : i32
    %sign3A_650 = vector.broadcast %sign3A_649 : i32 to vector<16xi32>
    %sign3A_651 = arith.cmpi slt, %add3A_8, %sign3A_650 : vector<16xi32>
    %sign3A_652 = arith.extui %sign3A_651 : vector<16xi1> to vector<16xi32>
    %sign3A_653 = arith.subi %sign3A_648, %sign3A_652 : vector<16xi32>
    %sign3A_654 = arith.constant 0 : i32
    %sign3A_655 = arith.cmpi sgt, %jit3A_642, %sign3A_654 : i32
    %sign3A_656 = arith.extui %sign3A_655 : i1 to i32
    %sign3A_657 = arith.constant 0 : i32
    %sign3A_658 = arith.cmpi slt, %jit3A_642, %sign3A_657 : i32
    %sign3A_659 = arith.extui %sign3A_658 : i1 to i32
    %sign3A_660 = arith.subi %sign3A_656, %sign3A_659 : i32
    %ne3A_661 = vector.broadcast %sign3A_660 : i32 to vector<16xi32>
    %ne3A_662 = arith.cmpi ne, %sign3A_653, %ne3A_661 : vector<16xi32>
    %rem3A_663 = vector.broadcast %jit3A_642 : i32 to vector<16xi32>
    %rem3A_664 = arith.remsi %add3A_8, %rem3A_663 : vector<16xi32>
    %ne3A_665 = arith.constant 0 : i32
    %ne3A_666 = vector.broadcast %ne3A_665 : i32 to vector<16xi32>
    %ne3A_667 = arith.cmpi ne, %rem3A_664, %ne3A_666 : vector<16xi32>
    %and3A_668 = arith.andi %ne3A_662, %ne3A_667 : vector<16xi1>
    %sub3A_669 = arith.constant 1 : i32
    %sub3A_670 = vector.broadcast %sub3A_669 : i32 to vector<16xi32>
    %sub3A_671 = arith.subi %div3A_644, %sub3A_670 : vector<16xi32>
    %select_n3A_672 = arith.select %and3A_668, %sub3A_671, %div3A_644 : vector<16xi1>, vector<16xi32>
    %jit3A_673 = arith.constant 8 : i32
    %div3A_674 = vector.broadcast %jit3A_673 : i32 to vector<16xi32>
    %div3A_675 = arith.divsi %add3A_11, %div3A_674 : vector<16xi32>
    %sign3A_676 = arith.constant 0 : i32
    %sign3A_677 = vector.broadcast %sign3A_676 : i32 to vector<16xi32>
    %sign3A_678 = arith.cmpi sgt, %add3A_11, %sign3A_677 : vector<16xi32>
    %sign3A_679 = arith.extui %sign3A_678 : vector<16xi1> to vector<16xi32>
    %sign3A_680 = arith.constant 0 : i32
    %sign3A_681 = vector.broadcast %sign3A_680 : i32 to vector<16xi32>
    %sign3A_682 = arith.cmpi slt, %add3A_11, %sign3A_681 : vector<16xi32>
    %sign3A_683 = arith.extui %sign3A_682 : vector<16xi1> to vector<16xi32>
    %sign3A_684 = arith.subi %sign3A_679, %sign3A_683 : vector<16xi32>
    %sign3A_685 = arith.constant 0 : i32
    %sign3A_686 = arith.cmpi sgt, %jit3A_673, %sign3A_685 : i32
    %sign3A_687 = arith.extui %sign3A_686 : i1 to i32
    %sign3A_688 = arith.constant 0 : i32
    %sign3A_689 = arith.cmpi slt, %jit3A_673, %sign3A_688 : i32
    %sign3A_690 = arith.extui %sign3A_689 : i1 to i32
    %sign3A_691 = arith.subi %sign3A_687, %sign3A_690 : i32
    %ne3A_692 = vector.broadcast %sign3A_691 : i32 to vector<16xi32>
    %ne3A_693 = arith.cmpi ne, %sign3A_684, %ne3A_692 : vector<16xi32>
    %rem3A_694 = vector.broadcast %jit3A_673 : i32 to vector<16xi32>
    %rem3A_695 = arith.remsi %add3A_11, %rem3A_694 : vector<16xi32>
    %ne3A_696 = arith.constant 0 : i32
    %ne3A_697 = vector.broadcast %ne3A_696 : i32 to vector<16xi32>
    %ne3A_698 = arith.cmpi ne, %rem3A_695, %ne3A_697 : vector<16xi32>
    %and3A_699 = arith.andi %ne3A_693, %ne3A_698 : vector<16xi1>
    %sub3A_700 = arith.constant 1 : i32
    %sub3A_701 = vector.broadcast %sub3A_700 : i32 to vector<16xi32>
    %sub3A_702 = arith.subi %div3A_675, %sub3A_701 : vector<16xi32>
    %select_n3A_703 = arith.select %and3A_699, %sub3A_702, %div3A_675 : vector<16xi1>, vector<16xi32>
    %jit3A_704 = arith.constant 8 : i32
    %div3A_705 = vector.broadcast %jit3A_704 : i32 to vector<16xi32>
    %div3A_706 = arith.divsi %add3A_14, %div3A_705 : vector<16xi32>
    %sign3A_707 = arith.constant 0 : i32
    %sign3A_708 = vector.broadcast %sign3A_707 : i32 to vector<16xi32>
    %sign3A_709 = arith.cmpi sgt, %add3A_14, %sign3A_708 : vector<16xi32>
    %sign3A_710 = arith.extui %sign3A_709 : vector<16xi1> to vector<16xi32>
    %sign3A_711 = arith.constant 0 : i32
    %sign3A_712 = vector.broadcast %sign3A_711 : i32 to vector<16xi32>
    %sign3A_713 = arith.cmpi slt, %add3A_14, %sign3A_712 : vector<16xi32>
    %sign3A_714 = arith.extui %sign3A_713 : vector<16xi1> to vector<16xi32>
    %sign3A_715 = arith.subi %sign3A_710, %sign3A_714 : vector<16xi32>
    %sign3A_716 = arith.constant 0 : i32
    %sign3A_717 = arith.cmpi sgt, %jit3A_704, %sign3A_716 : i32
    %sign3A_718 = arith.extui %sign3A_717 : i1 to i32
    %sign3A_719 = arith.constant 0 : i32
    %sign3A_720 = arith.cmpi slt, %jit3A_704, %sign3A_719 : i32
    %sign3A_721 = arith.extui %sign3A_720 : i1 to i32
    %sign3A_722 = arith.subi %sign3A_718, %sign3A_721 : i32
    %ne3A_723 = vector.broadcast %sign3A_722 : i32 to vector<16xi32>
    %ne3A_724 = arith.cmpi ne, %sign3A_715, %ne3A_723 : vector<16xi32>
    %rem3A_725 = vector.broadcast %jit3A_704 : i32 to vector<16xi32>
    %rem3A_726 = arith.remsi %add3A_14, %rem3A_725 : vector<16xi32>
    %ne3A_727 = arith.constant 0 : i32
    %ne3A_728 = vector.broadcast %ne3A_727 : i32 to vector<16xi32>
    %ne3A_729 = arith.cmpi ne, %rem3A_726, %ne3A_728 : vector<16xi32>
    %and3A_730 = arith.andi %ne3A_724, %ne3A_729 : vector<16xi1>
    %sub3A_731 = arith.constant 1 : i32
    %sub3A_732 = vector.broadcast %sub3A_731 : i32 to vector<16xi32>
    %sub3A_733 = arith.subi %div3A_706, %sub3A_732 : vector<16xi32>
    %select_n3A_734 = arith.select %and3A_730, %sub3A_733, %div3A_706 : vector<16xi1>, vector<16xi32>
    %jit3A_735 = arith.constant 8 : i32
    %eq3A_736 = arith.constant 0 : i32
    %eq3A_737 = arith.cmpi eq, %jit3A_735, %eq3A_736 : i32
    %jit3A_738 = arith.constant 1 : i32
    %select_n3A_739 = arith.select %eq3A_737, %jit3A_738, %jit3A_735 : i32
    %rem3A_740 = vector.broadcast %select_n3A_739 : i32 to vector<16xi32>
    %rem3A_741 = arith.remsi %add3A_5, %rem3A_740 : vector<16xi32>
    %ne3A_742 = arith.constant 0 : i32
    %ne3A_743 = vector.broadcast %ne3A_742 : i32 to vector<16xi32>
    %ne3A_744 = arith.cmpi ne, %rem3A_741, %ne3A_743 : vector<16xi32>
    %lt3A_745 = arith.constant 0 : i32
    %lt3A_746 = vector.broadcast %lt3A_745 : i32 to vector<16xi32>
    %lt3A_747 = arith.cmpi slt, %rem3A_741, %lt3A_746 : vector<16xi32>
    %lt3A_748 = arith.constant 0 : i32
    %lt3A_749 = arith.cmpi slt, %select_n3A_739, %lt3A_748 : i32
    %ne3A_750 = vector.broadcast %lt3A_749 : i1 to vector<16xi1>
    %ne3A_751 = vector.broadcast %ne3A_750 : vector<16xi1> to vector<16xi1>
    %ne3A_752 = arith.xori %lt3A_747, %ne3A_751 : vector<16xi1>
    %and3A_753 = arith.andi %ne3A_752, %ne3A_744 : vector<16xi1>
    %add3A_754 = vector.broadcast %select_n3A_739 : i32 to vector<16xi32>
    %add3A_755 = arith.addi %rem3A_741, %add3A_754 : vector<16xi32>
    %select_n3A_756 = arith.select %and3A_753, %add3A_755, %rem3A_741 : vector<16xi1>, vector<16xi32>
    %jit3A_757 = arith.constant 8 : i32
    %eq3A_758 = arith.constant 0 : i32
    %eq3A_759 = arith.cmpi eq, %jit3A_757, %eq3A_758 : i32
    %jit3A_760 = arith.constant 1 : i32
    %select_n3A_761 = arith.select %eq3A_759, %jit3A_760, %jit3A_757 : i32
    %rem3A_762 = vector.broadcast %select_n3A_761 : i32 to vector<16xi32>
    %rem3A_763 = arith.remsi %add3A_8, %rem3A_762 : vector<16xi32>
    %ne3A_764 = arith.constant 0 : i32
    %ne3A_765 = vector.broadcast %ne3A_764 : i32 to vector<16xi32>
    %ne3A_766 = arith.cmpi ne, %rem3A_763, %ne3A_765 : vector<16xi32>
    %lt3A_767 = arith.constant 0 : i32
    %lt3A_768 = vector.broadcast %lt3A_767 : i32 to vector<16xi32>
    %lt3A_769 = arith.cmpi slt, %rem3A_763, %lt3A_768 : vector<16xi32>
    %lt3A_770 = arith.constant 0 : i32
    %lt3A_771 = arith.cmpi slt, %select_n3A_761, %lt3A_770 : i32
    %ne3A_772 = vector.broadcast %lt3A_771 : i1 to vector<16xi1>
    %ne3A_773 = vector.broadcast %ne3A_772 : vector<16xi1> to vector<16xi1>
    %ne3A_774 = arith.xori %lt3A_769, %ne3A_773 : vector<16xi1>
    %and3A_775 = arith.andi %ne3A_774, %ne3A_766 : vector<16xi1>
    %add3A_776 = vector.broadcast %select_n3A_761 : i32 to vector<16xi32>
    %add3A_777 = arith.addi %rem3A_763, %add3A_776 : vector<16xi32>
    %select_n3A_778 = arith.select %and3A_775, %add3A_777, %rem3A_763 : vector<16xi1>, vector<16xi32>
    %jit3A_779 = arith.constant 8 : i32
    %eq3A_780 = arith.constant 0 : i32
    %eq3A_781 = arith.cmpi eq, %jit3A_779, %eq3A_780 : i32
    %jit3A_782 = arith.constant 1 : i32
    %select_n3A_783 = arith.select %eq3A_781, %jit3A_782, %jit3A_779 : i32
    %rem3A_784 = vector.broadcast %select_n3A_783 : i32 to vector<16xi32>
    %rem3A_785 = arith.remsi %add3A_11, %rem3A_784 : vector<16xi32>
    %ne3A_786 = arith.constant 0 : i32
    %ne3A_787 = vector.broadcast %ne3A_786 : i32 to vector<16xi32>
    %ne3A_788 = arith.cmpi ne, %rem3A_785, %ne3A_787 : vector<16xi32>
    %lt3A_789 = arith.constant 0 : i32
    %lt3A_790 = vector.broadcast %lt3A_789 : i32 to vector<16xi32>
    %lt3A_791 = arith.cmpi slt, %rem3A_785, %lt3A_790 : vector<16xi32>
    %lt3A_792 = arith.constant 0 : i32
    %lt3A_793 = arith.cmpi slt, %select_n3A_783, %lt3A_792 : i32
    %ne3A_794 = vector.broadcast %lt3A_793 : i1 to vector<16xi1>
    %ne3A_795 = vector.broadcast %ne3A_794 : vector<16xi1> to vector<16xi1>
    %ne3A_796 = arith.xori %lt3A_791, %ne3A_795 : vector<16xi1>
    %and3A_797 = arith.andi %ne3A_796, %ne3A_788 : vector<16xi1>
    %add3A_798 = vector.broadcast %select_n3A_783 : i32 to vector<16xi32>
    %add3A_799 = arith.addi %rem3A_785, %add3A_798 : vector<16xi32>
    %select_n3A_800 = arith.select %and3A_797, %add3A_799, %rem3A_785 : vector<16xi1>, vector<16xi32>
    %jit3A_801 = arith.constant 8 : i32
    %eq3A_802 = arith.constant 0 : i32
    %eq3A_803 = arith.cmpi eq, %jit3A_801, %eq3A_802 : i32
    %jit3A_804 = arith.constant 1 : i32
    %select_n3A_805 = arith.select %eq3A_803, %jit3A_804, %jit3A_801 : i32
    %rem3A_806 = vector.broadcast %select_n3A_805 : i32 to vector<16xi32>
    %rem3A_807 = arith.remsi %add3A_14, %rem3A_806 : vector<16xi32>
    %ne3A_808 = arith.constant 0 : i32
    %ne3A_809 = vector.broadcast %ne3A_808 : i32 to vector<16xi32>
    %ne3A_810 = arith.cmpi ne, %rem3A_807, %ne3A_809 : vector<16xi32>
    %lt3A_811 = arith.constant 0 : i32
    %lt3A_812 = vector.broadcast %lt3A_811 : i32 to vector<16xi32>
    %lt3A_813 = arith.cmpi slt, %rem3A_807, %lt3A_812 : vector<16xi32>
    %lt3A_814 = arith.constant 0 : i32
    %lt3A_815 = arith.cmpi slt, %select_n3A_805, %lt3A_814 : i32
    %ne3A_816 = vector.broadcast %lt3A_815 : i1 to vector<16xi1>
    %ne3A_817 = vector.broadcast %ne3A_816 : vector<16xi1> to vector<16xi1>
    %ne3A_818 = arith.xori %lt3A_813, %ne3A_817 : vector<16xi1>
    %and3A_819 = arith.andi %ne3A_818, %ne3A_810 : vector<16xi1>
    %add3A_820 = vector.broadcast %select_n3A_805 : i32 to vector<16xi32>
    %add3A_821 = arith.addi %rem3A_807, %add3A_820 : vector<16xi32>
    %select_n3A_822 = arith.select %and3A_819, %add3A_821, %rem3A_807 : vector<16xi1>, vector<16xi32>
    %scan3A_823 = arith.constant 0 : i32
    %scan3A_824 = arith.constant 32 : i32
    %scan3A_825 = arith.addi %scan3A_823, %scan3A_824 : i32
    %scan3A_826 = arith.constant 1 : i32
    scf.for %scan3A_885 = %scan3A_823 to %scan3A_825 step %scan3A_826  : i32 {
      %mul3A_886 = arith.constant 4 : i32
      %mul3A_887 = arith.muli %scan3A_885, %mul3A_886 : i32
      %add3A_888 = arith.constant 0 : i32
      %add3A_889 = arith.addi %add3A_888, %mul3A_887 : i32
      %add3A_890 = arith.constant 0 : i32
      %add3A_891 = arith.addi %add3A_889, %add3A_890 : i32
      %add3A_892 = arith.constant 1 : i32
      %add3A_893 = arith.addi %add3A_889, %add3A_892 : i32
      %add3A_894 = arith.constant 2 : i32
      %add3A_895 = arith.addi %add3A_889, %add3A_894 : i32
      %add3A_896 = arith.constant 3 : i32
      %add3A_897 = arith.addi %add3A_889, %add3A_896 : i32
      %broadcast_in_dim3A = vector.broadcast %add3A_891 : i32 to vector<16xi32>
      %broadcast_in_dim3A_898 = vector.broadcast %add3A_893 : i32 to vector<16xi32>
      %broadcast_in_dim3A_899 = vector.broadcast %add3A_895 : i32 to vector<16xi32>
      %broadcast_in_dim3A_900 = vector.broadcast %add3A_897 : i32 to vector<16xi32>
      %mul3A_901 = arith.constant 2 : i32
      %mul3A_902 = arith.muli %mul3A_901, %add3A_891 : i32
      %add3A_903 = arith.constant 0 : i32
      %add3A_904 = arith.addi %mul3A_902, %add3A_903 : i32
      %get3A_905 = arith.index_cast %add3A_904 : i32 to index
      %get3A_906 = arith.constant 0 : index
      %get3A_907 = tpu.vector_load %arg11[%get3A_905, %get3A_906] {strides = array<i32>} : memref<256x32xf32, #tpu.memory_space<vmem>>, vector<16xf32>,
      %mul3A_908 = arith.constant 2 : i32
      %mul3A_909 = arith.muli %mul3A_908, %add3A_891 : i32
      %add3A_910 = arith.constant 0 : i32
      %add3A_911 = arith.addi %mul3A_909, %add3A_910 : i32
      %get3A_912 = arith.index_cast %add3A_911 : i32 to index
      %get3A_913 = arith.constant 16 : index
      %get3A_914 = tpu.vector_load %arg11[%get3A_912, %get3A_913] {strides = array<i32>} : memref<256x32xf32, #tpu.memory_space<vmem>>, vector<16xf32>,
      %mul3A_915 = arith.constant 2 : i32
      %mul3A_916 = arith.muli %mul3A_915, %add3A_891 : i32
      %add3A_917 = arith.constant 1 : i32
      %add3A_918 = arith.addi %mul3A_916, %add3A_917 : i32
      %get3A_919 = arith.index_cast %add3A_918 : i32 to index
      %get3A_920 = arith.constant 0 : index
      %get3A_921 = tpu.vector_load %arg11[%get3A_919, %get3A_920] {strides = array<i32>} : memref<256x32xf32, #tpu.memory_space<vmem>>, vector<16xf32>,
      %mul3A_922 = arith.constant 2 : i32
      %mul3A_923 = arith.muli %mul3A_922, %add3A_891 : i32
      %add3A_924 = arith.constant 1 : i32
      %add3A_925 = arith.addi %mul3A_923, %add3A_924 : i32
      %get3A_926 = arith.index_cast %add3A_925 : i32 to index
      %get3A_927 = arith.constant 16 : index
      %get3A_928 = tpu.vector_load %arg11[%get3A_926, %get3A_927] {strides = array<i32>} : memref<256x32xf32, #tpu.memory_space<vmem>>, vector<16xf32>,
      %mul3A_929 = arith.constant 2 : i32
      %mul3A_930 = arith.muli %mul3A_929, %add3A_893 : i32
      %add3A_931 = arith.constant 0 : i32
      %add3A_932 = arith.addi %mul3A_930, %add3A_931 : i32
      %get3A_933 = arith.index_cast %add3A_932 : i32 to index
      %get3A_934 = arith.constant 0 : index
      %get3A_935 = tpu.vector_load %arg11[%get3A_933, %get3A_934] {strides = array<i32>} : memref<256x32xf32, #tpu.memory_space<vmem>>, vector<16xf32>,
      %mul3A_936 = arith.constant 2 : i32
      %mul3A_937 = arith.muli %mul3A_936, %add3A_893 : i32
      %add3A_938 = arith.constant 0 : i32
      %add3A_939 = arith.addi %mul3A_937, %add3A_938 : i32
      %get3A_940 = arith.index_cast %add3A_939 : i32 to index
      %get3A_941 = arith.constant 16 : index
      %get3A_942 = tpu.vector_load %arg11[%get3A_940, %get3A_941] {strides = array<i32>} : memref<256x32xf32, #tpu.memory_space<vmem>>, vector<16xf32>,
      %mul3A_943 = arith.constant 2 : i32
      %mul3A_944 = arith.muli %mul3A_943, %add3A_893 : i32
      %add3A_945 = arith.constant 1 : i32
      %add3A_946 = arith.addi %mul3A_944, %add3A_945 : i32
      %get3A_947 = arith.index_cast %add3A_946 : i32 to index
      %get3A_948 = arith.constant 0 : index
      %get3A_949 = tpu.vector_load %arg11[%get3A_947, %get3A_948] {strides = array<i32>} : memref<256x32xf32, #tpu.memory_space<vmem>>, vector<16xf32>,
      %mul3A_950 = arith.constant 2 : i32
      %mul3A_951 = arith.muli %mul3A_950, %add3A_893 : i32
      %add3A_952 = arith.constant 1 : i32
      %add3A_953 = arith.addi %mul3A_951, %add3A_952 : i32
      %get3A_954 = arith.index_cast %add3A_953 : i32 to index
      %get3A_955 = arith.constant 16 : index
      %get3A_956 = tpu.vector_load %arg11[%get3A_954, %get3A_955] {strides = array<i32>} : memref<256x32xf32, #tpu.memory_space<vmem>>, vector<16xf32>,
      %mul3A_957 = arith.constant 2 : i32
      %mul3A_958 = arith.muli %mul3A_957, %add3A_895 : i32
      %add3A_959 = arith.constant 0 : i32
      %add3A_960 = arith.addi %mul3A_958, %add3A_959 : i32
      %get3A_961 = arith.index_cast %add3A_960 : i32 to index
      %get3A_962 = arith.constant 0 : index
      %get3A_963 = tpu.vector_load %arg11[%get3A_961, %get3A_962] {strides = array<i32>} : memref<256x32xf32, #tpu.memory_space<vmem>>, vector<16xf32>,
      %mul3A_964 = arith.constant 2 : i32
      %mul3A_965 = arith.muli %mul3A_964, %add3A_895 : i32
      %add3A_966 = arith.constant 0 : i32
      %add3A_967 = arith.addi %mul3A_965, %add3A_966 : i32
      %get3A_968 = arith.index_cast %add3A_967 : i32 to index
      %get3A_969 = arith.constant 16 : index
      %get3A_970 = tpu.vector_load %arg11[%get3A_968, %get3A_969] {strides = array<i32>} : memref<256x32xf32, #tpu.memory_space<vmem>>, vector<16xf32>,
      %mul3A_971 = arith.constant 2 : i32
      %mul3A_972 = arith.muli %mul3A_971, %add3A_895 : i32
      %add3A_973 = arith.constant 1 : i32
      %add3A_974 = arith.addi %mul3A_972, %add3A_973 : i32
      %get3A_975 = arith.index_cast %add3A_974 : i32 to index
      %get3A_976 = arith.constant 0 : index
      %get3A_977 = tpu.vector_load %arg11[%get3A_975, %get3A_976] {strides = array<i32>} : memref<256x32xf32, #tpu.memory_space<vmem>>, vector<16xf32>,
      %mul3A_978 = arith.constant 2 : i32
      %mul3A_979 = arith.muli %mul3A_978, %add3A_895 : i32
      %add3A_980 = arith.constant 1 : i32
      %add3A_981 = arith.addi %mul3A_979, %add3A_980 : i32
      %get3A_982 = arith.index_cast %add3A_981 : i32 to index
      %get3A_983 = arith.constant 16 : index
      %get3A_984 = tpu.vector_load %arg11[%get3A_982, %get3A_983] {strides = array<i32>} : memref<256x32xf32, #tpu.memory_space<vmem>>, vector<16xf32>,
      %mul3A_985 = arith.constant 2 : i32
      %mul3A_986 = arith.muli %mul3A_985, %add3A_897 : i32
      %add3A_987 = arith.constant 0 : i32
      %add3A_988 = arith.addi %mul3A_986, %add3A_987 : i32
      %get3A_989 = arith.index_cast %add3A_988 : i32 to index
      %get3A_990 = arith.constant 0 : index
      %get3A_991 = tpu.vector_load %arg11[%get3A_989, %get3A_990] {strides = array<i32>} : memref<256x32xf32, #tpu.memory_space<vmem>>, vector<16xf32>,
      %mul3A_992 = arith.constant 2 : i32
      %mul3A_993 = arith.muli %mul3A_992, %add3A_897 : i32
      %add3A_994 = arith.constant 0 : i32
      %add3A_995 = arith.addi %mul3A_993, %add3A_994 : i32
      %get3A_996 = arith.index_cast %add3A_995 : i32 to index
      %get3A_997 = arith.constant 16 : index
      %get3A_998 = tpu.vector_load %arg11[%get3A_996, %get3A_997] {strides = array<i32>} : memref<256x32xf32, #tpu.memory_space<vmem>>, vector<16xf32>,
      %mul3A_999 = arith.constant 2 : i32
      %mul3A_1000 = arith.muli %mul3A_999, %add3A_897 : i32
      %add3A_1001 = arith.constant 1 : i32
      %add3A_1002 = arith.addi %mul3A_1000, %add3A_1001 : i32
      %get3A_1003 = arith.index_cast %add3A_1002 : i32 to index
      %get3A_1004 = arith.constant 0 : index
      %get3A_1005 = tpu.vector_load %arg11[%get3A_1003, %get3A_1004] {strides = array<i32>} : memref<256x32xf32, #tpu.memory_space<vmem>>, vector<16xf32>,
      %mul3A_1006 = arith.constant 2 : i32
      %mul3A_1007 = arith.muli %mul3A_1006, %add3A_897 : i32
      %add3A_1008 = arith.constant 1 : i32
      %add3A_1009 = arith.addi %mul3A_1007, %add3A_1008 : i32
      %get3A_1010 = arith.index_cast %add3A_1009 : i32 to index
      %get3A_1011 = arith.constant 16 : index
      %get3A_1012 = tpu.vector_load %arg11[%get3A_1010, %get3A_1011] {strides = array<i32>} : memref<256x32xf32, #tpu.memory_space<vmem>>, vector<16xf32>,
      %add3A_1013 = arith.addf %get3A_907, %get3A_598 : vector<16xf32>
      %add3A_1014 = arith.addf %get3A_914, %get3A_602 : vector<16xf32>
      %add3A_1015 = arith.addf %get3A_921, %get3A_606 : vector<16xf32>
      %add3A_1016 = arith.addf %get3A_928, %get3A_610 : vector<16xf32>
      %add3A_1017 = arith.addf %get3A_935, %get3A_598 : vector<16xf32>
      %add3A_1018 = arith.addf %get3A_942, %get3A_602 : vector<16xf32>
      %add3A_1019 = arith.addf %get3A_949, %get3A_606 : vector<16xf32>
      %add3A_1020 = arith.addf %get3A_956, %get3A_610 : vector<16xf32>
      %add3A_1021 = arith.addf %get3A_963, %get3A_598 : vector<16xf32>
      %add3A_1022 = arith.addf %get3A_970, %get3A_602 : vector<16xf32>
      %add3A_1023 = arith.addf %get3A_977, %get3A_606 : vector<16xf32>
      %add3A_1024 = arith.addf %get3A_984, %get3A_610 : vector<16xf32>
      %add3A_1025 = arith.addf %get3A_991, %get3A_598 : vector<16xf32>
      %add3A_1026 = arith.addf %get3A_998, %get3A_602 : vector<16xf32>
      %add3A_1027 = arith.addf %get3A_1005, %get3A_606 : vector<16xf32>
      %add3A_1028 = arith.addf %get3A_1012, %get3A_610 : vector<16xf32>
      tpu.vector_store_idx %arg13[%select_n3A_641, %select_n3A_756, %broadcast_in_dim3A], %add3A_1013 : memref<8x8x132xf32, #tpu.memory_space<vmem>>[vector<16xi32>, vector<16xi32>, vector<16xi32>], vector<16xf32>,
      tpu.vector_store_idx %arg13[%select_n3A_672, %select_n3A_778, %broadcast_in_dim3A], %add3A_1014 : memref<8x8x132xf32, #tpu.memory_space<vmem>>[vector<16xi32>, vector<16xi32>, vector<16xi32>], vector<16xf32>,
      tpu.vector_store_idx %arg13[%select_n3A_703, %select_n3A_800, %broadcast_in_dim3A], %add3A_1015 : memref<8x8x132xf32, #tpu.memory_space<vmem>>[vector<16xi32>, vector<16xi32>, vector<16xi32>], vector<16xf32>,
      tpu.vector_store_idx %arg13[%select_n3A_734, %select_n3A_822, %broadcast_in_dim3A], %add3A_1016 : memref<8x8x132xf32, #tpu.memory_space<vmem>>[vector<16xi32>, vector<16xi32>, vector<16xi32>], vector<16xf32>,
      tpu.vector_store_idx %arg13[%select_n3A_641, %select_n3A_756, %broadcast_in_dim3A_898], %add3A_1017 : memref<8x8x132xf32, #tpu.memory_space<vmem>>[vector<16xi32>, vector<16xi32>, vector<16xi32>], vector<16xf32>,
      tpu.vector_store_idx %arg13[%select_n3A_672, %select_n3A_778, %broadcast_in_dim3A_898], %add3A_1018 : memref<8x8x132xf32, #tpu.memory_space<vmem>>[vector<16xi32>, vector<16xi32>, vector<16xi32>], vector<16xf32>,
      tpu.vector_store_idx %arg13[%select_n3A_703, %select_n3A_800, %broadcast_in_dim3A_898], %add3A_1019 : memref<8x8x132xf32, #tpu.memory_space<vmem>>[vector<16xi32>, vector<16xi32>, vector<16xi32>], vector<16xf32>,
      tpu.vector_store_idx %arg13[%select_n3A_734, %select_n3A_822, %broadcast_in_dim3A_898], %add3A_1020 : memref<8x8x132xf32, #tpu.memory_space<vmem>>[vector<16xi32>, vector<16xi32>, vector<16xi32>], vector<16xf32>,
      tpu.vector_store_idx %arg13[%select_n3A_641, %select_n3A_756, %broadcast_in_dim3A_899], %add3A_1021 : memref<8x8x132xf32, #tpu.memory_space<vmem>>[vector<16xi32>, vector<16xi32>, vector<16xi32>], vector<16xf32>,
      tpu.vector_store_idx %arg13[%select_n3A_672, %select_n3A_778, %broadcast_in_dim3A_899], %add3A_1022 : memref<8x8x132xf32, #tpu.memory_space<vmem>>[vector<16xi32>, vector<16xi32>, vector<16xi32>], vector<16xf32>,
      tpu.vector_store_idx %arg13[%select_n3A_703, %select_n3A_800, %broadcast_in_dim3A_899], %add3A_1023 : memref<8x8x132xf32, #tpu.memory_space<vmem>>[vector<16xi32>, vector<16xi32>, vector<16xi32>], vector<16xf32>,
      tpu.vector_store_idx %arg13[%select_n3A_734, %select_n3A_822, %broadcast_in_dim3A_899], %add3A_1024 : memref<8x8x132xf32, #tpu.memory_space<vmem>>[vector<16xi32>, vector<16xi32>, vector<16xi32>], vector<16xf32>,
      tpu.vector_store_idx %arg13[%select_n3A_641, %select_n3A_756, %broadcast_in_dim3A_900], %add3A_1025 : memref<8x8x132xf32, #tpu.memory_space<vmem>>[vector<16xi32>, vector<16xi32>, vector<16xi32>], vector<16xf32>,
      tpu.vector_store_idx %arg13[%select_n3A_672, %select_n3A_778, %broadcast_in_dim3A_900], %add3A_1026 : memref<8x8x132xf32, #tpu.memory_space<vmem>>[vector<16xi32>, vector<16xi32>, vector<16xi32>], vector<16xf32>,
      tpu.vector_store_idx %arg13[%select_n3A_703, %select_n3A_800, %broadcast_in_dim3A_900], %add3A_1027 : memref<8x8x132xf32, #tpu.memory_space<vmem>>[vector<16xi32>, vector<16xi32>, vector<16xi32>], vector<16xf32>,
      tpu.vector_store_idx %arg13[%select_n3A_734, %select_n3A_822, %broadcast_in_dim3A_900], %add3A_1028 : memref<8x8x132xf32, #tpu.memory_space<vmem>>[vector<16xi32>, vector<16xi32>, vector<16xi32>], vector<16xf32>,
    }
    %scan3A_827 = arith.constant 32 : i32
    %dma_start3A_828 = arith.constant 199 : i32
    %dma_start3A_829 = arith.constant 0 : i32
    %dma_start3A_830 = arith.constant 0 : i32
    %dma_start3A_831 = arith.constant 0 : i32
    %dma_start3A_832 = tpu.memref_slice %arg13[%dma_start3A_829, %dma_start3A_830, %dma_start3A_831] : memref<8x8x132xf32, #tpu.memory_space<vmem>> -> memref<8x8x128xf32, #tpu.memory_space<vmem>>
    %dma_start3A_833 = arith.constant 0 : i32
    %dma_start3A_834 = arith.constant 0 : i32
    %dma_start3A_835 = arith.constant 0 : i32
    %dma_start3A_836 = tpu.memref_slice %arg5[%dma_start3A_828, %dma_start3A_833, %add3A, %dma_start3A_834, %dma_start3A_835] : memref<200x8x32x8x128xf32, #tpu.memory_space<hbm>> -> memref<1x8x1x8x128xf32, #tpu.memory_space<hbm>>
    %dma_start3A_837 = tpu.memref_squeeze %dma_start3A_836 : memref<1x8x1x8x128xf32, #tpu.memory_space<hbm>> -> memref<8x8x128xf32, #tpu.memory_space<hbm>>
    %dma_start3A_838 = arith.constant 0 : i32
    %dma_start3A_839 = arith.constant 0 : i32
    %dma_start3A_840 = arith.constant 0 : i32
    %dma_start3A_841 = tpu.memref_slice %arg5[%dma_start3A_828, %dma_start3A_838, %add3A, %dma_start3A_839, %dma_start3A_840] : memref<200x8x32x8x128xf32, #tpu.memory_space<hbm>> -> memref<1x8x1x8x128xf32, #tpu.memory_space<hbm>>
    %dma_start3A_842 = tpu.memref_squeeze %dma_start3A_841 : memref<1x8x1x8x128xf32, #tpu.memory_space<hbm>> -> memref<8x8x128xf32, #tpu.memory_space<hbm>>
    %dma_start3A_843 = arith.constant 0 : i32
    %dma_start3A_844 = arith.constant 0 : i32
    %dma_start3A_845 = arith.constant 0 : i32
    %dma_start3A_846 = tpu.memref_slice %arg13[%dma_start3A_843, %dma_start3A_844, %dma_start3A_845] : memref<8x8x132xf32, #tpu.memory_space<vmem>> -> memref<8x8x128xf32, #tpu.memory_space<vmem>>
    tpu.enqueue_dma source(%dma_start3A_846 : memref<8x8x128xf32, #tpu.memory_space<vmem>>) target(%dma_start3A_842 : memref<8x8x128xf32, #tpu.memory_space<hbm>>) target_semaphore(%arg17 : memref<!tpu.dma_semaphore, #tpu.memory_space<semaphore_mem>>)
    %dma_wait3A_847 = arith.constant 198 : i32
    %dma_wait3A_848 = arith.constant 0 : i32
    %dma_wait3A_849 = arith.constant 0 : i32
    %dma_wait3A_850 = arith.constant 0 : i32
    %dma_wait3A_851 = tpu.memref_slice %arg12[%dma_wait3A_848, %dma_wait3A_849, %dma_wait3A_850] : memref<8x8x132xf32, #tpu.memory_space<vmem>> -> memref<8x8x128xf32, #tpu.memory_space<vmem>>
    %dma_wait3A_852 = arith.constant 0 : i32
    %dma_wait3A_853 = arith.constant 0 : i32
    %dma_wait3A_854 = arith.constant 0 : i32
    %dma_wait3A_855 = tpu.memref_slice %arg5[%dma_wait3A_847, %dma_wait3A_852, %add3A, %dma_wait3A_853, %dma_wait3A_854] : memref<200x8x32x8x128xf32, #tpu.memory_space<hbm>> -> memref<1x8x1x8x128xf32, #tpu.memory_space<hbm>>
    %dma_wait3A_856 = tpu.memref_squeeze %dma_wait3A_855 : memref<1x8x1x8x128xf32, #tpu.memory_space<hbm>> -> memref<8x8x128xf32, #tpu.memory_space<hbm>>
    %dma_wait3A_857 = arith.constant 0 : i32
    %dma_wait3A_858 = arith.constant 0 : i32
    %dma_wait3A_859 = arith.constant 0 : i32
    %dma_wait3A_860 = tpu.memref_slice %arg5[%dma_wait3A_847, %dma_wait3A_857, %add3A, %dma_wait3A_858, %dma_wait3A_859] : memref<200x8x32x8x128xf32, #tpu.memory_space<hbm>> -> memref<1x8x1x8x128xf32, #tpu.memory_space<hbm>>
    %dma_wait3A_861 = tpu.memref_squeeze %dma_wait3A_860 : memref<1x8x1x8x128xf32, #tpu.memory_space<hbm>> -> memref<8x8x128xf32, #tpu.memory_space<hbm>>
    %dma_wait3A_862 = arith.constant 0 : i32
    %dma_wait3A_863 = arith.constant 0 : i32
    %dma_wait3A_864 = arith.constant 0 : i32
    %dma_wait3A_865 = tpu.memref_slice %arg12[%dma_wait3A_862, %dma_wait3A_863, %dma_wait3A_864] : memref<8x8x132xf32, #tpu.memory_space<vmem>> -> memref<8x8x128xf32, #tpu.memory_space<vmem>>
    tpu.wait_dma2 semaphore(%arg16 : memref<!tpu.dma_semaphore, #tpu.memory_space<semaphore_mem>>) src(%dma_wait3A_865 : memref<8x8x128xf32, #tpu.memory_space<vmem>>) dst(%dma_wait3A_861 : memref<8x8x128xf32, #tpu.memory_space<hbm>>)
    %dma_wait3A_866 = arith.constant 199 : i32
    %dma_wait3A_867 = arith.constant 0 : i32
    %dma_wait3A_868 = arith.constant 0 : i32
    %dma_wait3A_869 = arith.constant 0 : i32
    %dma_wait3A_870 = tpu.memref_slice %arg13[%dma_wait3A_867, %dma_wait3A_868, %dma_wait3A_869] : memref<8x8x132xf32, #tpu.memory_space<vmem>> -> memref<8x8x128xf32, #tpu.memory_space<vmem>>
    %dma_wait3A_871 = arith.constant 0 : i32
    %dma_wait3A_872 = arith.constant 0 : i32
    %dma_wait3A_873 = arith.constant 0 : i32
    %dma_wait3A_874 = tpu.memref_slice %arg5[%dma_wait3A_866, %dma_wait3A_871, %add3A, %dma_wait3A_872, %dma_wait3A_873] : memref<200x8x32x8x128xf32, #tpu.memory_space<hbm>> -> memref<1x8x1x8x128xf32, #tpu.memory_space<hbm>>
    %dma_wait3A_875 = tpu.memref_squeeze %dma_wait3A_874 : memref<1x8x1x8x128xf32, #tpu.memory_space<hbm>> -> memref<8x8x128xf32, #tpu.memory_space<hbm>>
    %dma_wait3A_876 = arith.constant 0 : i32
    %dma_wait3A_877 = arith.constant 0 : i32
    %dma_wait3A_878 = arith.constant 0 : i32
    %dma_wait3A_879 = tpu.memref_slice %arg5[%dma_wait3A_866, %dma_wait3A_876, %add3A, %dma_wait3A_877, %dma_wait3A_878] : memref<200x8x32x8x128xf32, #tpu.memory_space<hbm>> -> memref<1x8x1x8x128xf32, #tpu.memory_space<hbm>>
    %dma_wait3A_880 = tpu.memref_squeeze %dma_wait3A_879 : memref<1x8x1x8x128xf32, #tpu.memory_space<hbm>> -> memref<8x8x128xf32, #tpu.memory_space<hbm>>
    %dma_wait3A_881 = arith.constant 0 : i32
    %dma_wait3A_882 = arith.constant 0 : i32
    %dma_wait3A_883 = arith.constant 0 : i32
    %dma_wait3A_884 = tpu.memref_slice %arg13[%dma_wait3A_881, %dma_wait3A_882, %dma_wait3A_883] : memref<8x8x132xf32, #tpu.memory_space<vmem>> -> memref<8x8x128xf32, #tpu.memory_space<vmem>>
    tpu.wait_dma2 semaphore(%arg17 : memref<!tpu.dma_semaphore, #tpu.memory_space<semaphore_mem>>) src(%dma_wait3A_884 : memref<8x8x128xf32, #tpu.memory_space<vmem>>) dst(%dma_wait3A_880 : memref<8x8x128xf32, #tpu.memory_space<hbm>>)
    return
  }
}

</mosaic_0001>

<sc_bundles>
// kernel: _embed.3.cloned.1.call-start
scs
__scs_entry_jumppad:
0x0: {  	(pc) =	sbr.rel $0x88, $3  }
0x1: {  	(tag) =	ssettag $0x0;
	lr =	simm.s32 $0x1  }
0x2: {  	[smem:$0x3F9E] =	sst lr;
	_ =	strace $0xD0000000  }
0x3: {  	_ = 	snop  }
0x4: {  	_ = 	snop  }
0x5: {  	_ = 	snop  }
0x6: {  	_ = 	snop  }
0x7: {  	_ = 	snop  }
__scs_overlays_trampoline_lowered:
0x8: {  	[smem:$0x3FAD] =	sst s0  }
0x9: {  	[smem:$0x3FAE] =	sst s1  }
0xa: {  	[smem:$0x3FAF] =	sst s2  }
0xb: {  	[smem:$0x3FB0] =	sst s3  }
0xc: {  	[smem:$0x3FB1] =	sst s4  }
0xd: {  	[smem:$0x3FB2] =	sst s5  }
0xe: {  	[smem:$0x3FB3] =	sst s6  }
0xf: {  	[smem:$0x3FB4] =	sst s7  }
0x10: {  	[smem:$0x3FB5] =	sst s8  }
0x11: {  	[smem:$0x3FB6] =	sst s9;
	s0 =	simm.s32 @!p0 $0x0  }
0x12: {  	s1 =	sld [smem:$0x3F9C];
	s0 =	simm.s32 @p0 $0x1  }
0x13: {  	[smem:$0x3FB7] =	sst s0;
	s0 =	simm.s32 @!p1 $0x0  }
0x14: {  	s2 =	sld [smem:$0x3F9B];
	s0 =	simm.s32 @p1 $0x1  }
0x15: {  	[smem:$0x3FB8] =	sst s0;
	s0 =	simm.s32 @!p2 $0x0  }
0x16: {  	s3 =	sld [smem:$0x3FDB];
	s0 =	simm.s32 @p2 $0x1  }
0x17: {  	s4 =	simm.s32 $0x1BF5;
	[smem:$0x3FBA] =	sst s0  }
0x18: {  	s0 =	sld [smem:$0x3F9D];
	_ =	swait.ge [sflag:s4], $0x0  }
0x19: {  	s7 =	sld [smem:$0x3F9E]  }
0x1a: {  	s8 =	sadd.s32 $0xFFFFE003, lr  }
0x1b: {  	s9 =	sadd.s32 $0xFFFFFEF7, lr;
	s5 =	simm.s32 $0xFFFFFFFF;
	p2 =	slt.u32 s8, $0xFFFFF086  }
0x1c: {  	p1 =	slt.u32 s9, $0xF7A;
	s5 =	simm.s32 @!p2 $0x0  }
0x1d: {  	s5 =	simm.s32 @p1 $0x1;
	p0 =	seq.s32 s7, s2  }
0x1e: {  	s7 =	smul.u32 @!p0 $0xF7A, s2;
	p2 =	seq.s32 @!p0 s5, $0x0  }
0x1f: {  	s9 =	smul.u32 $0xF7A, s1;
	s8 =	simm.s32 @!p0 $0x1BF5;
	p2 =	por !p2, p0  }
0x20: {  	[sflag:s8] =	ssyncset.s32 @!p0 $0xFFFFF086;
	s6 =	sadd.s32 @!p0 s3, s7;
	s7 =	simm.s32 @!p0 $0x108  }
0x21: {  	s3 =	sadd.s32 s3, s9;
	s6 =	sadd.s32 @!p0 $0x88, s6;
	s7 =	simm.s32 @p2 $0x1082  }
0x22: {  	[simem:s7], [sflag:s8] =	dma.local @!p0 [hbm:s6], $0xF7A  }
0x23: {  	s9 =	sor.u32 $0xD0000000, s2;
	s6 =	simm.s32 $0x108;
	_ =	swait.ge @!p0 [sflag:s8], $0x0  }
0x24: {  	s3 =	sadd.s32 $0x88, s3;
	s6 =	simm.s32 @!p1 $0x1082;
	[sflag:s4] =	ssyncset.s32 $0xFFFFF086  }
0x25: {  	[simem:s6], [sflag:s4] =	dma.local [hbm:s3], $0xF7A  }
0x26: {  	[smem:$0x3F9E] =	sst s1;
	(tag) =	ssettag s2;
	_ =	strace s9  }
0x27: {  	s1 =	sld [smem:$0x3FAE]  }
0x28: {  	s2 =	sld [smem:$0x3FAF]  }
0x29: {  	s4 =	sld [smem:$0x3FB1]  }
0x2a: {  	p0 =	seq.s32 s5, $0x0;
	s5 =	sld [smem:$0x3FB2]  }
0x2b: {  	s6 =	sld [smem:$0x3FB3]  }
0x2c: {  	s7 =	sld [smem:$0x3FB4]  }
0x2d: {  	s3 =	simm.s32 $0x108;
	s8 =	sld [smem:$0x3FB5]  }
0x2e: {  	s3 =	simm.s32 @!p0 $0x1082;
	s9 =	sld [smem:$0x3FB6]  }
0x2f: {  	lr =	sadd.s32 s0, s3;
	s0 =	sld [smem:$0x3FAD]  }
0x30: {  	s3 =	sld [smem:$0x3FB0]  }
0x31: {  	[smem:$0x3FB9] =	sst s10  }
0x32: {  	s10 =	sld [smem:$0x3FB7];
	_ =	sdelay $0x3  }
0x33: {  	p0 =	seq.s32 s10, $0x1;
	s10 =	sld [smem:$0x3FB9];
	_ =	sdelay $0x3  }
0x34: {  	[smem:$0x3FB9] =	sst s10  }
0x35: {  	s10 =	sld [smem:$0x3FB8];
	_ =	sdelay $0x3  }
0x36: {  	p1 =	seq.s32 s10, $0x1;
	s10 =	sld [smem:$0x3FB9];
	_ =	sdelay $0x3  }
0x37: {  	[smem:$0x3FB9] =	sst s10  }
0x38: {  	s10 =	sld [smem:$0x3FBA]  }
0x39: {  	_ = 	snop;
	(pc) =	sbr.ind lr, $3  }
0x3a: {  	_ = 	snop  }
0x3b: {  	_ = 	snop  }
0x3c: {  	p2 =	seq.s32 s10, $0x1;
	s10 =	sld [smem:$0x3FB9]  }
0x3d: {  	_ =	shalt  }
0x3e: {  	_ =	shalt  }
0x3f: {  	_ =	shalt  }
0x40: {  	_ =	shalt  }
0x41: {  	_ =	shalt  }
0x42: {  	_ =	shalt  }
0x43: {  	_ =	shalt  }
0x44: {  	_ =	shalt  }
0x45: {  	_ =	shalt  }
0x46: {  	_ =	shalt  }
0x47: {  	_ =	shalt  }
0x48: {  	_ =	shalt  }
0x49: {  	_ =	shalt  }
0x4a: {  	_ =	shalt  }
0x4b: {  	_ =	shalt  }
0x4c: {  	_ =	shalt  }
0x4d: {  	_ =	shalt  }
0x4e: {  	_ =	shalt  }
0x4f: {  	_ =	shalt  }
0x50: {  	_ =	shalt  }
0x51: {  	_ =	shalt  }
0x52: {  	_ =	shalt  }
0x53: {  	_ =	shalt  }
0x54: {  	_ =	shalt  }
0x55: {  	_ =	shalt  }
0x56: {  	_ =	shalt  }
0x57: {  	_ =	shalt  }
0x58: {  	_ =	shalt  }
0x59: {  	_ =	shalt  }
0x5a: {  	_ =	shalt  }
0x5b: {  	_ =	shalt  }
0x5c: {  	_ =	shalt  }
0x5d: {  	_ =	shalt  }
0x5e: {  	_ =	shalt  }
0x5f: {  	_ =	shalt  }
0x60: {  	_ =	shalt  }
0x61: {  	_ =	shalt  }
0x62: {  	_ =	shalt  }
0x63: {  	_ =	shalt  }
0x64: {  	_ =	shalt  }
0x65: {  	_ =	shalt  }
0x66: {  	_ =	shalt  }
0x67: {  	_ =	shalt  }
0x68: {  	_ =	shalt  }
0x69: {  	_ =	shalt  }
0x6a: {  	_ =	shalt  }
0x6b: {  	_ =	shalt  }
0x6c: {  	_ =	shalt  }
0x6d: {  	_ =	shalt  }
0x6e: {  	_ =	shalt  }
0x6f: {  	_ =	shalt  }
0x70: {  	_ =	shalt  }
0x71: {  	_ =	shalt  }
0x72: {  	_ =	shalt  }
0x73: {  	_ =	shalt  }
0x74: {  	_ =	shalt  }
0x75: {  	_ =	shalt  }
0x76: {  	_ =	shalt  }
0x77: {  	_ =	shalt  }
0x78: {  	_ =	shalt  }
0x79: {  	_ =	shalt  }
0x7a: {  	_ =	shalt  }
0x7b: {  	_ =	shalt  }
0x7c: {  	_ =	shalt  }
0x7d: {  	_ =	shalt  }
0x7e: {  	_ =	shalt  }
0x7f: {  	_ =	shalt  }
0x80: {  	_ =	shalt  }
0x81: {  	_ =	shalt  }
0x82: {  	_ =	shalt  }
0x83: {  	_ =	shalt  }
0x84: {  	_ =	shalt  }
0x85: {  	_ =	shalt  }
0x86: {  	_ =	shalt  }
0x87: {  	_ =	shalt  }
.Lfunc_end0:
.L_simem_size_0:
called_computation_lowered:
.L_overlay_start_0:
0x88: {  	s2 =	sld [smem:$0x3FD9]  }
0x89: {  	s3 =	sld [smem:$0x3FFE];
	_ =	sdelay $0x1  }
0x8a: {  	s1 =	srdreg.scid  }
0x8b: {  	s0 =	sand.u32 $0x1, s1  }
0x8c: {  	s17 =	sshll.u32 s0, $0xA;
	s2 =	sadd.s32 s3, s2  }
0x8d: {  	s2 =	sadd.s32 s2, s17  }
0x8e: {  	[smem:$0x3FC5] =	sst s2  }
0x8f: {  	_ = 	snop  }
0x90: {  	s2 =	sld [smem:$0x3FD0];
	(tm) =	ssettm $0x1  }
0x91: {  	s18 =	sld [smem:$0x3FFB];
	_ =	sdelay $0x3  }
0x92: {  	_ =	strace s18  }
0x93: {  	s3 =	sld [smem:$0x3FFC];
	_ =	sdelay $0x3  }
0x94: {  	_ =	strace s3  }
0x95: {  	s3 =	sld [smem:$0x3FFD];
	_ =	sdelay $0x3  }
0x96: {  	_ =	strace s3  }
0x97: {  	_ =	strace $0x8FFFFFFF  }
0x98: {  	s19 =	sld [smem:$0x3FDB];
	_ =	sdelay $0x1  }
0x99: {  	s4 =	simm.s32 $_scs_section_size  }
0x9a: {  	s5 =	simm.s32 $_size__tile_overlayer_lowered;
	s6 =	simm.s32 $_tile_overlayer_lowered  }
0x9b: {  	s22 =	simm.s32 $0x1BFF;
	s21 =	sshll.u32 s6, $0x1;
	s3 =	sadd.s32 s4, s19  }
0x9c: {  	s7 =	simm.s32 $0x0;
	s20 =	sshll.u32 s5, $0x1;
	s5 =	sadd.s32 s21, s3  }
0x9d: {  	[timem:s7], [sflag:s22] =	dma.local [hbm:s5], s20  }
0x9e: {  	_ =	swait.ge [sflag:s22], s20  }
0x9f: {  	s4 =	ssub.s32 $0x0, s20;
	[sflag:s22] =	ssyncset.done $0x0  }
0xa0: {  	[sflag:s22] =	ssyncadd.s32 s4;
	_ =	sdelay $0x1  }
0xa1: {  	s23 =	simm.s32 $0x1B8B  }
0xa2: {  	_ =	swait.ge [sflag:s23], $0x1  }
0xa3: {  	[sflag:s23] =	ssyncset.done $0x0  }
0xa4: {  	s25 =	simm.s32 $0x1B8E;
	s24 =	sld [smem:$0x3FFE];
	[sflag:s23] =	ssyncadd.s32 $0xFFFFFFFF  }
0xa5: {  	s26 =	simm.s32 $execute0_lowered;
	[smem:$0x3FD2] =	sst s25  }
0xa6: {  	s5 =	sshll.u32 s26, $0x1;
	_ =	strace $0x80000046;
	[dreg:$0x1] =	wrdreg $0xFFFFFFFF  }
0xa7: {  	s28 =	simm.s32 $_size_execute0_lowered;
	s3 =	sadd.s32 s3, s5;
	[dreg:$0x0] =	wrdreg $0x0  }
0xa8: {  	s5 =	sshll.u32 s28, $0x1;
	[dreg:$0x2] =	wrdreg s3  }
0xa9: {  	[dreg:$0x3] =	wrdreg s5  }
0xaa: {  	[dreg:$0x4] =	wrdreg $0xC0  }
0xab: {  	_ =	task [dreg:s7], $0x5FFFF  }
0xac: {  	[dreg:$0x1] =	wrdreg $0xFFFFFFFF  }
0xad: {  	[dreg:$0x0] =	wrdreg $0x60  }
0xae: {  	[dreg:$0x2] =	wrdreg s24  }
0xaf: {  	[dreg:$0x3] =	wrdreg s2  }
0xb0: {  	[dreg:$0x4] =	wrdreg $0x9  }
0xb1: {  	_ =	task.clear_ibuf [dreg:s7], $0x5FFFF;
	_ =	strace $0x90000046  }
0xb2: {  	s29 =	simm.s32 $0x9;
	_ =	strace $0x80000048  }
0xb3: {  	_ =	swait.ge [sflag:s29], $0x1  }
0xb4: {  	[sflag:s29] =	ssyncadd.s32 $0xFFFFFFFF  }
0xb5: {  	_ =	strace $0x90000048  }
0xb6: {  	_ =	sfence  }
0xb7: {  	s30 =	sld [smem:$0x0];
	_ =	sdelay $0x2  }
0xb8: {  	s31 =	sshll.u32 s1, $0xD;
	s1 =	sshrl.u32 s1, $0x2  }
0xb9: {  	s3 =	sand.u32 $0x4000, s31;
	s1 =	sadd.s32 s1, s30  }
0xba: {  	s0 =	sor.u32 s3, s0;
	s1 =	sshll.u32 s1, $0x11  }
0xbb: {  	s0 =	sor.u32 s1, s0  }
0xbc: {  	s0 =	sadd.s32 $0x8F2B, s0  }
0xbd: {  	[sflag:s0] =	ssyncadd.remote.s32 $0x1  }
0xbe: {  	_ =	sfence.sel $0xFFFF  }
0xbf: {  	[dreg:$0x0] =	wrdreg $0xFFFFFFFF;
	(pc) =	sbr.abs _section_cstart, $3  }
0xc0: {  	[dreg:$0x1] =	wrdreg $0xFFFFFFFF  }
0xc1: {  	_ =	task.clear_ibuf [dreg:s7], $0x2FFFF;
	_ =	strace $0x9FFFFFFF  }
0xc2: {  	(tm) =	ssettm $0x7FFFFFFF  }
0xc3: {  	_ =	shalt  }
tec
execute0_lowered:
.L_overlay_start_1:
0x0: {  	(tag) =	ssettag $0x1  }
0x1: {  	s0 =	rddreg [dreg:$0x0]  }
0x2: {  	s1 =	rddreg [dreg:$0x1];
	s3 =	simm.s32 $0x0  }
0x3: {  	s2 =	srdreg.scid;
	s5 =	stileid.u32;
	s15 =	simm.s32 $0x5  }
0x4: {  	s16 =	simm.s32 $0x3200;
	s17 =	simm.s32 $0x3280;
	s18 =	simm.s32 $0x80  }
0x5: {  	s20 =	simm.s32 $0x3300;
	s21 =	simm.s32 $0x4480;
	s22 =	simm.s32 $0x3380  }
0x6: {  	s23 =	simm.s32 $0x5480;
	s24 =	simm.s32 $0x3400;
	s28 =	simm.s32 $0x7480  }
0x7: {  	s29 =	simm.s32 $0x3;
	s30 =	simm.s32 $0x2;
	s31 =	simm.s32 $0x9680  }
0x8: {  	[smem:$0x7FF] =	sst s3;
	s4 =	sadd.s32 $0x800, s0;
	s2 =	sand.u32 $0x1, s2  }
0x9: {  	v13 =	vlaneseq.u32;
	s6 =	sshll.u32 s5, $0x1;
	s5 =	sadd.s32 $0x1E85000, s0;
	s0 =	sadd.s32 $0x19800, s0  }
0xa: {  	v0 =	vmul.u32 $0x2, v13;
	_ =	strace $0x80000047;
	s7 =	ssub.s32 $0x2, s2;
	s2 =	sor.u32 s2, s6  }
0xb: {  	v13 =	vmul.u32 $0x88, v13;
	[dreg:$0x3] =	wrdreg s0;
	s25 =	sshrl.u32 s7, $0x1;
	s6 =	sshll.u32 s2, $0x4  }
0xc: {  	s10 =	sshll.u32 s2, $0xA;
	v1 =	vor.u32 $0x1, v0;
	v2 =	vor.u32 $0x20, v0;
	v3 =	vor.u32 $0x21, v0;
	s0 =	ssub.s32 s7, s25;
	s6 =	sadd.s32 s4, s6  }
0xd: {  	v4 =	vor.u32 $0x40, v0;
	v5 =	vor.u32 $0x41, v0;
	v6 =	vor.u32 $0x60, v0;
	s7 =	sshll.u32 s2, $0x7;
	[dreg:$0x4] =	wrdreg s6;
	s6 =	sadd.s32 $0x200, s6  }
0xe: {  	v7 =	vor.u32 $0x61, v0;
	v8 =	vor.u32 $0x80, v0;
	v9 =	vor.u32 $0x81, v0;
	s25 =	simm.s32 $0x6480;
	s26 =	sadd.s32 s1, s7;
	[dreg:$0x5] =	wrdreg s6  }
0xf: {  	v10 =	vor.u32 $0xA0, v0;
	v11 =	vor.u32 $0xA1, v0;
	v12 =	vor.u32 $0xC0, v0;
	s12 =	sor.u32 $0x3000, s7;
	s0 =	smax.u32 s0, $0x1;
	[dreg:$0x6] =	wrdreg s26  }
0x10: {  	v14 =	vor.u32 $0xC1, v0;
	v15 =	vor.u32 $0xE0, v0;
	v16 =	vor.u32 $0xE1, v0;
	s2 =	sadd.s32 $0x638000, s26;
	[dreg:$0x8] =	wrdreg s0;
	s26 =	simm.s32 $0x1  }
0x11: {  	v17 =	vadd.s32 $0x880, v13;
	v18 =	vadd.s32 $0x1100, v13;
	v19 =	vadd.s32 $0x1980, v13;
	s0 =	simm.s32 $0x4;
	s6 =	simm.s32 $0x0;
	[dreg:$0x7] =	wrdreg s2  }
.LBB2_1:
0x12: {  	[dreg:$0x9] =	wrdreg s6  }
0x13: {  	s2 =	rddreg [dreg:$0x3]  }
0x14: {  	[tilespmem:s3], [sflag:$0x5] =	stream.linear.gather [hbm4b:s2+s3], $0x3200, $0x38;
	[tilespmem:$0xB880] =	vst v63  }
0x15: {  	_ =	swait.ge [sflag:s15], $0x3200  }
0x16: {  	[sflag:s15] =	ssyncset.done $0x0  }
0x17: {  	s8 =	rddreg [dreg:$0x4];
	[sflag:s15] =	ssyncadd.s32 $0xFFFFCE00  }
0x18: {  	[tilespmem:s16], [sflag:$0x5] =	stream.linear.gather [hbm4b:s8+s3], $0x80, $0x38;
	[tilespmem:$0xB880] =	vst v63  }
0x19: {  	_ =	swait.ge [sflag:s15], $0x80  }
0x1a: {  	[sflag:s15] =	ssyncset.done $0x0  }
0x1b: {  	[sflag:s15] =	ssyncadd.s32 $0xFFFFFF80  }
0x1c: {  	v20 =	vld [tilespmem:$0x3200];
	_ =	sdelay $0x4  }
0x1d: {  	v20 =	vshll.u32 v20, $0x1  }
0x1e: {  	[tilespmem:v0+s17+$0x0] =	vst.idx.msk $0xffff, v20;
	v20 =	vor.u32 $0x1, v20  }
0x1f: {  	[tilespmem:v1+s17+$0x0] =	vst.idx.msk $0xffff, v20  }
0x20: {  	v20 =	vld [tilespmem:$0x3210];
	_ =	sdelay $0x4  }
0x21: {  	v20 =	vshll.u32 v20, $0x1  }
0x22: {  	[tilespmem:v2+s17+$0x0] =	vst.idx.msk $0xffff, v20;
	v20 =	vor.u32 $0x1, v20  }
0x23: {  	[tilespmem:v3+s17+$0x0] =	vst.idx.msk $0xffff, v20  }
0x24: {  	v20 =	vld [tilespmem:$0x3220];
	_ =	sdelay $0x4  }
0x25: {  	v20 =	vshll.u32 v20, $0x1  }
0x26: {  	[tilespmem:v4+s17+$0x0] =	vst.idx.msk $0xffff, v20;
	v20 =	vor.u32 $0x1, v20  }
0x27: {  	[tilespmem:v5+s17+$0x0] =	vst.idx.msk $0xffff, v20  }
0x28: {  	v20 =	vld [tilespmem:$0x3230];
	_ =	sdelay $0x4  }
0x29: {  	v20 =	vshll.u32 v20, $0x1  }
0x2a: {  	[tilespmem:v6+s17+$0x0] =	vst.idx.msk $0xffff, v20;
	v20 =	vor.u32 $0x1, v20  }
0x2b: {  	[tilespmem:v7+s17+$0x0] =	vst.idx.msk $0xffff, v20  }
0x2c: {  	v20 =	vld [tilespmem:$0x3240];
	_ =	sdelay $0x4  }
0x2d: {  	v20 =	vshll.u32 v20, $0x1  }
0x2e: {  	[tilespmem:v8+s17+$0x0] =	vst.idx.msk $0xffff, v20;
	v20 =	vor.u32 $0x1, v20  }
0x2f: {  	[tilespmem:v9+s17+$0x0] =	vst.idx.msk $0xffff, v20  }
0x30: {  	v20 =	vld [tilespmem:$0x3250];
	_ =	sdelay $0x4  }
0x31: {  	v20 =	vshll.u32 v20, $0x1  }
0x32: {  	[tilespmem:v10+s17+$0x0] =	vst.idx.msk $0xffff, v20;
	v20 =	vor.u32 $0x1, v20  }
0x33: {  	[tilespmem:v11+s17+$0x0] =	vst.idx.msk $0xffff, v20  }
0x34: {  	v20 =	vld [tilespmem:$0x3260];
	_ =	sdelay $0x4  }
0x35: {  	v20 =	vshll.u32 v20, $0x1  }
0x36: {  	[tilespmem:v12+s17+$0x0] =	vst.idx.msk $0xffff, v20;
	v20 =	vor.u32 $0x1, v20  }
0x37: {  	[tilespmem:v14+s17+$0x0] =	vst.idx.msk $0xffff, v20  }
0x38: {  	v20 =	vld [tilespmem:$0x3270];
	_ =	sdelay $0x4  }
0x39: {  	v20 =	vshll.u32 v20, $0x1  }
0x3a: {  	[tilespmem:v15+s17+$0x0] =	vst.idx.msk $0xffff, v20;
	v20 =	vor.u32 $0x1, v20  }
0x3b: {  	s9 =	simm.s32 $0x3480;
	[tilespmem:v16+s17+$0x0] =	vst.idx.msk $0xffff, v20  }
0x3c: {  	[tilespmem:s9], [sflag:$0x1] =	stream.indirect.gather [hbm4b:s5+s18], $0x20, s17, s18, $0xb8;
	[tilespmem:$0xB880] =	vst v63  }
0x3d: {  	_ = 	snop  }
0x3e: {  	[tilespmem:s21], [sflag:$0x1] =	stream.indirect.gather [hbm4b:s5+s18], $0x20, s20, s18, $0xb8;
	[tilespmem:$0xB880] =	vst v63  }
0x3f: {  	s11 =	rddreg [dreg:$0x5]  }
0x40: {  	[tilespmem:s16], [sflag:$0x5] =	stream.linear.gather [hbm4b:s11+s3], $0x80, $0x38;
	[tilespmem:$0xB880] =	vst v63  }
0x41: {  	_ =	swait.ge [sflag:s15], $0x80  }
0x42: {  	[sflag:s15] =	ssyncset.done $0x0  }
0x43: {  	[sflag:s15] =	ssyncadd.s32 $0xFFFFFF80  }
0x44: {  	v20 =	vld [tilespmem:$0x3200];
	_ =	sdelay $0x4  }
0x45: {  	v20 =	vshll.u32 v20, $0x1  }
0x46: {  	[tilespmem:v0+s22+$0x0] =	vst.idx.msk $0xffff, v20;
	v20 =	vor.u32 $0x1, v20  }
0x47: {  	[tilespmem:v1+s22+$0x0] =	vst.idx.msk $0xffff, v20  }
0x48: {  	v20 =	vld [tilespmem:$0x3210];
	_ =	sdelay $0x4  }
0x49: {  	v20 =	vshll.u32 v20, $0x1  }
0x4a: {  	[tilespmem:v2+s22+$0x0] =	vst.idx.msk $0xffff, v20;
	v20 =	vor.u32 $0x1, v20  }
0x4b: {  	[tilespmem:v3+s22+$0x0] =	vst.idx.msk $0xffff, v20  }
0x4c: {  	v20 =	vld [tilespmem:$0x3220];
	_ =	sdelay $0x4  }
0x4d: {  	v20 =	vshll.u32 v20, $0x1  }
0x4e: {  	[tilespmem:v4+s22+$0x0] =	vst.idx.msk $0xffff, v20;
	v20 =	vor.u32 $0x1, v20  }
0x4f: {  	[tilespmem:v5+s22+$0x0] =	vst.idx.msk $0xffff, v20  }
0x50: {  	v20 =	vld [tilespmem:$0x3230];
	_ =	sdelay $0x4  }
0x51: {  	v20 =	vshll.u32 v20, $0x1  }
0x52: {  	[tilespmem:v6+s22+$0x0] =	vst.idx.msk $0xffff, v20;
	v20 =	vor.u32 $0x1, v20  }
0x53: {  	[tilespmem:v7+s22+$0x0] =	vst.idx.msk $0xffff, v20  }
0x54: {  	v20 =	vld [tilespmem:$0x3240];
	_ =	sdelay $0x4  }
0x55: {  	v20 =	vshll.u32 v20, $0x1  }
0x56: {  	[tilespmem:v8+s22+$0x0] =	vst.idx.msk $0xffff, v20;
	v20 =	vor.u32 $0x1, v20  }
0x57: {  	[tilespmem:v9+s22+$0x0] =	vst.idx.msk $0xffff, v20  }
0x58: {  	v20 =	vld [tilespmem:$0x3250];
	_ =	sdelay $0x4  }
0x59: {  	v20 =	vshll.u32 v20, $0x1  }
0x5a: {  	[tilespmem:v10+s22+$0x0] =	vst.idx.msk $0xffff, v20;
	v20 =	vor.u32 $0x1, v20  }
0x5b: {  	[tilespmem:v11+s22+$0x0] =	vst.idx.msk $0xffff, v20  }
0x5c: {  	v20 =	vld [tilespmem:$0x3260];
	_ =	sdelay $0x4  }
0x5d: {  	v20 =	vshll.u32 v20, $0x1  }
0x5e: {  	[tilespmem:v12+s22+$0x0] =	vst.idx.msk $0xffff, v20;
	v20 =	vor.u32 $0x1, v20  }
0x5f: {  	[tilespmem:v14+s22+$0x0] =	vst.idx.msk $0xffff, v20  }
0x60: {  	v20 =	vld [tilespmem:$0x3270];
	_ =	sdelay $0x4  }
0x61: {  	v20 =	vshll.u32 v20, $0x1  }
0x62: {  	[tilespmem:v15+s22+$0x0] =	vst.idx.msk $0xffff, v20;
	v20 =	vor.u32 $0x1, v20  }
0x63: {  	[tilespmem:v16+s22+$0x0] =	vst.idx.msk $0xffff, v20  }
0x64: {  	[tilespmem:s23], [sflag:$0x2] =	stream.indirect.gather [hbm4b:s5+s18], $0x20, s22, s18, $0xb8;
	[tilespmem:$0xB880] =	vst v63  }
0x65: {  	_ = 	snop  }
0x66: {  	[tilespmem:s25], [sflag:$0x2] =	stream.indirect.gather [hbm4b:s5+s18], $0x20, s24, s18, $0xb8;
	[tilespmem:$0xB880] =	vst v63  }
0x67: {  	_ =	swait.ge [sflag:s26], $0x1000  }
0x68: {  	[sflag:s26] =	ssyncset.done $0x0  }
0x69: {  	[sflag:s26] =	ssyncadd.s32 $0xFFFFF000  }
0x6a: {  	_ =	swait.ge [sflag:s26], $0x1000  }
0x6b: {  	[sflag:s26] =	ssyncset.done $0x0  }
0x6c: {  	[sflag:s26] =	ssyncadd.s32 $0xFFFFF000  }
0x6d: {  	v20 =	vld [tilespmem:$0x0]  }
0x6e: {  	v21 =	vld [tilespmem:$0x10]  }
0x6f: {  	v22 =	vld [tilespmem:$0x20]  }
0x70: {  	s6 =	simm.s32 $0x3500;
	v23 =	vld [tilespmem:$0x30]  }
0x71: {  	v24 =	vld [tilespmem:s6+$0xFFFFFF80]  }
0x72: {  	v25 =	vld [tilespmem:s6+$0x70]  }
0x73: {  	v26 =	vld [tilespmem:s6+$0x60]  }
0x74: {  	v27 =	vld [tilespmem:s6+$0x50]  }
0x75: {  	v28 =	vld [tilespmem:s6+$0x40]  }
0x76: {  	v29 =	vld [tilespmem:s6+$0x30]  }
0x77: {  	v30 =	vld [tilespmem:s6+$0x20]  }
0x78: {  	v31 =	vld [tilespmem:s6+$0x10]  }
0x79: {  	v33 =	vmov s3;
	v32 =	vld [tilespmem:s6+$0x0]  }
0x7a: {  	v33 =	vand.u32 $0x7C, v33;
	v35 =	vld [tilespmem:s6+$0xFFFFFF90]  }
0x7b: {  	v37 =	vadd.s32 v13, v33;
	v36 =	vld [tilespmem:s6+$0xFFFFFFA0]  }
0x7c: {  	s13 =	simm.s32 $0x1;
	v39 =	vadd.s32 v17, v33;
	v38 =	vld [tilespmem:s6+$0xFFFFFFB0]  }
0x7d: {  	v40 =	vmov s13;
	v42 =	vadd.s32 v18, v33;
	v41 =	vld [tilespmem:s6+$0xFFFFFFC0]  }
0x7e: {  	v33 =	vadd.s32 v19, v33;
	v40 =	vand.u32 $0x7D, v40;
	v43 =	vld [tilespmem:s6+$0xFFFFFFD0];
	v24 =	vadd.f32 v24, v20  }
0x7f: {  	v45 =	vadd.s32 v13, v40;
	v44 =	vld [tilespmem:s6+$0xFFFFFFE0];
	v35 =	vadd.f32 v35, v21  }
0x80: {  	s14 =	simm.s32 $0x2;
	v34 =	vld [tilespmem:s6+$0xFFFFFFF0];
	v36 =	vadd.f32 v36, v22;
	[tilespmem:v37+s28+$0x0] =	vst.idx.msk $0xffff, v24;
	v24 =	vadd.s32 v17, v40  }
0x81: {  	v50 =	vmov s14;
	v51 =	vadd.s32 v18, v40;
	v38 =	vadd.f32 v38, v23;
	[tilespmem:v39+s28+$0x0] =	vst.idx.msk $0xffff, v35  }
0x82: {  	v53 =	vadd.s32 v19, v40;
	v52 =	vadd.f32 v41, v20;
	v37 =	vand.u32 $0x7E, v50;
	[tilespmem:v42+s28+$0x0] =	vst.idx.msk $0xffff, v36  }
0x83: {  	v54 =	vadd.f32 v43, v21;
	v55 =	vadd.s32 v13, v37;
	[tilespmem:v33+s28+$0x0] =	vst.idx.msk $0xffff, v38  }
0x84: {  	s19 =	simm.s32 $0x3;
	v56 =	vadd.f32 v44, v22;
	v57 =	vadd.s32 v17, v37;
	[tilespmem:v45+s28+$0x0] =	vst.idx.msk $0xffff, v52  }
0x85: {  	v58 =	vmov s19;
	v34 =	vadd.f32 v34, v23;
	[tilespmem:v24+s28+$0x0] =	vst.idx.msk $0xffff, v54;
	v24 =	vadd.s32 v18, v37  }
0x86: {  	v60 =	vand.u32 $0x7F, v58;
	v32 =	vadd.f32 v32, v20;
	v59 =	vadd.s32 v19, v37;
	[tilespmem:v51+s28+$0x0] =	vst.idx.msk $0xffff, v56  }
0x87: {  	v61 =	vadd.s32 v13, v60;
	v31 =	vadd.f32 v31, v21;
	[tilespmem:v53+s28+$0x0] =	vst.idx.msk $0xffff, v34  }
0x88: {  	v62 =	vadd.s32 v17, v60;
	v30 =	vadd.f32 v30, v22;
	[tilespmem:v55+s28+$0x0] =	vst.idx.msk $0xffff, v32  }
0x89: {  	v29 =	vadd.f32 v29, v23;
	[tilespmem:v57+s28+$0x0] =	vst.idx.msk $0xffff, v31  }
0x8a: {  	v28 =	vadd.f32 v28, v20;
	[tilespmem:v24+s28+$0x0] =	vst.idx.msk $0xffff, v30  }
0x8b: {  	v63 =	vadd.s32 v18, v60;
	v24 =	vadd.f32 v27, v21;
	[tilespmem:v59+s28+$0x0] =	vst.idx.msk $0xffff, v29  }
0x8c: {  	[tilespmem:v61+s28+$0x0] =	vst.idx.msk $0xffff, v28  }
0x8d: {  	[tilespmem:v62+s28+$0x0] =	vst.idx.msk $0xffff, v24;
	v24 =	vadd.s32 v19, v60  }
0x8e: {  	v26 =	vadd.f32 v26, v22;
	_ =	sdelay $0x1  }
0x8f: {  	s8 =	simm.s32 $0x4;
	v25 =	vadd.f32 v25, v23;
	[tilespmem:v63+s28+$0x0] =	vst.idx.msk $0xffff, v26  }
.LBB2_2:
0x90: {  	p0 =	sne.s32 s8, $0x7C  }
0x91: {  	[tilespmem:v24+s28+$0x0] =	vst.idx.msk $0xffff, v25;
	s6 =	sadd.s32 $0x100, s6;
	s2 =	smov.u32 s8;
	s8 =	sadd.s32 $0x4, s8  }
0x92: {  	v24 =	vld [tilespmem:s6+$0xFFFFFF80]  }
0x93: {  	v25 =	vld [tilespmem:s6+$0x70]  }
0x94: {  	v26 =	vld [tilespmem:s6+$0x60]  }
0x95: {  	v27 =	vld [tilespmem:s6+$0x50]  }
0x96: {  	v28 =	vld [tilespmem:s6+$0x40]  }
0x97: {  	v29 =	vld [tilespmem:s6+$0x30]  }
0x98: {  	v30 =	vld [tilespmem:s6+$0x20]  }
0x99: {  	v31 =	vld [tilespmem:s6+$0x10]  }
0x9a: {  	v32 =	vld [tilespmem:s6+$0x0]  }
0x9b: {  	v33 =	vmov s2;
	v34 =	vld [tilespmem:s6+$0xFFFFFFF0]  }
0x9c: {  	v33 =	vand.u32 $0x7C, v33;
	v35 =	vld [tilespmem:s6+$0xFFFFFF90]  }
0x9d: {  	v37 =	vadd.s32 v13, v33;
	v38 =	vadd.s32 v19, v33;
	v36 =	vld [tilespmem:s6+$0xFFFFFFA0]  }
0x9e: {  	s9 =	sadd.s32 $0x1, s2;
	v40 =	vadd.s32 v17, v33;
	v39 =	vld [tilespmem:s6+$0xFFFFFFB0]  }
0x9f: {  	v41 =	vmov s9;
	v33 =	vadd.s32 v18, v33;
	v42 =	vld [tilespmem:s6+$0xFFFFFFC0]  }
0xa0: {  	v41 =	vand.u32 $0x7D, v41;
	v24 =	vadd.f32 v24, v20;
	v43 =	vld [tilespmem:s6+$0xFFFFFFD0]  }
0xa1: {  	v45 =	vadd.s32 v13, v41;
	v44 =	vld [tilespmem:s6+$0xFFFFFFE0];
	v35 =	vadd.f32 v35, v21  }
0xa2: {  	s9 =	sadd.s32 $0x2, s2;
	v36 =	vadd.f32 v36, v22;
	[tilespmem:v37+s28+$0x0] =	vst.idx.msk $0xffff, v24;
	v24 =	vadd.s32 v17, v41  }
0xa3: {  	v37 =	vmov s9;
	v39 =	vadd.f32 v39, v23;
	[tilespmem:v40+s28+$0x0] =	vst.idx.msk $0xffff, v35;
	v35 =	vadd.s32 v18, v41  }
0xa4: {  	v40 =	vadd.f32 v42, v20;
	[tilespmem:v33+s28+$0x0] =	vst.idx.msk $0xffff, v36;
	v33 =	vadd.s32 v19, v41;
	v36 =	vand.u32 $0x7E, v37  }
0xa5: {  	v37 =	vadd.f32 v43, v21;
	[tilespmem:v38+s28+$0x0] =	vst.idx.msk $0xffff, v39;
	v38 =	vadd.s32 v13, v36  }
0xa6: {  	s2 =	sadd.s32 $0x3, s2;
	v39 =	vadd.f32 v44, v22;
	[tilespmem:v45+s28+$0x0] =	vst.idx.msk $0xffff, v40;
	v40 =	vadd.s32 v17, v36  }
0xa7: {  	v34 =	vadd.f32 v34, v23;
	v41 =	vmov s2;
	[tilespmem:v24+s28+$0x0] =	vst.idx.msk $0xffff, v37;
	v24 =	vadd.s32 v18, v36  }
0xa8: {  	v32 =	vadd.f32 v32, v20;
	[tilespmem:v35+s28+$0x0] =	vst.idx.msk $0xffff, v39;
	v35 =	vadd.s32 v19, v36;
	v36 =	vand.u32 $0x7F, v41  }
0xa9: {  	v31 =	vadd.f32 v31, v21;
	[tilespmem:v33+s28+$0x0] =	vst.idx.msk $0xffff, v34;
	v33 =	vadd.s32 v13, v36  }
0xaa: {  	v30 =	vadd.f32 v30, v22;
	[tilespmem:v38+s28+$0x0] =	vst.idx.msk $0xffff, v32;
	v32 =	vadd.s32 v17, v36  }
0xab: {  	v29 =	vadd.f32 v29, v23;
	[tilespmem:v40+s28+$0x0] =	vst.idx.msk $0xffff, v31;
	v31 =	vadd.s32 v18, v36  }
.Ltmp0:
0xac: {  	v28 =	vadd.f32 v28, v20;
	[tilespmem:v24+s28+$0x0] =	vst.idx.msk $0xffff, v30;
	v24 =	vadd.s32 v19, v36;
	(pc) =	sbr.rel @p0 .LBB2_2-.Ltmp0, $4  }
0xad: {  	v27 =	vadd.f32 v27, v21;
	[tilespmem:v35+s28+$0x0] =	vst.idx.msk $0xffff, v29  }
0xae: {  	v26 =	vadd.f32 v26, v22;
	[tilespmem:v33+s28+$0x0] =	vst.idx.msk $0xffff, v28  }
0xaf: {  	v25 =	vadd.f32 v25, v23;
	[tilespmem:v32+s28+$0x0] =	vst.idx.msk $0xffff, v27  }
0xb0: {  	[tilespmem:v31+s28+$0x0] =	vst.idx.msk $0xffff, v26  }
0xb1: {  	_ =	sdelay $0x3  }
0xb2: {  	[tilespmem:v24+s28+$0x0] =	vst.idx.msk $0xffff, v25;
	s6 =	simm.s32 $0x0;
	s2 =	simm.s32 $0x7480;
	s11 =	rddreg [dreg:$0x6]  }
0xb3: {  	[hbm4b:s11+s6] =	stream.linear.scatter [tilespmem:s2], [sflag:$0x3], $0x80, $0x38;
	[tilespmem:$0xB880] =	vst v63  }
0xb4: {  	s13 =	simm.s32 $0x7508;
	s8 =	sadd.s32 $0x10, s11  }
0xb5: {  	[hbm4b:s8+s6] =	stream.linear.scatter [tilespmem:s13], [sflag:$0x3], $0x80, $0x38;
	[tilespmem:$0xB880] =	vst v63  }
0xb6: {  	s14 =	simm.s32 $0x7590;
	s19 =	sadd.s32 $0x20, s11  }
0xb7: {  	[hbm4b:s19+s6] =	stream.linear.scatter [tilespmem:s14], [sflag:$0x3], $0x80, $0x38;
	[tilespmem:$0xB880] =	vst v63  }
0xb8: {  	s9 =	simm.s32 $0x7618;
	s13 =	sadd.s32 $0x30, s11  }
0xb9: {  	[hbm4b:s13+s6] =	stream.linear.scatter [tilespmem:s9], [sflag:$0x3], $0x80, $0x38;
	[tilespmem:$0xB880] =	vst v63  }
0xba: {  	s14 =	simm.s32 $0x76A0;
	s19 =	sadd.s32 $0x40, s11  }
0xbb: {  	[hbm4b:s19+s6] =	stream.linear.scatter [tilespmem:s14], [sflag:$0x3], $0x80, $0x38;
	[tilespmem:$0xB880] =	vst v63  }
0xbc: {  	s2 =	simm.s32 $0x440;
	s9 =	simm.s32 $0x7728;
	s13 =	sadd.s32 $0x50, s11  }
0xbd: {  	[hbm4b:s13+s6] =	stream.linear.scatter [tilespmem:s9], [sflag:$0x3], $0x80, $0x38;
	[tilespmem:$0xB880] =	vst v63  }
0xbe: {  	s8 =	sadd.s32 $0x1000, s11;
	s14 =	simm.s32 $0x77B0;
	s19 =	sadd.s32 $0x60, s11  }
0xbf: {  	[hbm4b:s19+s6] =	stream.linear.scatter [tilespmem:s14], [sflag:$0x3], $0x80, $0x38;
	[tilespmem:$0xB880] =	vst v63  }
0xc0: {  	s9 =	simm.s32 $0x2200;
	s13 =	simm.s32 $0x7838;
	s14 =	sadd.s32 $0x70, s11  }
.LBB2_4:
0xc1: {  	[hbm4b:s14+s6] =	stream.linear.scatter [tilespmem:s13], [sflag:$0x3], $0x80, $0x38;
	[tilespmem:$0xB880] =	vst v63  }
0xc2: {  	s11 =	smov.u32 s2;
	s2 =	smov.u32 s9  }
0xc3: {  	s19 =	sadd.s32 $0x1100, s9;
	s2 =	sshra.s32 s2, $0x2;
	s13 =	sadd.s32 $0x7480, s11  }
0xc4: {  	[hbm4b:s8+s6] =	stream.linear.scatter [tilespmem:s13], [sflag:$0x3], $0x80, $0x38;
	[tilespmem:$0xB880] =	vst v63  }
0xc5: {  	p0 =	sne.s32 s9, $0x7700;
	s9 =	sadd.s32 $0x7508, s11;
	s13 =	sadd.s32 $0x10, s8  }
0xc6: {  	[hbm4b:s13+s6] =	stream.linear.scatter [tilespmem:s9], [sflag:$0x3], $0x80, $0x38;
	[tilespmem:$0xB880] =	vst v63  }
0xc7: {  	s9 =	sadd.s32 $0x7590, s11;
	s13 =	sadd.s32 $0x20, s8  }
0xc8: {  	[hbm4b:s13+s6] =	stream.linear.scatter [tilespmem:s9], [sflag:$0x3], $0x80, $0x38;
	[tilespmem:$0xB880] =	vst v63  }
0xc9: {  	s9 =	sadd.s32 $0x7618, s11;
	s13 =	sadd.s32 $0x30, s8  }
0xca: {  	[hbm4b:s13+s6] =	stream.linear.scatter [tilespmem:s9], [sflag:$0x3], $0x80, $0x38;
	[tilespmem:$0xB880] =	vst v63  }
0xcb: {  	s9 =	sadd.s32 $0x76A0, s11;
	s13 =	sadd.s32 $0x40, s8  }
0xcc: {  	[hbm4b:s13+s6] =	stream.linear.scatter [tilespmem:s9], [sflag:$0x3], $0x80, $0x38;
	[tilespmem:$0xB880] =	vst v63  }
.Ltmp1:
0xcd: {  	s9 =	sadd.s32 $0x7728, s11;
	s13 =	sadd.s32 $0x50, s8;
	(pc) =	sbr.rel @p0 .LBB2_4-.Ltmp1, $4  }
0xce: {  	[hbm4b:s13+s6] =	stream.linear.scatter [tilespmem:s9], [sflag:$0x3], $0x80, $0x38;
	[tilespmem:$0xB880] =	vst v63  }
0xcf: {  	s14 =	sadd.s32 $0x70, s8;
	s9 =	sadd.s32 $0x77B0, s11;
	s13 =	sadd.s32 $0x60, s8  }
0xd0: {  	[hbm4b:s13+s6] =	stream.linear.scatter [tilespmem:s9], [sflag:$0x3], $0x80, $0x38;
	[tilespmem:$0xB880] =	vst v63  }
0xd1: {  	s8 =	sadd.s32 $0x1000, s8;
	s13 =	sadd.s32 $0x7838, s11;
	s9 =	smov.u32 s19  }
0xd2: {  	[hbm4b:s14+s6] =	stream.linear.scatter [tilespmem:s13], [sflag:$0x3], $0x80, $0x38;
	[tilespmem:$0xB880] =	vst v63  }
0xd3: {  	s9 =	sadd.s32 $0x7480, s2  }
0xd4: {  	[hbm4b:s8+s6] =	stream.linear.scatter [tilespmem:s9], [sflag:$0x3], $0x80, $0x38;
	[tilespmem:$0xB880] =	vst v63  }
0xd5: {  	s19 =	sadd.s32 $0x7508, s2;
	s11 =	sadd.s32 $0x10, s8  }
0xd6: {  	[hbm4b:s11+s6] =	stream.linear.scatter [tilespmem:s19], [sflag:$0x3], $0x80, $0x38;
	[tilespmem:$0xB880] =	vst v63  }
0xd7: {  	s13 =	sadd.s32 $0x20, s8;
	s11 =	sadd.s32 $0x7590, s2  }
0xd8: {  	[hbm4b:s13+s6] =	stream.linear.scatter [tilespmem:s11], [sflag:$0x3], $0x80, $0x38;
	[tilespmem:$0xB880] =	vst v63  }
0xd9: {  	s14 =	sadd.s32 $0x7618, s2;
	s19 =	sadd.s32 $0x30, s8  }
0xda: {  	[hbm4b:s19+s6] =	stream.linear.scatter [tilespmem:s14], [sflag:$0x3], $0x80, $0x38;
	[tilespmem:$0xB880] =	vst v63  }
0xdb: {  	s11 =	sadd.s32 $0x76A0, s2;
	s13 =	sadd.s32 $0x40, s8  }
0xdc: {  	[hbm4b:s13+s6] =	stream.linear.scatter [tilespmem:s11], [sflag:$0x3], $0x80, $0x38;
	[tilespmem:$0xB880] =	vst v63  }
0xdd: {  	s14 =	sadd.s32 $0x7728, s2;
	s19 =	sadd.s32 $0x50, s8  }
0xde: {  	[hbm4b:s19+s6] =	stream.linear.scatter [tilespmem:s14], [sflag:$0x3], $0x80, $0x38;
	[tilespmem:$0xB880] =	vst v63  }
0xdf: {  	s11 =	sadd.s32 $0x77B0, s2;
	s13 =	sadd.s32 $0x60, s8  }
0xe0: {  	[hbm4b:s13+s6] =	stream.linear.scatter [tilespmem:s11], [sflag:$0x3], $0x80, $0x38;
	[tilespmem:$0xB880] =	vst v63  }
0xe1: {  	s14 =	sadd.s32 $0x7838, s2;
	s19 =	sadd.s32 $0x70, s8  }
0xe2: {  	[hbm4b:s19+s6] =	stream.linear.scatter [tilespmem:s14], [sflag:$0x3], $0x80, $0x38;
	[tilespmem:$0xB880] =	vst v63  }
.LBB2_6:
0xe3: {  	s2 =	sshll.u32 s6, $0x1  }
0xe4: {  	s9 =	sadd.s32 $0x2, s2  }
0xe5: {  	s2 =	sshll.u32 s9, $0xC  }
0xe6: {  	_ =	swait.ge [sflag:s29], $0x2000;
	s2 =	sor.u32 s7, s2  }
0xe7: {  	[sflag:s29] =	ssyncset.done $0x0;
	s2 =	sshrl.u32 s2, $0x3  }
0xe8: {  	s13 =	simm.s32 $0x0;
	[sflag:s29] =	ssyncadd.s32 $0xFFFFE000;
	s8 =	sadd.s32 s4, s2  }
0xe9: {  	[tilespmem:s16], [sflag:$0x5] =	stream.linear.gather [hbm4b:s8+s13], $0x80, $0x38;
	[tilespmem:$0xB880] =	vst v63  }
0xea: {  	_ =	swait.ge [sflag:s15], $0x80  }
0xeb: {  	[sflag:s15] =	ssyncset.done $0x0  }
0xec: {  	[sflag:s15] =	ssyncadd.s32 $0xFFFFFF80  }
0xed: {  	v20 =	vld [tilespmem:$0x3200];
	_ =	sdelay $0x4  }
0xee: {  	v20 =	vshll.u32 v20, $0x1  }
0xef: {  	[tilespmem:v0+s17+$0x0] =	vst.idx.msk $0xffff, v20;
	v20 =	vor.u32 $0x1, v20  }
0xf0: {  	[tilespmem:v1+s17+$0x0] =	vst.idx.msk $0xffff, v20  }
0xf1: {  	v20 =	vld [tilespmem:$0x3210];
	_ =	sdelay $0x4  }
0xf2: {  	v20 =	vshll.u32 v20, $0x1  }
0xf3: {  	[tilespmem:v2+s17+$0x0] =	vst.idx.msk $0xffff, v20;
	v20 =	vor.u32 $0x1, v20  }
0xf4: {  	[tilespmem:v3+s17+$0x0] =	vst.idx.msk $0xffff, v20  }
0xf5: {  	v20 =	vld [tilespmem:$0x3220];
	_ =	sdelay $0x4  }
0xf6: {  	v20 =	vshll.u32 v20, $0x1  }
0xf7: {  	[tilespmem:v4+s17+$0x0] =	vst.idx.msk $0xffff, v20;
	v20 =	vor.u32 $0x1, v20  }
0xf8: {  	[tilespmem:v5+s17+$0x0] =	vst.idx.msk $0xffff, v20  }
0xf9: {  	v20 =	vld [tilespmem:$0x3230];
	_ =	sdelay $0x4  }
0xfa: {  	v20 =	vshll.u32 v20, $0x1  }
0xfb: {  	[tilespmem:v6+s17+$0x0] =	vst.idx.msk $0xffff, v20;
	v20 =	vor.u32 $0x1, v20  }
0xfc: {  	[tilespmem:v7+s17+$0x0] =	vst.idx.msk $0xffff, v20  }
0xfd: {  	v20 =	vld [tilespmem:$0x3240];
	_ =	sdelay $0x4  }
0xfe: {  	v20 =	vshll.u32 v20, $0x1  }
0xff: {  	[tilespmem:v8+s17+$0x0] =	vst.idx.msk $0xffff, v20;
	v20 =	vor.u32 $0x1, v20  }
0x100: {  	[tilespmem:v9+s17+$0x0] =	vst.idx.msk $0xffff, v20  }
0x101: {  	v20 =	vld [tilespmem:$0x3250];
	_ =	sdelay $0x4  }
0x102: {  	v20 =	vshll.u32 v20, $0x1  }
0x103: {  	[tilespmem:v10+s17+$0x0] =	vst.idx.msk $0xffff, v20;
	v20 =	vor.u32 $0x1, v20  }
0x104: {  	[tilespmem:v11+s17+$0x0] =	vst.idx.msk $0xffff, v20  }
0x105: {  	v20 =	vld [tilespmem:$0x3260];
	_ =	sdelay $0x4  }
0x106: {  	v20 =	vshll.u32 v20, $0x1  }
0x107: {  	[tilespmem:v12+s17+$0x0] =	vst.idx.msk $0xffff, v20;
	v20 =	vor.u32 $0x1, v20  }
0x108: {  	[tilespmem:v14+s17+$0x0] =	vst.idx.msk $0xffff, v20  }
0x109: {  	v20 =	vld [tilespmem:$0x3270];
	_ =	sdelay $0x4  }
0x10a: {  	v20 =	vshll.u32 v20, $0x1  }
0x10b: {  	[tilespmem:v15+s17+$0x0] =	vst.idx.msk $0xffff, v20;
	v20 =	vor.u32 $0x1, v20  }
0x10c: {  	s14 =	simm.s32 $0x3480;
	[tilespmem:v16+s17+$0x0] =	vst.idx.msk $0xffff, v20  }
0x10d: {  	[tilespmem:s14], [sflag:$0x1] =	stream.indirect.gather [hbm4b:s5+s18], $0x20, s17, s18, $0xb8;
	[tilespmem:$0xB880] =	vst v63  }
0x10e: {  	_ = 	snop  }
0x10f: {  	[tilespmem:s21], [sflag:$0x1] =	stream.indirect.gather [hbm4b:s5+s18], $0x20, s20, s18, $0xb8;
	[tilespmem:$0xB880] =	vst v63  }
0x110: {  	_ =	swait.ge [sflag:s30], $0x1000  }
0x111: {  	[sflag:s30] =	ssyncset.done $0x0  }
0x112: {  	[sflag:s30] =	ssyncadd.s32 $0xFFFFF000  }
0x113: {  	s14 =	sshllo.u32 s6, $0x1;
	_ =	swait.ge [sflag:s30], $0x1000  }
0x114: {  	s19 =	sshll.u32 s14, $0x6;
	[sflag:s30] =	ssyncset.done $0x0  }
0x115: {  	s8 =	sand.u32 $0x3FFFFFC0, s19;
	[sflag:s30] =	ssyncadd.s32 $0xFFFFF000  }
0x116: {  	v20 =	vld [tilespmem:s8+$0x0]  }
0x117: {  	v21 =	vld [tilespmem:s8+$0x10]  }
0x118: {  	v22 =	vld [tilespmem:s8+$0x20]  }
0x119: {  	v23 =	vld [tilespmem:s8+$0x30];
	s8 =	simm.s32 $0x5500  }
0x11a: {  	v24 =	vld [tilespmem:s8+$0xFFFFFF80]  }
0x11b: {  	v25 =	vld [tilespmem:s8+$0x70]  }
0x11c: {  	v26 =	vld [tilespmem:s8+$0x60]  }
0x11d: {  	v27 =	vld [tilespmem:s8+$0x50]  }
0x11e: {  	v28 =	vld [tilespmem:s8+$0x40]  }
0x11f: {  	v29 =	vld [tilespmem:s8+$0x30]  }
0x120: {  	v30 =	vld [tilespmem:s8+$0x20]  }
0x121: {  	v31 =	vld [tilespmem:s8+$0x10]  }
0x122: {  	v33 =	vmov s13;
	v32 =	vld [tilespmem:s8+$0x0]  }
0x123: {  	v33 =	vand.u32 $0x7C, v33;
	v35 =	vld [tilespmem:s8+$0xFFFFFF90]  }
0x124: {  	v37 =	vadd.s32 v13, v33;
	v36 =	vld [tilespmem:s8+$0xFFFFFFA0]  }
0x125: {  	s11 =	simm.s32 $0x1;
	v39 =	vadd.s32 v17, v33;
	v38 =	vld [tilespmem:s8+$0xFFFFFFB0]  }
0x126: {  	v40 =	vmov s11;
	v42 =	vadd.s32 v18, v33;
	v41 =	vld [tilespmem:s8+$0xFFFFFFC0]  }
0x127: {  	v40 =	vand.u32 $0x7D, v40;
	v33 =	vadd.s32 v19, v33;
	v43 =	vld [tilespmem:s8+$0xFFFFFFD0];
	v24 =	vadd.f32 v24, v20  }
0x128: {  	v45 =	vadd.s32 v13, v40;
	v44 =	vld [tilespmem:s8+$0xFFFFFFE0];
	v35 =	vadd.f32 v35, v21  }
0x129: {  	s13 =	simm.s32 $0x2;
	v34 =	vld [tilespmem:s8+$0xFFFFFFF0];
	v36 =	vadd.f32 v36, v22;
	[tilespmem:v37+s31+$0x0] =	vst.idx.msk $0xffff, v24;
	v24 =	vadd.s32 v17, v40  }
0x12a: {  	v51 =	vadd.s32 v18, v40;
	v50 =	vmov s13;
	v38 =	vadd.f32 v38, v23;
	[tilespmem:v39+s31+$0x0] =	vst.idx.msk $0xffff, v35  }
0x12b: {  	v53 =	vadd.s32 v19, v40;
	v52 =	vadd.f32 v41, v20;
	v37 =	vand.u32 $0x7E, v50;
	[tilespmem:v42+s31+$0x0] =	vst.idx.msk $0xffff, v36  }
0x12c: {  	v54 =	vadd.f32 v43, v21;
	v55 =	vadd.s32 v13, v37;
	[tilespmem:v33+s31+$0x0] =	vst.idx.msk $0xffff, v38  }
0x12d: {  	s19 =	simm.s32 $0x3;
	v56 =	vadd.f32 v44, v22;
	v57 =	vadd.s32 v17, v37;
	[tilespmem:v45+s31+$0x0] =	vst.idx.msk $0xffff, v52  }
0x12e: {  	v58 =	vmov s19;
	v34 =	vadd.f32 v34, v23;
	[tilespmem:v24+s31+$0x0] =	vst.idx.msk $0xffff, v54;
	v24 =	vadd.s32 v18, v37  }
0x12f: {  	v60 =	vand.u32 $0x7F, v58;
	v32 =	vadd.f32 v32, v20;
	v59 =	vadd.s32 v19, v37;
	[tilespmem:v51+s31+$0x0] =	vst.idx.msk $0xffff, v56  }
0x130: {  	v61 =	vadd.s32 v13, v60;
	v31 =	vadd.f32 v31, v21;
	[tilespmem:v53+s31+$0x0] =	vst.idx.msk $0xffff, v34  }
0x131: {  	v62 =	vadd.s32 v17, v60;
	v30 =	vadd.f32 v30, v22;
	[tilespmem:v55+s31+$0x0] =	vst.idx.msk $0xffff, v32  }
0x132: {  	v29 =	vadd.f32 v29, v23;
	[tilespmem:v57+s31+$0x0] =	vst.idx.msk $0xffff, v31  }
0x133: {  	v28 =	vadd.f32 v28, v20;
	[tilespmem:v24+s31+$0x0] =	vst.idx.msk $0xffff, v30  }
0x134: {  	v63 =	vadd.s32 v18, v60;
	v24 =	vadd.f32 v27, v21;
	[tilespmem:v59+s31+$0x0] =	vst.idx.msk $0xffff, v29  }
0x135: {  	[tilespmem:v61+s31+$0x0] =	vst.idx.msk $0xffff, v28  }
0x136: {  	[tilespmem:v62+s31+$0x0] =	vst.idx.msk $0xffff, v24;
	v24 =	vadd.s32 v19, v60  }
0x137: {  	v26 =	vadd.f32 v26, v22;
	_ =	sdelay $0x1  }
0x138: {  	s2 =	simm.s32 $0x4;
	v25 =	vadd.f32 v25, v23;
	[tilespmem:v63+s31+$0x0] =	vst.idx.msk $0xffff, v26  }
.LBB2_7:
0x139: {  	p0 =	sne.s32 s2, $0x7C  }
0x13a: {  	[tilespmem:v24+s31+$0x0] =	vst.idx.msk $0xffff, v25;
	s8 =	sadd.s32 $0x100, s8;
	s13 =	smov.u32 s2;
	s2 =	sadd.s32 $0x4, s2  }
0x13b: {  	v24 =	vld [tilespmem:s8+$0xFFFFFF80]  }
0x13c: {  	v25 =	vld [tilespmem:s8+$0x70]  }
0x13d: {  	v26 =	vld [tilespmem:s8+$0x60]  }
0x13e: {  	v27 =	vld [tilespmem:s8+$0x50]  }
0x13f: {  	v28 =	vld [tilespmem:s8+$0x40]  }
0x140: {  	v29 =	vld [tilespmem:s8+$0x30]  }
0x141: {  	v30 =	vld [tilespmem:s8+$0x20]  }
0x142: {  	v31 =	vld [tilespmem:s8+$0x10]  }
0x143: {  	v32 =	vld [tilespmem:s8+$0x0]  }
0x144: {  	v33 =	vmov s13;
	v34 =	vld [tilespmem:s8+$0xFFFFFFF0]  }
0x145: {  	v33 =	vand.u32 $0x7C, v33;
	v35 =	vld [tilespmem:s8+$0xFFFFFF90]  }
0x146: {  	v37 =	vadd.s32 v13, v33;
	v38 =	vadd.s32 v19, v33;
	v36 =	vld [tilespmem:s8+$0xFFFFFFA0]  }
0x147: {  	s11 =	sadd.s32 $0x1, s13;
	v40 =	vadd.s32 v17, v33;
	v39 =	vld [tilespmem:s8+$0xFFFFFFB0]  }
0x148: {  	v41 =	vmov s11;
	v33 =	vadd.s32 v18, v33;
	v42 =	vld [tilespmem:s8+$0xFFFFFFC0]  }
0x149: {  	v41 =	vand.u32 $0x7D, v41;
	v24 =	vadd.f32 v24, v20;
	v43 =	vld [tilespmem:s8+$0xFFFFFFD0]  }
0x14a: {  	v45 =	vadd.s32 v13, v41;
	v44 =	vld [tilespmem:s8+$0xFFFFFFE0];
	v35 =	vadd.f32 v35, v21  }
0x14b: {  	s11 =	sadd.s32 $0x2, s13;
	v36 =	vadd.f32 v36, v22;
	[tilespmem:v37+s31+$0x0] =	vst.idx.msk $0xffff, v24;
	v24 =	vadd.s32 v17, v41  }
0x14c: {  	v37 =	vmov s11;
	v39 =	vadd.f32 v39, v23;
	[tilespmem:v40+s31+$0x0] =	vst.idx.msk $0xffff, v35;
	v35 =	vadd.s32 v18, v41  }
0x14d: {  	v40 =	vadd.f32 v42, v20;
	[tilespmem:v33+s31+$0x0] =	vst.idx.msk $0xffff, v36;
	v33 =	vadd.s32 v19, v41;
	v36 =	vand.u32 $0x7E, v37  }
0x14e: {  	v37 =	vadd.f32 v43, v21;
	[tilespmem:v38+s31+$0x0] =	vst.idx.msk $0xffff, v39;
	v38 =	vadd.s32 v13, v36  }
0x14f: {  	s11 =	sadd.s32 $0x3, s13;
	v39 =	vadd.f32 v44, v22;
	[tilespmem:v45+s31+$0x0] =	vst.idx.msk $0xffff, v40;
	v40 =	vadd.s32 v17, v36  }
0x150: {  	v34 =	vadd.f32 v34, v23;
	v41 =	vmov s11;
	[tilespmem:v24+s31+$0x0] =	vst.idx.msk $0xffff, v37;
	v24 =	vadd.s32 v18, v36  }
0x151: {  	v32 =	vadd.f32 v32, v20;
	[tilespmem:v35+s31+$0x0] =	vst.idx.msk $0xffff, v39;
	v35 =	vadd.s32 v19, v36;
	v36 =	vand.u32 $0x7F, v41  }
0x152: {  	v31 =	vadd.f32 v31, v21;
	[tilespmem:v33+s31+$0x0] =	vst.idx.msk $0xffff, v34;
	v33 =	vadd.s32 v13, v36  }
0x153: {  	v30 =	vadd.f32 v30, v22;
	[tilespmem:v38+s31+$0x0] =	vst.idx.msk $0xffff, v32;
	v32 =	vadd.s32 v17, v36  }
0x154: {  	v29 =	vadd.f32 v29, v23;
	[tilespmem:v40+s31+$0x0] =	vst.idx.msk $0xffff, v31;
	v31 =	vadd.s32 v18, v36  }
.Ltmp2:
0x155: {  	v28 =	vadd.f32 v28, v20;
	[tilespmem:v24+s31+$0x0] =	vst.idx.msk $0xffff, v30;
	v24 =	vadd.s32 v19, v36;
	(pc) =	sbr.rel @p0 .LBB2_7-.Ltmp2, $4  }
0x156: {  	v27 =	vadd.f32 v27, v21;
	[tilespmem:v35+s31+$0x0] =	vst.idx.msk $0xffff, v29  }
0x157: {  	v26 =	vadd.f32 v26, v22;
	[tilespmem:v33+s31+$0x0] =	vst.idx.msk $0xffff, v28  }
0x158: {  	v25 =	vadd.f32 v25, v23;
	[tilespmem:v32+s31+$0x0] =	vst.idx.msk $0xffff, v27  }
0x159: {  	[tilespmem:v31+s31+$0x0] =	vst.idx.msk $0xffff, v26  }
0x15a: {  	_ = 	snop  }
0x15b: {  	s2 =	sshll.u32 s14, $0x12  }
0x15c: {  	s2 =	sor.u32 s10, s2  }
0x15d: {  	s2 =	sshrl.u32 s2, $0x3  }
0x15e: {  	[tilespmem:v24+s31+$0x0] =	vst.idx.msk $0xffff, v25;
	s11 =	simm.s32 $0x9680;
	s8 =	sadd.s32 s1, s2  }
0x15f: {  	[hbm4b:s8+s3] =	stream.linear.scatter [tilespmem:s11], [sflag:$0x4], $0x80, $0x38;
	[tilespmem:$0xB880] =	vst v63  }
0x160: {  	s13 =	simm.s32 $0x9708;
	s11 =	sadd.s32 $0x10, s8  }
0x161: {  	[hbm4b:s11+s3] =	stream.linear.scatter [tilespmem:s13], [sflag:$0x4], $0x80, $0x38;
	[tilespmem:$0xB880] =	vst v63  }
0x162: {  	s14 =	simm.s32 $0x9790;
	s19 =	sadd.s32 $0x20, s8  }
0x163: {  	[hbm4b:s19+s3] =	stream.linear.scatter [tilespmem:s14], [sflag:$0x4], $0x80, $0x38;
	[tilespmem:$0xB880] =	vst v63  }
0x164: {  	s11 =	simm.s32 $0x9818;
	s13 =	sadd.s32 $0x30, s8  }
0x165: {  	[hbm4b:s13+s3] =	stream.linear.scatter [tilespmem:s11], [sflag:$0x4], $0x80, $0x38;
	[tilespmem:$0xB880] =	vst v63  }
0x166: {  	s14 =	simm.s32 $0x98A0;
	s19 =	sadd.s32 $0x40, s8  }
0x167: {  	[hbm4b:s19+s3] =	stream.linear.scatter [tilespmem:s14], [sflag:$0x4], $0x80, $0x38;
	[tilespmem:$0xB880] =	vst v63  }
0x168: {  	s2 =	simm.s32 $0x440;
	s11 =	simm.s32 $0x9928;
	s13 =	sadd.s32 $0x50, s8  }
0x169: {  	[hbm4b:s13+s3] =	stream.linear.scatter [tilespmem:s11], [sflag:$0x4], $0x80, $0x38;
	[tilespmem:$0xB880] =	vst v63  }
0x16a: {  	s14 =	simm.s32 $0x99B0;
	s19 =	sadd.s32 $0x60, s8;
	s13 =	simm.s32 $0x2200  }
0x16b: {  	[hbm4b:s19+s3] =	stream.linear.scatter [tilespmem:s14], [sflag:$0x4], $0x80, $0x38;
	[tilespmem:$0xB880] =	vst v63  }
0x16c: {  	s11 =	sadd.s32 $0x70, s8;
	s8 =	sadd.s32 $0x1000, s8;
	s14 =	simm.s32 $0x9A38  }
.LBB2_9:
0x16d: {  	[hbm4b:s11+s3] =	stream.linear.scatter [tilespmem:s14], [sflag:$0x4], $0x80, $0x38;
	[tilespmem:$0xB880] =	vst v63  }
0x16e: {  	s11 =	smov.u32 s2;
	s2 =	smov.u32 s13  }
0x16f: {  	s19 =	sadd.s32 $0x1100, s13;
	s2 =	sshra.s32 s2, $0x2;
	s14 =	sadd.s32 $0x9680, s11  }
0x170: {  	[hbm4b:s8+s3] =	stream.linear.scatter [tilespmem:s14], [sflag:$0x4], $0x80, $0x38;
	[tilespmem:$0xB880] =	vst v63  }
0x171: {  	p0 =	sne.s32 s13, $0x7700;
	s13 =	sadd.s32 $0x9708, s11;
	s14 =	sadd.s32 $0x10, s8  }
0x172: {  	[hbm4b:s14+s3] =	stream.linear.scatter [tilespmem:s13], [sflag:$0x4], $0x80, $0x38;
	[tilespmem:$0xB880] =	vst v63  }
0x173: {  	s13 =	sadd.s32 $0x9790, s11;
	s14 =	sadd.s32 $0x20, s8  }
0x174: {  	[hbm4b:s14+s3] =	stream.linear.scatter [tilespmem:s13], [sflag:$0x4], $0x80, $0x38;
	[tilespmem:$0xB880] =	vst v63  }
0x175: {  	s13 =	sadd.s32 $0x9818, s11;
	s14 =	sadd.s32 $0x30, s8  }
0x176: {  	[hbm4b:s14+s3] =	stream.linear.scatter [tilespmem:s13], [sflag:$0x4], $0x80, $0x38;
	[tilespmem:$0xB880] =	vst v63  }
0x177: {  	s13 =	sadd.s32 $0x98A0, s11;
	s14 =	sadd.s32 $0x40, s8  }
0x178: {  	[hbm4b:s14+s3] =	stream.linear.scatter [tilespmem:s13], [sflag:$0x4], $0x80, $0x38;
	[tilespmem:$0xB880] =	vst v63  }
0x179: {  	s13 =	sadd.s32 $0x9928, s11;
	s14 =	sadd.s32 $0x50, s8  }
0x17a: {  	[hbm4b:s14+s3] =	stream.linear.scatter [tilespmem:s13], [sflag:$0x4], $0x80, $0x38;
	[tilespmem:$0xB880] =	vst v63  }
.Ltmp3:
0x17b: {  	_ = 	snop;
	(pc) =	sbr.rel @p0 .LBB2_9-.Ltmp3, $4  }
0x17c: {  	s13 =	sadd.s32 $0x99B0, s11;
	s14 =	sadd.s32 $0x60, s8  }
0x17d: {  	[hbm4b:s14+s3] =	stream.linear.scatter [tilespmem:s13], [sflag:$0x4], $0x80, $0x38;
	[tilespmem:$0xB880] =	vst v63  }
0x17e: {  	s14 =	sadd.s32 $0x9A38, s11  }
0x17f: {  	s11 =	sadd.s32 $0x70, s8;
	s8 =	sadd.s32 $0x1000, s8;
	s13 =	smov.u32 s19  }
0x180: {  	[hbm4b:s11+s3] =	stream.linear.scatter [tilespmem:s14], [sflag:$0x4], $0x80, $0x38;
	[tilespmem:$0xB880] =	vst v63  }
0x181: {  	s14 =	sadd.s32 $0x9680, s2  }
0x182: {  	[hbm4b:s8+s3] =	stream.linear.scatter [tilespmem:s14], [sflag:$0x4], $0x80, $0x38;
	[tilespmem:$0xB880] =	vst v63  }
0x183: {  	s19 =	sadd.s32 $0x9708, s2;
	s13 =	sadd.s32 $0x10, s8  }
0x184: {  	[hbm4b:s13+s3] =	stream.linear.scatter [tilespmem:s19], [sflag:$0x4], $0x80, $0x38;
	[tilespmem:$0xB880] =	vst v63  }
0x185: {  	s14 =	sadd.s32 $0x9790, s2;
	s19 =	sadd.s32 $0x20, s8  }
0x186: {  	[hbm4b:s19+s3] =	stream.linear.scatter [tilespmem:s14], [sflag:$0x4], $0x80, $0x38;
	[tilespmem:$0xB880] =	vst v63  }
0x187: {  	s14 =	sadd.s32 $0x9818, s2;
	s19 =	sadd.s32 $0x30, s8  }
0x188: {  	[hbm4b:s19+s3] =	stream.linear.scatter [tilespmem:s14], [sflag:$0x4], $0x80, $0x38;
	[tilespmem:$0xB880] =	vst v63  }
0x189: {  	s14 =	sadd.s32 $0x98A0, s2;
	s19 =	sadd.s32 $0x40, s8  }
0x18a: {  	[hbm4b:s19+s3] =	stream.linear.scatter [tilespmem:s14], [sflag:$0x4], $0x80, $0x38;
	[tilespmem:$0xB880] =	vst v63  }
0x18b: {  	s14 =	sadd.s32 $0x9928, s2;
	s19 =	sadd.s32 $0x50, s8  }
0x18c: {  	[hbm4b:s19+s3] =	stream.linear.scatter [tilespmem:s14], [sflag:$0x4], $0x80, $0x38;
	[tilespmem:$0xB880] =	vst v63  }
0x18d: {  	s13 =	sadd.s32 $0x99B0, s2;
	s14 =	sadd.s32 $0x60, s8  }
0x18e: {  	[hbm4b:s14+s3] =	stream.linear.scatter [tilespmem:s13], [sflag:$0x4], $0x80, $0x38;
	[tilespmem:$0xB880] =	vst v63  }
0x18f: {  	s11 =	sadd.s32 $0x70, s8;
	s19 =	sadd.s32 $0x9A38, s2;
	s13 =	sshll.u32 s6, $0xD  }
0x190: {  	[hbm4b:s11+s3] =	stream.linear.scatter [tilespmem:s19], [sflag:$0x4], $0x80, $0x38;
	[tilespmem:$0xB880] =	vst v63  }
0x191: {  	s2 =	sadd.s32 s12, s13;
	_ =	swait.ge [sflag:s0], $0x2000  }
0x192: {  	s2 =	sshrl.u32 s2, $0x3;
	[sflag:s0] =	ssyncset.done $0x0  }
0x193: {  	s19 =	simm.s32 $0x0;
	s14 =	sadd.s32 s4, s2;
	[sflag:s0] =	ssyncadd.s32 $0xFFFFE000  }
0x194: {  	[tilespmem:s16], [sflag:$0x5] =	stream.linear.gather [hbm4b:s14+s19], $0x80, $0x38;
	[tilespmem:$0xB880] =	vst v63  }
0x195: {  	_ =	swait.ge [sflag:s15], $0x80  }
0x196: {  	[sflag:s15] =	ssyncset.done $0x0  }
0x197: {  	[sflag:s15] =	ssyncadd.s32 $0xFFFFFF80  }
0x198: {  	v20 =	vld [tilespmem:$0x3200];
	_ =	sdelay $0x4  }
0x199: {  	v20 =	vshll.u32 v20, $0x1  }
0x19a: {  	[tilespmem:v0+s22+$0x0] =	vst.idx.msk $0xffff, v20;
	v20 =	vor.u32 $0x1, v20  }
0x19b: {  	[tilespmem:v1+s22+$0x0] =	vst.idx.msk $0xffff, v20  }
0x19c: {  	v20 =	vld [tilespmem:$0x3210];
	_ =	sdelay $0x4  }
0x19d: {  	v20 =	vshll.u32 v20, $0x1  }
0x19e: {  	[tilespmem:v2+s22+$0x0] =	vst.idx.msk $0xffff, v20;
	v20 =	vor.u32 $0x1, v20  }
0x19f: {  	[tilespmem:v3+s22+$0x0] =	vst.idx.msk $0xffff, v20  }
0x1a0: {  	v20 =	vld [tilespmem:$0x3220];
	_ =	sdelay $0x4  }
0x1a1: {  	v20 =	vshll.u32 v20, $0x1  }
0x1a2: {  	[tilespmem:v4+s22+$0x0] =	vst.idx.msk $0xffff, v20;
	v20 =	vor.u32 $0x1, v20  }
0x1a3: {  	[tilespmem:v5+s22+$0x0] =	vst.idx.msk $0xffff, v20  }
0x1a4: {  	v20 =	vld [tilespmem:$0x3230];
	_ =	sdelay $0x4  }
0x1a5: {  	v20 =	vshll.u32 v20, $0x1  }
0x1a6: {  	[tilespmem:v6+s22+$0x0] =	vst.idx.msk $0xffff, v20;
	v20 =	vor.u32 $0x1, v20  }
0x1a7: {  	[tilespmem:v7+s22+$0x0] =	vst.idx.msk $0xffff, v20  }
0x1a8: {  	v20 =	vld [tilespmem:$0x3240];
	_ =	sdelay $0x4  }
0x1a9: {  	v20 =	vshll.u32 v20, $0x1  }
0x1aa: {  	[tilespmem:v8+s22+$0x0] =	vst.idx.msk $0xffff, v20;
	v20 =	vor.u32 $0x1, v20  }
0x1ab: {  	[tilespmem:v9+s22+$0x0] =	vst.idx.msk $0xffff, v20  }
0x1ac: {  	v20 =	vld [tilespmem:$0x3250];
	_ =	sdelay $0x4  }
0x1ad: {  	v20 =	vshll.u32 v20, $0x1  }
0x1ae: {  	[tilespmem:v10+s22+$0x0] =	vst.idx.msk $0xffff, v20;
	v20 =	vor.u32 $0x1, v20  }
0x1af: {  	[tilespmem:v11+s22+$0x0] =	vst.idx.msk $0xffff, v20  }
0x1b0: {  	v20 =	vld [tilespmem:$0x3260];
	_ =	sdelay $0x4  }
0x1b1: {  	v20 =	vshll.u32 v20, $0x1  }
0x1b2: {  	[tilespmem:v12+s22+$0x0] =	vst.idx.msk $0xffff, v20;
	v20 =	vor.u32 $0x1, v20  }
0x1b3: {  	[tilespmem:v14+s22+$0x0] =	vst.idx.msk $0xffff, v20  }
0x1b4: {  	v20 =	vld [tilespmem:$0x3270];
	_ =	sdelay $0x4  }
0x1b5: {  	v20 =	vshll.u32 v20, $0x1  }
0x1b6: {  	[tilespmem:v15+s22+$0x0] =	vst.idx.msk $0xffff, v20;
	v20 =	vor.u32 $0x1, v20  }
0x1b7: {  	[tilespmem:v16+s22+$0x0] =	vst.idx.msk $0xffff, v20  }
0x1b8: {  	[tilespmem:s23], [sflag:$0x2] =	stream.indirect.gather [hbm4b:s5+s18], $0x20, s22, s18, $0xb8;
	[tilespmem:$0xB880] =	vst v63  }
0x1b9: {  	_ = 	snop  }
0x1ba: {  	[tilespmem:s25], [sflag:$0x2] =	stream.indirect.gather [hbm4b:s5+s18], $0x20, s24, s18, $0xb8;
	[tilespmem:$0xB880] =	vst v63  }
0x1bb: {  	_ =	swait.ge [sflag:s26], $0x1000  }
0x1bc: {  	[sflag:s26] =	ssyncset.done $0x0  }
0x1bd: {  	[sflag:s26] =	ssyncadd.s32 $0xFFFFF000  }
0x1be: {  	_ =	swait.ge [sflag:s26], $0x1000  }
0x1bf: {  	s11 =	sshll.u32 s9, $0x6;
	[sflag:s26] =	ssyncset.done $0x0  }
0x1c0: {  	s8 =	sand.u32 $0x3FFFFFC0, s11;
	[sflag:s26] =	ssyncadd.s32 $0xFFFFF000  }
0x1c1: {  	v20 =	vld [tilespmem:s8+$0x0]  }
0x1c2: {  	v21 =	vld [tilespmem:s8+$0x10]  }
0x1c3: {  	v22 =	vld [tilespmem:s8+$0x20]  }
0x1c4: {  	v23 =	vld [tilespmem:s8+$0x30];
	s8 =	simm.s32 $0x3500  }
0x1c5: {  	v24 =	vld [tilespmem:s8+$0xFFFFFF80]  }
0x1c6: {  	v25 =	vld [tilespmem:s8+$0x70]  }
0x1c7: {  	v26 =	vld [tilespmem:s8+$0x60]  }
0x1c8: {  	v27 =	vld [tilespmem:s8+$0x50]  }
0x1c9: {  	v28 =	vld [tilespmem:s8+$0x40]  }
0x1ca: {  	v29 =	vld [tilespmem:s8+$0x30]  }
0x1cb: {  	v30 =	vld [tilespmem:s8+$0x20]  }
0x1cc: {  	v31 =	vld [tilespmem:s8+$0x10]  }
0x1cd: {  	v33 =	vmov s19;
	v32 =	vld [tilespmem:s8+$0x0]  }
0x1ce: {  	v33 =	vand.u32 $0x7C, v33;
	v35 =	vld [tilespmem:s8+$0xFFFFFF90]  }
0x1cf: {  	v37 =	vadd.s32 v13, v33;
	v36 =	vld [tilespmem:s8+$0xFFFFFFA0]  }
0x1d0: {  	s13 =	simm.s32 $0x1;
	v39 =	vadd.s32 v17, v33;
	v38 =	vld [tilespmem:s8+$0xFFFFFFB0]  }
0x1d1: {  	v40 =	vmov s13;
	v42 =	vadd.s32 v18, v33;
	v41 =	vld [tilespmem:s8+$0xFFFFFFC0]  }
0x1d2: {  	v40 =	vand.u32 $0x7D, v40;
	v33 =	vadd.s32 v19, v33;
	v43 =	vld [tilespmem:s8+$0xFFFFFFD0];
	v24 =	vadd.f32 v24, v20  }
0x1d3: {  	v45 =	vadd.s32 v13, v40;
	v44 =	vld [tilespmem:s8+$0xFFFFFFE0];
	v35 =	vadd.f32 v35, v21  }
0x1d4: {  	s14 =	simm.s32 $0x2;
	v34 =	vld [tilespmem:s8+$0xFFFFFFF0];
	v36 =	vadd.f32 v36, v22;
	[tilespmem:v37+s28+$0x0] =	vst.idx.msk $0xffff, v24;
	v24 =	vadd.s32 v17, v40  }
0x1d5: {  	v51 =	vadd.s32 v18, v40;
	v50 =	vmov s14;
	v38 =	vadd.f32 v38, v23;
	[tilespmem:v39+s28+$0x0] =	vst.idx.msk $0xffff, v35  }
0x1d6: {  	v53 =	vadd.s32 v19, v40;
	v52 =	vadd.f32 v41, v20;
	v37 =	vand.u32 $0x7E, v50;
	[tilespmem:v42+s28+$0x0] =	vst.idx.msk $0xffff, v36  }
0x1d7: {  	v54 =	vadd.f32 v43, v21;
	v55 =	vadd.s32 v13, v37;
	[tilespmem:v33+s28+$0x0] =	vst.idx.msk $0xffff, v38  }
0x1d8: {  	s19 =	simm.s32 $0x3;
	v56 =	vadd.f32 v44, v22;
	v57 =	vadd.s32 v17, v37;
	[tilespmem:v45+s28+$0x0] =	vst.idx.msk $0xffff, v52  }
0x1d9: {  	v58 =	vmov s19;
	v34 =	vadd.f32 v34, v23;
	[tilespmem:v24+s28+$0x0] =	vst.idx.msk $0xffff, v54;
	v24 =	vadd.s32 v18, v37  }
0x1da: {  	v60 =	vand.u32 $0x7F, v58;
	v32 =	vadd.f32 v32, v20;
	v59 =	vadd.s32 v19, v37;
	[tilespmem:v51+s28+$0x0] =	vst.idx.msk $0xffff, v56  }
0x1db: {  	v61 =	vadd.s32 v13, v60;
	v31 =	vadd.f32 v31, v21;
	[tilespmem:v53+s28+$0x0] =	vst.idx.msk $0xffff, v34  }
0x1dc: {  	v62 =	vadd.s32 v17, v60;
	v30 =	vadd.f32 v30, v22;
	[tilespmem:v55+s28+$0x0] =	vst.idx.msk $0xffff, v32  }
0x1dd: {  	v29 =	vadd.f32 v29, v23;
	[tilespmem:v57+s28+$0x0] =	vst.idx.msk $0xffff, v31  }
0x1de: {  	v28 =	vadd.f32 v28, v20;
	[tilespmem:v24+s28+$0x0] =	vst.idx.msk $0xffff, v30  }
0x1df: {  	v63 =	vadd.s32 v18, v60;
	v24 =	vadd.f32 v27, v21;
	[tilespmem:v59+s28+$0x0] =	vst.idx.msk $0xffff, v29  }
0x1e0: {  	[tilespmem:v61+s28+$0x0] =	vst.idx.msk $0xffff, v28  }
0x1e1: {  	[tilespmem:v62+s28+$0x0] =	vst.idx.msk $0xffff, v24;
	v24 =	vadd.s32 v19, v60  }
0x1e2: {  	v26 =	vadd.f32 v26, v22;
	_ =	sdelay $0x1  }
0x1e3: {  	s2 =	simm.s32 $0x4;
	v25 =	vadd.f32 v25, v23;
	[tilespmem:v63+s28+$0x0] =	vst.idx.msk $0xffff, v26  }
.LBB2_11:
0x1e4: {  	p0 =	sne.s32 s2, $0x7C  }
0x1e5: {  	[tilespmem:v24+s28+$0x0] =	vst.idx.msk $0xffff, v25;
	s8 =	sadd.s32 $0x100, s8;
	s13 =	smov.u32 s2;
	s2 =	sadd.s32 $0x4, s2  }
0x1e6: {  	v24 =	vld [tilespmem:s8+$0xFFFFFF80]  }
0x1e7: {  	v25 =	vld [tilespmem:s8+$0x70]  }
0x1e8: {  	v26 =	vld [tilespmem:s8+$0x60]  }
0x1e9: {  	v27 =	vld [tilespmem:s8+$0x50]  }
0x1ea: {  	v28 =	vld [tilespmem:s8+$0x40]  }
0x1eb: {  	v29 =	vld [tilespmem:s8+$0x30]  }
0x1ec: {  	v30 =	vld [tilespmem:s8+$0x20]  }
0x1ed: {  	v31 =	vld [tilespmem:s8+$0x10]  }
0x1ee: {  	v32 =	vld [tilespmem:s8+$0x0]  }
0x1ef: {  	v33 =	vmov s13;
	v34 =	vld [tilespmem:s8+$0xFFFFFFF0]  }
0x1f0: {  	v33 =	vand.u32 $0x7C, v33;
	v35 =	vld [tilespmem:s8+$0xFFFFFF90]  }
0x1f1: {  	v37 =	vadd.s32 v13, v33;
	v38 =	vadd.s32 v19, v33;
	v36 =	vld [tilespmem:s8+$0xFFFFFFA0]  }
0x1f2: {  	s11 =	sadd.s32 $0x1, s13;
	v40 =	vadd.s32 v17, v33;
	v39 =	vld [tilespmem:s8+$0xFFFFFFB0]  }
0x1f3: {  	v41 =	vmov s11;
	v33 =	vadd.s32 v18, v33;
	v42 =	vld [tilespmem:s8+$0xFFFFFFC0]  }
0x1f4: {  	v41 =	vand.u32 $0x7D, v41;
	v24 =	vadd.f32 v24, v20;
	v43 =	vld [tilespmem:s8+$0xFFFFFFD0]  }
0x1f5: {  	v45 =	vadd.s32 v13, v41;
	v44 =	vld [tilespmem:s8+$0xFFFFFFE0];
	v35 =	vadd.f32 v35, v21  }
0x1f6: {  	s11 =	sadd.s32 $0x2, s13;
	v36 =	vadd.f32 v36, v22;
	[tilespmem:v37+s28+$0x0] =	vst.idx.msk $0xffff, v24;
	v24 =	vadd.s32 v17, v41  }
0x1f7: {  	v37 =	vmov s11;
	v39 =	vadd.f32 v39, v23;
	[tilespmem:v40+s28+$0x0] =	vst.idx.msk $0xffff, v35;
	v35 =	vadd.s32 v18, v41  }
0x1f8: {  	v40 =	vadd.f32 v42, v20;
	[tilespmem:v33+s28+$0x0] =	vst.idx.msk $0xffff, v36;
	v33 =	vadd.s32 v19, v41;
	v36 =	vand.u32 $0x7E, v37  }
0x1f9: {  	v37 =	vadd.f32 v43, v21;
	[tilespmem:v38+s28+$0x0] =	vst.idx.msk $0xffff, v39;
	v38 =	vadd.s32 v13, v36  }
0x1fa: {  	s11 =	sadd.s32 $0x3, s13;
	v39 =	vadd.f32 v44, v22;
	[tilespmem:v45+s28+$0x0] =	vst.idx.msk $0xffff, v40;
	v40 =	vadd.s32 v17, v36  }
0x1fb: {  	v34 =	vadd.f32 v34, v23;
	v41 =	vmov s11;
	[tilespmem:v24+s28+$0x0] =	vst.idx.msk $0xffff, v37;
	v24 =	vadd.s32 v18, v36  }
0x1fc: {  	v32 =	vadd.f32 v32, v20;
	[tilespmem:v35+s28+$0x0] =	vst.idx.msk $0xffff, v39;
	v35 =	vadd.s32 v19, v36;
	v36 =	vand.u32 $0x7F, v41  }
0x1fd: {  	v31 =	vadd.f32 v31, v21;
	[tilespmem:v33+s28+$0x0] =	vst.idx.msk $0xffff, v34;
	v33 =	vadd.s32 v13, v36  }
0x1fe: {  	v30 =	vadd.f32 v30, v22;
	[tilespmem:v38+s28+$0x0] =	vst.idx.msk $0xffff, v32;
	v32 =	vadd.s32 v17, v36  }
0x1ff: {  	v29 =	vadd.f32 v29, v23;
	[tilespmem:v40+s28+$0x0] =	vst.idx.msk $0xffff, v31;
	v31 =	vadd.s32 v18, v36  }
.Ltmp4:
0x200: {  	v28 =	vadd.f32 v28, v20;
	[tilespmem:v24+s28+$0x0] =	vst.idx.msk $0xffff, v30;
	v24 =	vadd.s32 v19, v36;
	(pc) =	sbr.rel @p0 .LBB2_11-.Ltmp4, $4  }
0x201: {  	v27 =	vadd.f32 v27, v21;
	[tilespmem:v35+s28+$0x0] =	vst.idx.msk $0xffff, v29  }
0x202: {  	v26 =	vadd.f32 v26, v22;
	[tilespmem:v33+s28+$0x0] =	vst.idx.msk $0xffff, v28  }
0x203: {  	v25 =	vadd.f32 v25, v23;
	[tilespmem:v32+s28+$0x0] =	vst.idx.msk $0xffff, v27  }
0x204: {  	[tilespmem:v31+s28+$0x0] =	vst.idx.msk $0xffff, v26  }
0x205: {  	_ = 	snop  }
0x206: {  	s2 =	sshll.u32 s9, $0x12  }
0x207: {  	s2 =	sor.u32 s10, s2  }
0x208: {  	s2 =	sshrl.u32 s2, $0x3  }
0x209: {  	[tilespmem:v24+s28+$0x0] =	vst.idx.msk $0xffff, v25;
	s9 =	simm.s32 $0x7480;
	s8 =	sadd.s32 s1, s2  }
0x20a: {  	[hbm4b:s8+s3] =	stream.linear.scatter [tilespmem:s9], [sflag:$0x3], $0x80, $0x38;
	[tilespmem:$0xB880] =	vst v63  }
0x20b: {  	s11 =	simm.s32 $0x7508;
	s13 =	sadd.s32 $0x10, s8  }
0x20c: {  	[hbm4b:s13+s3] =	stream.linear.scatter [tilespmem:s11], [sflag:$0x3], $0x80, $0x38;
	[tilespmem:$0xB880] =	vst v63  }
0x20d: {  	s14 =	simm.s32 $0x7590;
	s2 =	simm.s32 $0x440;
	s19 =	sadd.s32 $0x20, s8  }
0x20e: {  	[hbm4b:s19+s3] =	stream.linear.scatter [tilespmem:s14], [sflag:$0x3], $0x80, $0x38;
	[tilespmem:$0xB880] =	vst v63  }
0x20f: {  	s9 =	simm.s32 $0x2200;
	s11 =	simm.s32 $0x7618;
	s13 =	sadd.s32 $0x30, s8  }
0x210: {  	[hbm4b:s13+s3] =	stream.linear.scatter [tilespmem:s11], [sflag:$0x3], $0x80, $0x38;
	[tilespmem:$0xB880] =	vst v63  }
0x211: {  	s14 =	simm.s32 $0x76A0;
	s19 =	sadd.s32 $0x40, s8;
	s11 =	simm.s32 $0x7728  }
0x212: {  	[hbm4b:s19+s3] =	stream.linear.scatter [tilespmem:s14], [sflag:$0x3], $0x80, $0x38;
	[tilespmem:$0xB880] =	vst v63  }
0x213: {  	s13 =	sadd.s32 $0x50, s8;
	s14 =	simm.s32 $0x77B0;
	s19 =	sadd.s32 $0x60, s8  }
0x214: {  	[hbm4b:s13+s3] =	stream.linear.scatter [tilespmem:s11], [sflag:$0x3], $0x80, $0x38;
	[tilespmem:$0xB880] =	vst v63  }
0x215: {  	s13 =	simm.s32 $0x7838;
	s11 =	sadd.s32 $0x70, s8;
	s8 =	sadd.s32 $0x1000, s8  }
0x216: {  	[hbm4b:s19+s3] =	stream.linear.scatter [tilespmem:s14], [sflag:$0x3], $0x80, $0x38;
	[tilespmem:$0xB880] =	vst v63  }
.LBB2_13:
0x217: {  	[hbm4b:s11+s3] =	stream.linear.scatter [tilespmem:s13], [sflag:$0x3], $0x80, $0x38;
	[tilespmem:$0xB880] =	vst v63  }
0x218: {  	s11 =	smov.u32 s2;
	s2 =	smov.u32 s9  }
0x219: {  	s14 =	sadd.s32 $0x1100, s9;
	s2 =	sshra.s32 s2, $0x2;
	s13 =	sadd.s32 $0x7480, s11  }
0x21a: {  	[hbm4b:s8+s3] =	stream.linear.scatter [tilespmem:s13], [sflag:$0x3], $0x80, $0x38;
	[tilespmem:$0xB880] =	vst v63  }
0x21b: {  	p0 =	sne.s32 s9, $0x7700;
	s9 =	sadd.s32 $0x7508, s11;
	s13 =	sadd.s32 $0x10, s8  }
0x21c: {  	[hbm4b:s13+s3] =	stream.linear.scatter [tilespmem:s9], [sflag:$0x3], $0x80, $0x38;
	[tilespmem:$0xB880] =	vst v63  }
0x21d: {  	s9 =	sadd.s32 $0x7590, s11;
	s13 =	sadd.s32 $0x20, s8  }
0x21e: {  	[hbm4b:s13+s3] =	stream.linear.scatter [tilespmem:s9], [sflag:$0x3], $0x80, $0x38;
	[tilespmem:$0xB880] =	vst v63  }
0x21f: {  	s9 =	sadd.s32 $0x7618, s11;
	s13 =	sadd.s32 $0x30, s8  }
0x220: {  	[hbm4b:s13+s3] =	stream.linear.scatter [tilespmem:s9], [sflag:$0x3], $0x80, $0x38;
	[tilespmem:$0xB880] =	vst v63  }
0x221: {  	s9 =	sadd.s32 $0x76A0, s11;
	s13 =	sadd.s32 $0x40, s8  }
0x222: {  	[hbm4b:s13+s3] =	stream.linear.scatter [tilespmem:s9], [sflag:$0x3], $0x80, $0x38;
	[tilespmem:$0xB880] =	vst v63  }
0x223: {  	s9 =	sadd.s32 $0x7728, s11;
	s13 =	sadd.s32 $0x50, s8  }
0x224: {  	[hbm4b:s13+s3] =	stream.linear.scatter [tilespmem:s9], [sflag:$0x3], $0x80, $0x38;
	[tilespmem:$0xB880] =	vst v63  }
.Ltmp5:
0x225: {  	_ = 	snop;
	(pc) =	sbr.rel @p0 .LBB2_13-.Ltmp5, $4  }
0x226: {  	s9 =	sadd.s32 $0x77B0, s11;
	s13 =	sadd.s32 $0x60, s8  }
0x227: {  	[hbm4b:s13+s3] =	stream.linear.scatter [tilespmem:s9], [sflag:$0x3], $0x80, $0x38;
	[tilespmem:$0xB880] =	vst v63  }
0x228: {  	s13 =	sadd.s32 $0x7838, s11  }
0x229: {  	s11 =	sadd.s32 $0x70, s8;
	s8 =	sadd.s32 $0x1000, s8;
	s9 =	smov.u32 s14  }
0x22a: {  	[hbm4b:s11+s3] =	stream.linear.scatter [tilespmem:s13], [sflag:$0x3], $0x80, $0x38;
	[tilespmem:$0xB880] =	vst v63  }
0x22b: {  	s9 =	sadd.s32 $0x7480, s2  }
0x22c: {  	[hbm4b:s8+s3] =	stream.linear.scatter [tilespmem:s9], [sflag:$0x3], $0x80, $0x38;
	[tilespmem:$0xB880] =	vst v63  }
0x22d: {  	s14 =	sadd.s32 $0x7508, s2;
	s19 =	sadd.s32 $0x10, s8  }
0x22e: {  	[hbm4b:s19+s3] =	stream.linear.scatter [tilespmem:s14], [sflag:$0x3], $0x80, $0x38;
	[tilespmem:$0xB880] =	vst v63  }
0x22f: {  	s11 =	sadd.s32 $0x7590, s2;
	s13 =	sadd.s32 $0x20, s8  }
0x230: {  	[hbm4b:s13+s3] =	stream.linear.scatter [tilespmem:s11], [sflag:$0x3], $0x80, $0x38;
	[tilespmem:$0xB880] =	vst v63  }
0x231: {  	s14 =	sadd.s32 $0x7618, s2;
	s19 =	sadd.s32 $0x30, s8  }
0x232: {  	[hbm4b:s19+s3] =	stream.linear.scatter [tilespmem:s14], [sflag:$0x3], $0x80, $0x38;
	[tilespmem:$0xB880] =	vst v63  }
0x233: {  	s6 =	sadd.s32 $0x1, s6;
	s11 =	sadd.s32 $0x76A0, s2;
	s13 =	sadd.s32 $0x40, s8  }
0x234: {  	[hbm4b:s13+s3] =	stream.linear.scatter [tilespmem:s11], [sflag:$0x3], $0x80, $0x38;
	[tilespmem:$0xB880] =	vst v63  }
0x235: {  	p0 =	sne.s32 s6, $0x63;
	s14 =	sadd.s32 $0x7728, s2;
	s19 =	sadd.s32 $0x50, s8  }
0x236: {  	[hbm4b:s19+s3] =	stream.linear.scatter [tilespmem:s14], [sflag:$0x3], $0x80, $0x38;
	[tilespmem:$0xB880] =	vst v63  }
.Ltmp6:
0x237: {  	_ = 	snop;
	(pc) =	sbr.rel @p0 .LBB2_6-.Ltmp6, $4  }
0x238: {  	s11 =	sadd.s32 $0x77B0, s2;
	s13 =	sadd.s32 $0x60, s8  }
0x239: {  	[hbm4b:s13+s3] =	stream.linear.scatter [tilespmem:s11], [sflag:$0x3], $0x80, $0x38;
	[tilespmem:$0xB880] =	vst v63  }
0x23a: {  	s14 =	sadd.s32 $0x7838, s2;
	s19 =	sadd.s32 $0x70, s8  }
0x23b: {  	[hbm4b:s19+s3] =	stream.linear.scatter [tilespmem:s14], [sflag:$0x3], $0x80, $0x38;
	[tilespmem:$0xB880] =	vst v63  }
0x23c: {  	_ =	swait.ge [sflag:s30], $0x1000  }
0x23d: {  	[sflag:s30] =	ssyncset.done $0x0  }
0x23e: {  	[sflag:s30] =	ssyncadd.s32 $0xFFFFF000  }
0x23f: {  	_ =	swait.ge [sflag:s30], $0x1000  }
0x240: {  	[sflag:s30] =	ssyncset.done $0x0  }
0x241: {  	[sflag:s30] =	ssyncadd.s32 $0xFFFFF000  }
0x242: {  	v20 =	vld [tilespmem:$0x31C0]  }
0x243: {  	v21 =	vld [tilespmem:$0x31D0]  }
0x244: {  	v22 =	vld [tilespmem:$0x31E0]  }
0x245: {  	s6 =	simm.s32 $0x5500;
	v23 =	vld [tilespmem:$0x31F0]  }
0x246: {  	v24 =	vld [tilespmem:s6+$0xFFFFFF80]  }
0x247: {  	v25 =	vld [tilespmem:s6+$0x70]  }
0x248: {  	v26 =	vld [tilespmem:s6+$0x60]  }
0x249: {  	v27 =	vld [tilespmem:s6+$0x50]  }
0x24a: {  	v28 =	vld [tilespmem:s6+$0x40]  }
0x24b: {  	v29 =	vld [tilespmem:s6+$0x30]  }
0x24c: {  	v30 =	vld [tilespmem:s6+$0x20]  }
0x24d: {  	s2 =	simm.s32 $0x0;
	v31 =	vld [tilespmem:s6+$0x10]  }
0x24e: {  	v33 =	vmov s2;
	v32 =	vld [tilespmem:s6+$0x0]  }
0x24f: {  	v33 =	vand.u32 $0x7C, v33;
	v35 =	vld [tilespmem:s6+$0xFFFFFF90]  }
0x250: {  	v37 =	vadd.s32 v13, v33;
	v36 =	vld [tilespmem:s6+$0xFFFFFFA0]  }
0x251: {  	s13 =	simm.s32 $0x1;
	v39 =	vadd.s32 v17, v33;
	v38 =	vld [tilespmem:s6+$0xFFFFFFB0]  }
0x252: {  	v40 =	vmov s13;
	v42 =	vadd.s32 v18, v33;
	v41 =	vld [tilespmem:s6+$0xFFFFFFC0]  }
0x253: {  	v40 =	vand.u32 $0x7D, v40;
	v33 =	vadd.s32 v19, v33;
	v43 =	vld [tilespmem:s6+$0xFFFFFFD0];
	v24 =	vadd.f32 v24, v20  }
0x254: {  	v45 =	vadd.s32 v13, v40;
	v44 =	vld [tilespmem:s6+$0xFFFFFFE0];
	v35 =	vadd.f32 v35, v21  }
0x255: {  	s14 =	simm.s32 $0x2;
	v34 =	vld [tilespmem:s6+$0xFFFFFFF0];
	v36 =	vadd.f32 v36, v22;
	[tilespmem:v37+s31+$0x0] =	vst.idx.msk $0xffff, v24;
	v24 =	vadd.s32 v17, v40  }
0x256: {  	v50 =	vmov s14;
	v51 =	vadd.s32 v18, v40;
	v38 =	vadd.f32 v38, v23;
	[tilespmem:v39+s31+$0x0] =	vst.idx.msk $0xffff, v35  }
0x257: {  	v53 =	vadd.s32 v19, v40;
	v52 =	vadd.f32 v41, v20;
	v37 =	vand.u32 $0x7E, v50;
	[tilespmem:v42+s31+$0x0] =	vst.idx.msk $0xffff, v36  }
0x258: {  	v54 =	vadd.f32 v43, v21;
	v55 =	vadd.s32 v13, v37;
	[tilespmem:v33+s31+$0x0] =	vst.idx.msk $0xffff, v38  }
0x259: {  	s19 =	simm.s32 $0x3;
	v56 =	vadd.f32 v44, v22;
	v57 =	vadd.s32 v17, v37;
	[tilespmem:v45+s31+$0x0] =	vst.idx.msk $0xffff, v52  }
0x25a: {  	v58 =	vmov s19;
	v34 =	vadd.f32 v34, v23;
	[tilespmem:v24+s31+$0x0] =	vst.idx.msk $0xffff, v54;
	v24 =	vadd.s32 v18, v37  }
0x25b: {  	v60 =	vand.u32 $0x7F, v58;
	v32 =	vadd.f32 v32, v20;
	v59 =	vadd.s32 v19, v37;
	[tilespmem:v51+s31+$0x0] =	vst.idx.msk $0xffff, v56  }
0x25c: {  	v61 =	vadd.s32 v13, v60;
	v31 =	vadd.f32 v31, v21;
	[tilespmem:v53+s31+$0x0] =	vst.idx.msk $0xffff, v34  }
0x25d: {  	v62 =	vadd.s32 v17, v60;
	v30 =	vadd.f32 v30, v22;
	[tilespmem:v55+s31+$0x0] =	vst.idx.msk $0xffff, v32  }
0x25e: {  	v29 =	vadd.f32 v29, v23;
	[tilespmem:v57+s31+$0x0] =	vst.idx.msk $0xffff, v31  }
0x25f: {  	v28 =	vadd.f32 v28, v20;
	[tilespmem:v24+s31+$0x0] =	vst.idx.msk $0xffff, v30  }
0x260: {  	v63 =	vadd.s32 v18, v60;
	v24 =	vadd.f32 v27, v21;
	[tilespmem:v59+s31+$0x0] =	vst.idx.msk $0xffff, v29  }
0x261: {  	[tilespmem:v61+s31+$0x0] =	vst.idx.msk $0xffff, v28  }
0x262: {  	[tilespmem:v62+s31+$0x0] =	vst.idx.msk $0xffff, v24;
	v24 =	vadd.s32 v19, v60  }
0x263: {  	v26 =	vadd.f32 v26, v22;
	_ =	sdelay $0x1  }
0x264: {  	s2 =	simm.s32 $0x4;
	v25 =	vadd.f32 v25, v23;
	[tilespmem:v63+s31+$0x0] =	vst.idx.msk $0xffff, v26  }
.LBB2_16:
0x265: {  	p0 =	sne.s32 s2, $0x7C  }
0x266: {  	[tilespmem:v24+s31+$0x0] =	vst.idx.msk $0xffff, v25;
	s6 =	sadd.s32 $0x100, s6;
	s8 =	smov.u32 s2;
	s2 =	sadd.s32 $0x4, s2  }
0x267: {  	v24 =	vld [tilespmem:s6+$0xFFFFFF80]  }
0x268: {  	v25 =	vld [tilespmem:s6+$0x70]  }
0x269: {  	v26 =	vld [tilespmem:s6+$0x60]  }
0x26a: {  	v27 =	vld [tilespmem:s6+$0x50]  }
0x26b: {  	v28 =	vld [tilespmem:s6+$0x40]  }
0x26c: {  	v29 =	vld [tilespmem:s6+$0x30]  }
0x26d: {  	v30 =	vld [tilespmem:s6+$0x20]  }
0x26e: {  	v31 =	vld [tilespmem:s6+$0x10]  }
0x26f: {  	v32 =	vld [tilespmem:s6+$0x0]  }
0x270: {  	v33 =	vmov s8;
	v34 =	vld [tilespmem:s6+$0xFFFFFFF0]  }
0x271: {  	v33 =	vand.u32 $0x7C, v33;
	v35 =	vld [tilespmem:s6+$0xFFFFFF90]  }
0x272: {  	v37 =	vadd.s32 v13, v33;
	v38 =	vadd.s32 v19, v33;
	v36 =	vld [tilespmem:s6+$0xFFFFFFA0]  }
0x273: {  	s9 =	sadd.s32 $0x1, s8;
	v40 =	vadd.s32 v17, v33;
	v39 =	vld [tilespmem:s6+$0xFFFFFFB0]  }
0x274: {  	v41 =	vmov s9;
	v33 =	vadd.s32 v18, v33;
	v42 =	vld [tilespmem:s6+$0xFFFFFFC0]  }
0x275: {  	v41 =	vand.u32 $0x7D, v41;
	v24 =	vadd.f32 v24, v20;
	v43 =	vld [tilespmem:s6+$0xFFFFFFD0]  }
0x276: {  	v45 =	vadd.s32 v13, v41;
	v44 =	vld [tilespmem:s6+$0xFFFFFFE0];
	v35 =	vadd.f32 v35, v21  }
0x277: {  	s9 =	sadd.s32 $0x2, s8;
	v36 =	vadd.f32 v36, v22;
	[tilespmem:v37+s31+$0x0] =	vst.idx.msk $0xffff, v24;
	v24 =	vadd.s32 v17, v41  }
0x278: {  	v37 =	vmov s9;
	v39 =	vadd.f32 v39, v23;
	[tilespmem:v40+s31+$0x0] =	vst.idx.msk $0xffff, v35;
	v35 =	vadd.s32 v18, v41  }
0x279: {  	v40 =	vadd.f32 v42, v20;
	[tilespmem:v33+s31+$0x0] =	vst.idx.msk $0xffff, v36;
	v33 =	vadd.s32 v19, v41;
	v36 =	vand.u32 $0x7E, v37  }
0x27a: {  	v37 =	vadd.f32 v43, v21;
	[tilespmem:v38+s31+$0x0] =	vst.idx.msk $0xffff, v39;
	v38 =	vadd.s32 v13, v36  }
0x27b: {  	s8 =	sadd.s32 $0x3, s8;
	v39 =	vadd.f32 v44, v22;
	[tilespmem:v45+s31+$0x0] =	vst.idx.msk $0xffff, v40;
	v40 =	vadd.s32 v17, v36  }
0x27c: {  	v34 =	vadd.f32 v34, v23;
	v41 =	vmov s8;
	[tilespmem:v24+s31+$0x0] =	vst.idx.msk $0xffff, v37;
	v24 =	vadd.s32 v18, v36  }
0x27d: {  	v32 =	vadd.f32 v32, v20;
	[tilespmem:v35+s31+$0x0] =	vst.idx.msk $0xffff, v39;
	v35 =	vadd.s32 v19, v36;
	v36 =	vand.u32 $0x7F, v41  }
0x27e: {  	v31 =	vadd.f32 v31, v21;
	[tilespmem:v33+s31+$0x0] =	vst.idx.msk $0xffff, v34;
	v33 =	vadd.s32 v13, v36  }
0x27f: {  	v30 =	vadd.f32 v30, v22;
	[tilespmem:v38+s31+$0x0] =	vst.idx.msk $0xffff, v32;
	v32 =	vadd.s32 v17, v36  }
0x280: {  	v29 =	vadd.f32 v29, v23;
	[tilespmem:v40+s31+$0x0] =	vst.idx.msk $0xffff, v31;
	v31 =	vadd.s32 v18, v36  }
.Ltmp7:
0x281: {  	v28 =	vadd.f32 v28, v20;
	[tilespmem:v24+s31+$0x0] =	vst.idx.msk $0xffff, v30;
	v24 =	vadd.s32 v19, v36;
	(pc) =	sbr.rel @p0 .LBB2_16-.Ltmp7, $4  }
0x282: {  	v27 =	vadd.f32 v27, v21;
	[tilespmem:v35+s31+$0x0] =	vst.idx.msk $0xffff, v29  }
0x283: {  	v26 =	vadd.f32 v26, v22;
	[tilespmem:v33+s31+$0x0] =	vst.idx.msk $0xffff, v28  }
0x284: {  	v25 =	vadd.f32 v25, v23;
	[tilespmem:v32+s31+$0x0] =	vst.idx.msk $0xffff, v27  }
0x285: {  	[tilespmem:v31+s31+$0x0] =	vst.idx.msk $0xffff, v26  }
0x286: {  	_ =	sdelay $0x3  }
0x287: {  	[tilespmem:v24+s31+$0x0] =	vst.idx.msk $0xffff, v25;
	s2 =	simm.s32 $0x9680;
	s13 =	rddreg [dreg:$0x7]  }
0x288: {  	[hbm4b:s13+s3] =	stream.linear.scatter [tilespmem:s2], [sflag:$0x4], $0x80, $0x38;
	[tilespmem:$0xB880] =	vst v63  }
0x289: {  	s8 =	simm.s32 $0x9708;
	s6 =	sadd.s32 $0x10, s13  }
0x28a: {  	[hbm4b:s6+s3] =	stream.linear.scatter [tilespmem:s8], [sflag:$0x4], $0x80, $0x38;
	[tilespmem:$0xB880] =	vst v63  }
0x28b: {  	s9 =	simm.s32 $0x9790;
	s14 =	simm.s32 $0x9818;
	s11 =	sadd.s32 $0x20, s13  }
0x28c: {  	[hbm4b:s11+s3] =	stream.linear.scatter [tilespmem:s9], [sflag:$0x4], $0x80, $0x38;
	[tilespmem:$0xB880] =	vst v63  }
0x28d: {  	s19 =	sadd.s32 $0x30, s13;
	s2 =	simm.s32 $0x440;
	s6 =	simm.s32 $0x98A0  }
0x28e: {  	[hbm4b:s19+s3] =	stream.linear.scatter [tilespmem:s14], [sflag:$0x4], $0x80, $0x38;
	[tilespmem:$0xB880] =	vst v63  }
0x28f: {  	s8 =	sadd.s32 $0x40, s13;
	s9 =	simm.s32 $0x9928;
	s11 =	sadd.s32 $0x50, s13  }
0x290: {  	[hbm4b:s8+s3] =	stream.linear.scatter [tilespmem:s6], [sflag:$0x4], $0x80, $0x38;
	[tilespmem:$0xB880] =	vst v63  }
0x291: {  	s14 =	simm.s32 $0x99B0;
	s19 =	sadd.s32 $0x60, s13;
	s8 =	simm.s32 $0x2200  }
0x292: {  	[hbm4b:s11+s3] =	stream.linear.scatter [tilespmem:s9], [sflag:$0x4], $0x80, $0x38;
	[tilespmem:$0xB880] =	vst v63  }
0x293: {  	s6 =	sadd.s32 $0x1000, s13;
	s9 =	simm.s32 $0x9A38;
	s11 =	sadd.s32 $0x70, s13  }
0x294: {  	[hbm4b:s19+s3] =	stream.linear.scatter [tilespmem:s14], [sflag:$0x4], $0x80, $0x38;
	[tilespmem:$0xB880] =	vst v63  }
.LBB2_18:
0x295: {  	[hbm4b:s11+s3] =	stream.linear.scatter [tilespmem:s9], [sflag:$0x4], $0x80, $0x38;
	[tilespmem:$0xB880] =	vst v63  }
0x296: {  	s9 =	smov.u32 s2;
	s2 =	smov.u32 s8  }
0x297: {  	s13 =	sadd.s32 $0x1100, s8;
	s2 =	sshra.s32 s2, $0x2;
	s11 =	sadd.s32 $0x9680, s9  }
0x298: {  	[hbm4b:s6+s3] =	stream.linear.scatter [tilespmem:s11], [sflag:$0x4], $0x80, $0x38;
	[tilespmem:$0xB880] =	vst v63  }
0x299: {  	p0 =	sne.s32 s8, $0x7700;
	s8 =	sadd.s32 $0x9708, s9;
	s11 =	sadd.s32 $0x10, s6  }
0x29a: {  	[hbm4b:s11+s3] =	stream.linear.scatter [tilespmem:s8], [sflag:$0x4], $0x80, $0x38;
	[tilespmem:$0xB880] =	vst v63  }
0x29b: {  	s8 =	sadd.s32 $0x9790, s9;
	s11 =	sadd.s32 $0x20, s6  }
0x29c: {  	[hbm4b:s11+s3] =	stream.linear.scatter [tilespmem:s8], [sflag:$0x4], $0x80, $0x38;
	[tilespmem:$0xB880] =	vst v63  }
0x29d: {  	s8 =	sadd.s32 $0x9818, s9;
	s11 =	sadd.s32 $0x30, s6  }
0x29e: {  	[hbm4b:s11+s3] =	stream.linear.scatter [tilespmem:s8], [sflag:$0x4], $0x80, $0x38;
	[tilespmem:$0xB880] =	vst v63  }
0x29f: {  	s8 =	sadd.s32 $0x98A0, s9;
	s11 =	sadd.s32 $0x40, s6  }
0x2a0: {  	[hbm4b:s11+s3] =	stream.linear.scatter [tilespmem:s8], [sflag:$0x4], $0x80, $0x38;
	[tilespmem:$0xB880] =	vst v63  }
.Ltmp8:
0x2a1: {  	s8 =	sadd.s32 $0x9928, s9;
	s11 =	sadd.s32 $0x50, s6;
	(pc) =	sbr.rel @p0 .LBB2_18-.Ltmp8, $4  }
0x2a2: {  	[hbm4b:s11+s3] =	stream.linear.scatter [tilespmem:s8], [sflag:$0x4], $0x80, $0x38;
	[tilespmem:$0xB880] =	vst v63  }
0x2a3: {  	s8 =	sadd.s32 $0x99B0, s9;
	s11 =	sadd.s32 $0x60, s6;
	s9 =	sadd.s32 $0x9A38, s9  }
0x2a4: {  	[hbm4b:s11+s3] =	stream.linear.scatter [tilespmem:s8], [sflag:$0x4], $0x80, $0x38;
	[tilespmem:$0xB880] =	vst v63  }
0x2a5: {  	s11 =	sadd.s32 $0x70, s6;
	s6 =	sadd.s32 $0x1000, s6;
	s8 =	smov.u32 s13  }
0x2a6: {  	[hbm4b:s11+s3] =	stream.linear.scatter [tilespmem:s9], [sflag:$0x4], $0x80, $0x38;
	[tilespmem:$0xB880] =	vst v63  }
0x2a7: {  	s8 =	sadd.s32 $0x9680, s2  }
0x2a8: {  	[hbm4b:s6+s3] =	stream.linear.scatter [tilespmem:s8], [sflag:$0x4], $0x80, $0x38;
	[tilespmem:$0xB880] =	vst v63  }
0x2a9: {  	s11 =	sadd.s32 $0x9708, s2;
	s13 =	sadd.s32 $0x10, s6  }
0x2aa: {  	[hbm4b:s13+s3] =	stream.linear.scatter [tilespmem:s11], [sflag:$0x4], $0x80, $0x38;
	[tilespmem:$0xB880] =	vst v63  }
0x2ab: {  	s14 =	sadd.s32 $0x9790, s2;
	s19 =	sadd.s32 $0x20, s6  }
0x2ac: {  	[hbm4b:s19+s3] =	stream.linear.scatter [tilespmem:s14], [sflag:$0x4], $0x80, $0x38;
	[tilespmem:$0xB880] =	vst v63  }
0x2ad: {  	s11 =	sadd.s32 $0x9818, s2;
	s13 =	sadd.s32 $0x30, s6  }
0x2ae: {  	[hbm4b:s13+s3] =	stream.linear.scatter [tilespmem:s11], [sflag:$0x4], $0x80, $0x38;
	[tilespmem:$0xB880] =	vst v63  }
0x2af: {  	s14 =	sadd.s32 $0x98A0, s2;
	s19 =	sadd.s32 $0x40, s6  }
0x2b0: {  	[hbm4b:s19+s3] =	stream.linear.scatter [tilespmem:s14], [sflag:$0x4], $0x80, $0x38;
	[tilespmem:$0xB880] =	vst v63  }
0x2b1: {  	s11 =	sadd.s32 $0x9928, s2;
	s13 =	sadd.s32 $0x50, s6  }
0x2b2: {  	[hbm4b:s13+s3] =	stream.linear.scatter [tilespmem:s11], [sflag:$0x4], $0x80, $0x38;
	[tilespmem:$0xB880] =	vst v63  }
0x2b3: {  	s14 =	sadd.s32 $0x99B0, s2;
	s19 =	sadd.s32 $0x60, s6  }
0x2b4: {  	[hbm4b:s19+s3] =	stream.linear.scatter [tilespmem:s14], [sflag:$0x4], $0x80, $0x38;
	[tilespmem:$0xB880] =	vst v63  }
0x2b5: {  	s11 =	sadd.s32 $0x9A38, s2;
	s13 =	sadd.s32 $0x70, s6  }
0x2b6: {  	[hbm4b:s13+s3] =	stream.linear.scatter [tilespmem:s11], [sflag:$0x4], $0x80, $0x38;
	[tilespmem:$0xB880] =	vst v63  }
0x2b7: {  	_ =	swait.ge [sflag:s29], $0x2000  }
0x2b8: {  	[sflag:s29] =	ssyncset.done $0x0  }
0x2b9: {  	[sflag:s29] =	ssyncadd.s32 $0xFFFFE000  }
0x2ba: {  	_ =	swait.ge [sflag:s0], $0x2000  }
0x2bb: {  	s14 =	rddreg [dreg:$0x9]  }
0x2bc: {  	s19 =	rddreg [dreg:$0x8];
	s6 =	sadd.s32 $0x1, s14  }
0x2bd: {  	p0 =	sne.s32 s6, s19  }
.Ltmp9:
0x2be: {  	_ = 	snop;
	(pc) =	sbr.rel @p0 .LBB2_1-.Ltmp9, $3  }
0x2bf: {  	_ =	sdelay $0x1  }
0x2c0: {  	[sflag:s0] =	ssyncset.done $0x0  }
0x2c1: {  	[sflag:s0] =	ssyncadd.s32 $0xFFFFE000  }
0x2c2: {  	_ =	sfence.sel $0x180000  }
0x2c3: {  	[bflag:$0x0] =	sbarrier.arrive $0xFFFF  }
0x2c4: {  	_ =	strace $0x90000047  }
0x2c5: {  	s0 =	stileid.u32;
	[bflag:$0x2] =	sbarrier.arrive $0xFFFF  }
0x2c6: {  	p0 =	sne.s32 s0, $0x0;
	s0 =	rddreg [dreg:$0x2]  }
0x2c7: {  	s0 =	sadd.s32 @!p0 $0x100000, s0  }
0x2c8: {  	[sflag:s0] =	ssyncadd.tile.s32 @!p0 $0x1;
	_ =	shalt  }
.Lfunc_end2:
_tile_overlayer_lowered:
.L_overlay_start_2:
0x2c9: {  	(tag) =	ssettag $0x2  }
0x2ca: {  	s0 =	rddreg [dreg:$0x0];
	s2 =	stileid.u32  }
0x2cb: {  	s1 =	rddreg [dreg:$0x1];
	p0 =	sne.s32 s2, $0x0  }
0x2cc: {  	s3 =	rddreg [dreg:$0x2];
	[bflag:$0x3] =	sbarrier.arrive $0xFFFF;
	s2 =	simm.s32 @!p0 $0x1C05  }
0x2cd: {  	[timem:s3], [sflag:s2] =	dma.local @!p0 [hbm:s0], s1  }
0x2ce: {  	s0 =	simm.s32 @!p0 $0x5  }
0x2cf: {  	_ =	swait.ge @!p0 [sflag:s0], s1  }
0x2d0: {  	s1 =	ssub.s32 @!p0 $0x0, s1;
	[sflag:s0] =	ssyncset.done @!p0 $0x0  }
0x2d1: {  	[sflag:s0] =	ssyncadd.s32 @!p0 s1  }
0x2d2: {  	[bflag:$0x3] =	sbarrier.arrive $0xFFFF  }
0x2d3: {  	_ =	shalt  }

</sc_bundles>
